<compile_context>
chip_gen: v7x
topology: tpu7x:2x2x1
jax: 0.10.2.dev20260603
libtpu: 0.0.44.dev20260713+nightly
codegen_flags: <defaults>
</compile_context>

<pallas_src>
import functools

import jax
import jax.numpy as jnp
from jax import lax
from jax.experimental import pallas as pl
from jax.experimental.pallas import tpu as pltpu
from jax.experimental.pallas import tpu_sc as plsc

N = 10000
E = 160000
D = 256
H = 256
FFN_H = 512
OUT = 1
G = 128
STEPS = 3

HALF = H // 2
NC, NS = 2, 16
KE = 128
NIT = 80
EPAD = NS * NIT * KE
RPT = 632
NPAD = RPT * NS
DUMP = N + 16

BR = 400
GRID = N // BR



@functools.cache
def _sc_mesh():
    return plsc.VectorSubcoreMesh(
        core_axis_name="c", subcore_axis_name="s",
        num_cores=NC, num_subcores=NS)


def _agg_body(h2, idx3, zeros, out, ib0, ib1, rb0, rb1, acc,
              si0, si1, sg0, sg1, ss0, ss1):
    c = lax.axis_index("c")
    s = lax.axis_index("s")
    row0 = s * RPT
    pltpu.sync_copy(zeros, acc.at[pl.ds(row0, RPT)])
    plsc.subcore_barrier()

    ib = (ib0, ib1)
    rb = (rb0, rb1)
    si = (si0, si1)
    sg = (sg0, sg1)
    ss = (ss0, ss1)
    tbase = (c * NS + s) * NIT

    def pair(j, carry):
        for b in range(2):
            @pl.when(j > 0)
            def _wait_prev_scatter(b=b):
                pltpu.make_async_copy(rb[b], acc.at[ib[b].at[1]], ss[b]).wait()
            pltpu.async_copy(idx3.at[2 * j + b + tbase], ib[b], si[b])
        for b in range(2):
            pltpu.make_async_copy(idx3.at[2 * j + b + tbase], ib[b],
                                  si[b]).wait()
            pltpu.async_copy(h2.at[ib[b].at[0]], rb[b], sg[b])
        for b in range(2):
            pltpu.make_async_copy(h2.at[ib[b].at[0]], rb[b], sg[b]).wait()
            pltpu.async_copy(rb[b], acc.at[ib[b].at[1]], ss[b], add=True)
        return carry

    lax.fori_loop(0, NIT // 2, pair, 0)
    for b in range(2):
        pltpu.make_async_copy(rb[b], acc.at[ib[b].at[1]], ss[b]).wait()
    plsc.subcore_barrier()
    pltpu.sync_copy(acc.at[pl.ds(row0, RPT)],
                    out.at[pl.ds(c * NPAD + row0, RPT)])


@functools.cache
def _agg_kernel():
    return pl.kernel(
        _agg_body,
        out_type=jax.ShapeDtypeStruct((2 * NPAD, HALF), jnp.float32),
        mesh=_sc_mesh(),
        scratch_types=[
            pltpu.VMEM((2, KE), jnp.int32),
            pltpu.VMEM((2, KE), jnp.int32),
            pltpu.VMEM((KE, HALF), jnp.float32),
            pltpu.VMEM((KE, HALF), jnp.float32),
            pltpu.VMEM_SHARED((NPAD, HALF), jnp.float32),
            pltpu.SemaphoreType.DMA,
            pltpu.SemaphoreType.DMA,
            pltpu.SemaphoreType.DMA,
            pltpu.SemaphoreType.DMA,
            pltpu.SemaphoreType.DMA,
            pltpu.SemaphoreType.DMA,
        ],
    )


def _agg(h2, idx3, zeros):
    return _agg_kernel()(h2, idx3, zeros)



def _proj_body(x_ref, w_ref, o_ref):
    h = jnp.maximum(
        jnp.dot(x_ref[...], w_ref[...], preferred_element_type=jnp.float32), 0.0)
    o_ref[0] = h[:, :HALF]
    o_ref[1] = h[:, HALF:]


def _proj(x, w):
    return pl.pallas_call(
        _proj_body,
        grid=(GRID,),
        in_specs=[
            pl.BlockSpec((BR, D), lambda i: (i, 0)),
            pl.BlockSpec((D, H), lambda i: (0, 0)),
        ],
        out_specs=pl.BlockSpec((2, BR, HALF), lambda i: (0, i, 0)),
        out_shape=jax.ShapeDtypeStruct((2, N, HALF), jnp.float32),
    )(x, w)


def _wmu_body(wm_ref, wu_ref, o_ref):
    o_ref[...] = jnp.dot(
        wm_ref[...], wu_ref[...], preferred_element_type=jnp.float32)


def _wmu(wm, wu):
    return pl.pallas_call(
        _wmu_body,
        out_shape=jax.ShapeDtypeStruct((H, H), jnp.float32),
    )(wm, wu)


def _update_body(a_ref, h0_ref, wmu_ref, o_ref):
    a = jnp.concatenate([a_ref[0], a_ref[1]], axis=1)
    h0 = jnp.concatenate([h0_ref[0], h0_ref[1]], axis=1)
    h = jnp.maximum(
        h0 + jnp.dot(a, wmu_ref[...], preferred_element_type=jnp.float32), 0.0)
    o_ref[0] = h[:, :HALF]
    o_ref[1] = h[:, HALF:]


def _update(a3, h03, wmu):
    return pl.pallas_call(
        _update_body,
        grid=(GRID,),
        in_specs=[
            pl.BlockSpec((2, BR, HALF), lambda i: (0, i, 0)),
            pl.BlockSpec((2, BR, HALF), lambda i: (0, i, 0)),
            pl.BlockSpec((H, H), lambda i: (0, 0)),
        ],
        out_specs=pl.BlockSpec((2, BR, HALF), lambda i: (0, i, 0)),
        out_shape=jax.ShapeDtypeStruct((2, N, HALF), jnp.float32),
    )(a3, h03, wmu)


def _drug_readout_body(h_ref, b_ref, wq_ref, q_ref):
    h = jnp.concatenate([h_ref[0], h_ref[1]], axis=1)
    oh = (b_ref[...] == lax.broadcasted_iota(jnp.int32, (N, G), 1)
          ).astype(jnp.float32)
    sums = lax.dot_general(oh, h, (((0,), (0,)), ((), ())),
                           preferred_element_type=jnp.float32)
    cnt = lax.dot_general(oh, jnp.ones((N, 1), jnp.float32),
                          (((0,), (0,)), ((), ())),
                          preferred_element_type=jnp.float32)
    emb = sums / jnp.maximum(cnt, 1.0)
    q_ref[...] = jnp.dot(emb, wq_ref[...],
                         preferred_element_type=jnp.float32)


def _drug_readout(h3, b2d, wq):
    return pl.pallas_call(
        _drug_readout_body,
        out_shape=jax.ShapeDtypeStruct((G, H), jnp.float32),
    )(h3, b2d, wq)


def _cmpd_readout_body(h_ref, b_ref, q_ref, w1_ref, b1_ref, w2_ref, b2_ref,
                       out_ref, ent_ref):
    h = jnp.concatenate([h_ref[0], h_ref[1]], axis=1)
    mask = b_ref[...] == lax.broadcasted_iota(jnp.int32, (N, G), 1)
    oh = mask.astype(jnp.float32)
    qb = jnp.dot(oh, q_ref[...], preferred_element_type=jnp.float32)
    scores = jnp.sum(h * qb, axis=1, keepdims=True)
    masked = jnp.where(mask, scores, -1e30)
    smax = jnp.max(masked, axis=0, keepdims=True)
    srow = jnp.sum(oh * smax, axis=1, keepdims=True)
    p = jnp.exp(scores - srow)
    denom = lax.dot_general(oh, p, (((0,), (0,)), ((), ())),
                            preferred_element_type=jnp.float32)
    attn = p / jnp.dot(oh, denom, preferred_element_type=jnp.float32)
    emb = lax.dot_general(oh, attn * h, (((0,), (0,)), ((), ())),
                          preferred_element_type=jnp.float32)
    plogp = attn * jnp.log(attn + 1e-12)
    ent = -lax.dot_general(oh, plogp, (((0,), (0,)), ((), ())),
                           preferred_element_type=jnp.float32)
    hid = jnp.maximum(
        jnp.dot(emb, w1_ref[...], preferred_element_type=jnp.float32)
        + b1_ref[...], 0.0)
    out = (jnp.dot(hid, w2_ref[...], preferred_element_type=jnp.float32)
           + b2_ref[...])
    out_ref[...] = jax.nn.sigmoid(out)
    ent_ref[...] = ent


def _cmpd_readout(h3, b2d, q, w1, b1, w2, b2):
    return pl.pallas_call(
        _cmpd_readout_body,
        out_shape=(
            jax.ShapeDtypeStruct((G, OUT), jnp.float32),
            jax.ShapeDtypeStruct((G, 1), jnp.float32),
        ),
    )(h3, b2d, q, w1, b1, w2, b2)



def _edge_blocks(src, dst):
    pad = EPAD - E
    src_pad = jnp.concatenate([src, jnp.zeros((pad,), jnp.int32)])
    dst_pad = jnp.concatenate([dst, jnp.full((pad,), DUMP, jnp.int32)])
    s4 = jnp.stack([src_pad, src_pad + N]).reshape(2, NS, NIT, KE)
    d4 = jnp.broadcast_to(dst_pad.reshape(1, NS, NIT, KE), (2, NS, NIT, KE))
    return jnp.stack([s4, d4], axis=3).reshape(2 * NS * NIT, 2, KE)


def _encoder(x, src, dst, w_in, wmu, zeros):
    h03 = _proj(x, w_in)
    idx3 = _edge_blocks(src, dst)
    h3 = h03
    for _ in range(STEPS):
        a2 = _agg(h3.reshape(2 * N, HALF), idx3, zeros)
        h3 = _update(a2.reshape(2, NPAD, HALF), h03, wmu)
    return h3


def kernel(x_drug, x_cmpd, edge_index_drug, edge_index_cmpd, batch_drug,
           batch_cmpd, W_in_d, W_msg_d, W_upd_d, W_in_c, W_msg_c, W_upd_c,
           W_q, W1, b1, W2, b2):
    zeros = jnp.zeros((RPT, HALF), jnp.float32)
    wmu_d = _wmu(W_msg_d, W_upd_d)
    wmu_c = _wmu(W_msg_c, W_upd_c)
    h_d = _encoder(x_drug, edge_index_drug[0], edge_index_drug[1],
                   W_in_d, wmu_d, zeros)
    x_cmpd = x_cmpd + 0.0 * h_d[0, 0, 0]
    h_c = _encoder(x_cmpd, edge_index_cmpd[0], edge_index_cmpd[1],
                   W_in_c, wmu_c, zeros)
    q = _drug_readout(h_d, batch_drug.reshape(N, 1), W_q)
    out, ent = _cmpd_readout(h_c, batch_cmpd.reshape(N, 1), q,
                             W1, b1.reshape(1, FFN_H), W2, b2.reshape(1, OUT))
    return (out, ent[:, 0])

# --- scband reference (transcript-rebuilt; emitter-appended) ---
"""Pipeline reference for scband-molecule-model-32272384262752 (READ-ONLY COPY).

The authoritative reference and input builder live on the scoring server;
editing this copy changes nothing except your own understanding.
"""

import jax, jax.numpy as jnp
import numpy as np

N = 10000
E = 160000
D = 256
H = 256
FFN_H = 512
OUT = 1
G = 128
STEPS = 3


def setup_inputs(seed: int = 0):
    key = jax.random.key(seed)
    ks = jax.random.split(key, 16)

    def w(k, shape, fan_in):
        return jax.random.normal(k, shape, dtype=jnp.float32) / np.sqrt(fan_in)

    inp = {
        "x_drug": jax.random.normal(ks[0], (N, D), dtype=jnp.float32),
        "x_cmpd": jax.random.normal(ks[1], (N, D), dtype=jnp.float32),
        "edge_index_drug": jax.random.randint(ks[2], (2, E), 0, N, dtype=jnp.int32),
        "edge_index_cmpd": jax.random.randint(ks[3], (2, E), 0, N, dtype=jnp.int32),
        "batch_drug": jnp.sort(jax.random.randint(ks[4], (N,), 0, G, dtype=jnp.int32)),
        "batch_cmpd": jnp.sort(jax.random.randint(ks[5], (N,), 0, G, dtype=jnp.int32)),
        "W_in_d": w(ks[6], (D, H), D),
        "W_msg_d": w(ks[7], (H, H), H),
        "W_upd_d": w(ks[8], (H, H), H),
        "W_in_c": w(ks[9], (D, H), D),
        "W_msg_c": w(ks[10], (H, H), H),
        "W_upd_c": w(ks[11], (H, H), H),
        "W_q": w(ks[12], (H, H), H),
        "W1": w(ks[13], (H, FFN_H), H),
        "b1": jnp.zeros((FFN_H,), dtype=jnp.float32),
        "W2": w(ks[14], (FFN_H, OUT), FFN_H),
        "b2": jnp.zeros((OUT,), dtype=jnp.float32),
    }
    return inp


def _mpn(x, src, dst, W_in, W_msg, W_upd):
    # message passing encoder: project, then STEPS rounds of gather->matmul->scatter-add->update
    h0 = jax.nn.relu(x @ W_in)
    h = h0
    for _ in range(STEPS):
        msg = h[src] @ W_msg
        agg = jax.ops.segment_sum(msg, dst, num_segments=N)
        h = jax.nn.relu(h0 + agg @ W_upd)
    return h


def reference(x_drug, x_cmpd, edge_index_drug, edge_index_cmpd, batch_drug, batch_cmpd,
              W_in_d, W_msg_d, W_upd_d, W_in_c, W_msg_c, W_upd_c, W_q, W1, b1, W2, b2):
    # drug encoder: mean readout per molecule
    h_d = _mpn(x_drug, edge_index_drug[0], edge_index_drug[1], W_in_d, W_msg_d, W_upd_d)
    sums = jax.ops.segment_sum(h_d, batch_drug, num_segments=G)
    cnt = jax.ops.segment_sum(jnp.ones((N,), jnp.float32), batch_drug, num_segments=G)
    drug_emb = sums / jnp.maximum(cnt, 1.0)[:, None]
    # compound encoder: attention readout conditioned on drug embedding (readout_embed)
    h_c = _mpn(x_cmpd, edge_index_cmpd[0], edge_index_cmpd[1], W_in_c, W_msg_c, W_upd_c)
    q = drug_emb @ W_q
    scores = jnp.sum(h_c * q[batch_cmpd], axis=1)
    smax = jax.ops.segment_max(scores, batch_cmpd, num_segments=G)
    p = jnp.exp(scores - smax[batch_cmpd])
    denom = jax.ops.segment_sum(p, batch_cmpd, num_segments=G)
    attn = p / denom[batch_cmpd]
    cmpd_emb = jax.ops.segment_sum(attn[:, None] * h_c, batch_cmpd, num_segments=G)
    entropy = -jax.ops.segment_sum(attn * jnp.log(attn + 1e-12), batch_cmpd, num_segments=G)
    # FFN head (dropout is identity at eval)
    hidden = jax.nn.relu(cmpd_emb @ W1 + b1)
    out = hidden @ W2 + b2
    # output_raw=True -> sigmoid activation applied at eval time (not self.training)
    out = jax.nn.sigmoid(out)
    return (out, entropy)

if __name__ == "__main__":
    import jax
    _d = setup_inputs()
    print(jax.jit(kernel)(*tuple(_d.values())))

</pallas_src>

<mosaic_0001>
#map = affine_map<(d0, d1) -> (0, 0)>
#map1 = affine_map<(d0, d1) -> (0, 0, 0)>
module attributes {stable_mosaic.version = 14 : i64} {
  func.func @_agg_body(%arg0: i32, %arg1: i32, %arg2: memref<20000x128xf32, #tpu.memory_space<hbm>>, %arg3: memref<2560x2x128xi32, #tpu.memory_space<hbm>>, %arg4: memref<632x128xf32, #tpu.memory_space<hbm>>, %arg5: memref<20224x128xf32, #tpu.memory_space<hbm>>, %arg6: memref<2x128xi32, #tpu.memory_space<vmem>>, %arg7: memref<2x128xi32, #tpu.memory_space<vmem>>, %arg8: memref<128x128xf32, #tpu.memory_space<vmem>>, %arg9: memref<128x128xf32, #tpu.memory_space<vmem>>, %arg10: memref<10112x128xf32, #tpu.memory_space<vmem_shared>>, %arg11: memref<!tpu.dma_semaphore, #tpu.memory_space<semaphore_mem>>, %arg12: memref<!tpu.dma_semaphore, #tpu.memory_space<semaphore_mem>>, %arg13: memref<!tpu.dma_semaphore, #tpu.memory_space<semaphore_mem>>, %arg14: memref<!tpu.dma_semaphore, #tpu.memory_space<semaphore_mem>>, %arg15: memref<!tpu.dma_semaphore, #tpu.memory_space<semaphore_mem>>, %arg16: memref<!tpu.dma_semaphore, #tpu.memory_space<semaphore_mem>>) attributes {dimension_semantics = [#tpu.dimension_semantics<core_parallel>, #tpu.dimension_semantics<subcore_parallel>], iteration_bounds = array<i64: 2, 16>, scalar_prefetch = 0 : i64, scratch_operands = 11 : i64, tpu.core_type = #tpu.core_type<sc_vector_subcore>, window_params = [{transform_indices = #map}, {transform_indices = #map1}, {transform_indices = #map}, {transform_indices = #map}]} {
    %mul3A = arith.constant 632 : i32
    %mul3A_0 = arith.muli %arg1, %mul3A : i32
    "tpu.region"() ({
      %run_scoped3A = tpu.sem_alloc : memref<!tpu.dma_semaphore, #tpu.memory_space<semaphore_mem>>
      %dma_start3A = arith.constant 0 : i32
      %dma_start3A_27 = tpu.memref_slice %arg10[%mul3A_0, %dma_start3A] : memref<10112x128xf32, #tpu.memory_space<vmem_shared>> -> memref<632x128xf32, #tpu.memory_space<vmem_shared>>
      tpu.enqueue_dma source(%arg4 : memref<632x128xf32, #tpu.memory_space<hbm>>) target(%dma_start3A_27 : memref<632x128xf32, #tpu.memory_space<vmem_shared>>) target_semaphore(%run_scoped3A : memref<!tpu.dma_semaphore, #tpu.memory_space<semaphore_mem>>)
      %dma_wait3A_28 = arith.constant 0 : i32
      %dma_wait3A_29 = tpu.memref_slice %arg10[%mul3A_0, %dma_wait3A_28] : memref<10112x128xf32, #tpu.memory_space<vmem_shared>> -> memref<632x128xf32, #tpu.memory_space<vmem_shared>>
      tpu.wait_dma2 semaphore(%run_scoped3A : memref<!tpu.dma_semaphore, #tpu.memory_space<semaphore_mem>>) src(%arg4 : memref<632x128xf32, #tpu.memory_space<hbm>>) dst(%dma_wait3A_29 : memref<632x128xf32, #tpu.memory_space<vmem_shared>>)
      tpu.yield
    }) : () -> ()
    %barrier3A = arith.constant 0 : index
    tpu.barrier barrier_id(%barrier3A)
    %mul3A_1 = arith.constant 16 : i32
    %mul3A_2 = arith.muli %arg0, %mul3A_1 : i32
    %add3A = arith.addi %mul3A_2, %arg1 : i32
    %mul3A_3 = arith.constant 80 : i32
    %mul3A_4 = arith.muli %add3A, %mul3A_3 : i32
    %scan3A = arith.constant 0 : i32
    %scan3A_5 = arith.constant 0 : i32
    %scan3A_6 = arith.constant 40 : i32
    %scan3A_7 = arith.addi %scan3A_5, %scan3A_6 : i32
    %scan3A_8 = arith.constant 1 : i32
    scf.for %scan3A_27 = %scan3A_5 to %scan3A_7 step %scan3A_8  : i32 {
      %gt3A = arith.constant 0 : i32
      %gt3A_28 = arith.cmpi sgt, %scan3A_27, %gt3A : i32
      %convert_element_type3A = arith.extui %gt3A_28 : i1 to i32
      %cond3A = arith.constant 0 : i32
      %cond3A_29 = arith.cmpi ne, %convert_element_type3A, %cond3A : i32
      scf.if %cond3A_29 {
        %dma_wait3A_128 = arith.constant 1 : i32
        %dma_wait3A_129 = arith.constant 0 : i32
        %dma_wait3A_130 = tpu.memref_slice %arg6[%dma_wait3A_128, %dma_wait3A_129] : memref<2x128xi32, #tpu.memory_space<vmem>> -> memref<1x128xi32, #tpu.memory_space<vmem>>
        %dma_wait3A_131 = tpu.memref_squeeze %dma_wait3A_130 : memref<1x128xi32, #tpu.memory_space<vmem>> -> memref<128xi32, #tpu.memory_space<vmem>>
        %dma_wait3A_132 = arith.constant 0 : i32
        %dma_wait3A_133 = arith.constant 0 : i32
        %dma_wait3A_134 = tpu.memref_slice %arg10[%dma_wait3A_132, %dma_wait3A_133] : memref<10112x128xf32, #tpu.memory_space<vmem_shared>> -> memref<10112x128xf32, #tpu.memory_space<vmem_shared>>
        tpu.wait_indirect_dma semaphore(%arg15 : memref<!tpu.dma_semaphore, #tpu.memory_space<semaphore_mem>>) src(%arg8 : memref<128x128xf32, #tpu.memory_space<vmem>>) dst(%dma_wait3A_134 : memref<10112x128xf32, #tpu.memory_space<vmem_shared>>)
      } else {
      }
      %mul3A_30 = arith.constant 2 : i32
      %mul3A_31 = arith.muli %mul3A_30, %scan3A_27 : i32
      %add3A_32 = arith.constant 0 : i32
      %add3A_33 = arith.addi %mul3A_31, %add3A_32 : i32
      %add3A_34 = arith.addi %add3A_33, %mul3A_4 : i32
      %dma_start3A = arith.constant 0 : i32
      %dma_start3A_35 = arith.constant 0 : i32
      %dma_start3A_36 = tpu.memref_slice %arg3[%add3A_34, %dma_start3A, %dma_start3A_35] : memref<2560x2x128xi32, #tpu.memory_space<hbm>> -> memref<1x2x128xi32, #tpu.memory_space<hbm>>
      %dma_start3A_37 = tpu.memref_squeeze %dma_start3A_36 : memref<1x2x128xi32, #tpu.memory_space<hbm>> -> memref<2x128xi32, #tpu.memory_space<hbm>>
      %dma_start3A_38 = arith.constant 0 : i32
      %dma_start3A_39 = arith.constant 0 : i32
      %dma_start3A_40 = tpu.memref_slice %arg3[%add3A_34, %dma_start3A_38, %dma_start3A_39] : memref<2560x2x128xi32, #tpu.memory_space<hbm>> -> memref<1x2x128xi32, #tpu.memory_space<hbm>>
      %dma_start3A_41 = tpu.memref_squeeze %dma_start3A_40 : memref<1x2x128xi32, #tpu.memory_space<hbm>> -> memref<2x128xi32, #tpu.memory_space<hbm>>
      tpu.enqueue_dma source(%dma_start3A_41 : memref<2x128xi32, #tpu.memory_space<hbm>>) target(%arg6 : memref<2x128xi32, #tpu.memory_space<vmem>>) target_semaphore(%arg11 : memref<!tpu.dma_semaphore, #tpu.memory_space<semaphore_mem>>)
      %gt3A_42 = arith.constant 0 : i32
      %gt3A_43 = arith.cmpi sgt, %scan3A_27, %gt3A_42 : i32
      %convert_element_type3A_44 = arith.extui %gt3A_43 : i1 to i32
      %cond3A_45 = arith.constant 0 : i32
      %cond3A_46 = arith.cmpi ne, %convert_element_type3A_44, %cond3A_45 : i32
      scf.if %cond3A_46 {
        %dma_wait3A_128 = arith.constant 1 : i32
        %dma_wait3A_129 = arith.constant 0 : i32
        %dma_wait3A_130 = tpu.memref_slice %arg7[%dma_wait3A_128, %dma_wait3A_129] : memref<2x128xi32, #tpu.memory_space<vmem>> -> memref<1x128xi32, #tpu.memory_space<vmem>>
        %dma_wait3A_131 = tpu.memref_squeeze %dma_wait3A_130 : memref<1x128xi32, #tpu.memory_space<vmem>> -> memref<128xi32, #tpu.memory_space<vmem>>
        %dma_wait3A_132 = arith.constant 0 : i32
        %dma_wait3A_133 = arith.constant 0 : i32
        %dma_wait3A_134 = tpu.memref_slice %arg10[%dma_wait3A_132, %dma_wait3A_133] : memref<10112x128xf32, #tpu.memory_space<vmem_shared>> -> memref<10112x128xf32, #tpu.memory_space<vmem_shared>>
        tpu.wait_indirect_dma semaphore(%arg16 : memref<!tpu.dma_semaphore, #tpu.memory_space<semaphore_mem>>) src(%arg9 : memref<128x128xf32, #tpu.memory_space<vmem>>) dst(%dma_wait3A_134 : memref<10112x128xf32, #tpu.memory_space<vmem_shared>>)
      } else {
      }
      %mul3A_47 = arith.constant 2 : i32
      %mul3A_48 = arith.muli %mul3A_47, %scan3A_27 : i32
      %add3A_49 = arith.constant 1 : i32
      %add3A_50 = arith.addi %mul3A_48, %add3A_49 : i32
      %add3A_51 = arith.addi %add3A_50, %mul3A_4 : i32
      %dma_start3A_52 = arith.constant 0 : i32
      %dma_start3A_53 = arith.constant 0 : i32
      %dma_start3A_54 = tpu.memref_slice %arg3[%add3A_51, %dma_start3A_52, %dma_start3A_53] : memref<2560x2x128xi32, #tpu.memory_space<hbm>> -> memref<1x2x128xi32, #tpu.memory_space<hbm>>
      %dma_start3A_55 = tpu.memref_squeeze %dma_start3A_54 : memref<1x2x128xi32, #tpu.memory_space<hbm>> -> memref<2x128xi32, #tpu.memory_space<hbm>>
      %dma_start3A_56 = arith.constant 0 : i32
      %dma_start3A_57 = arith.constant 0 : i32
      %dma_start3A_58 = tpu.memref_slice %arg3[%add3A_51, %dma_start3A_56, %dma_start3A_57] : memref<2560x2x128xi32, #tpu.memory_space<hbm>> -> memref<1x2x128xi32, #tpu.memory_space<hbm>>
      %dma_start3A_59 = tpu.memref_squeeze %dma_start3A_58 : memref<1x2x128xi32, #tpu.memory_space<hbm>> -> memref<2x128xi32, #tpu.memory_space<hbm>>
      tpu.enqueue_dma source(%dma_start3A_59 : memref<2x128xi32, #tpu.memory_space<hbm>>) target(%arg7 : memref<2x128xi32, #tpu.memory_space<vmem>>) target_semaphore(%arg12 : memref<!tpu.dma_semaphore, #tpu.memory_space<semaphore_mem>>)
      %mul3A_60 = arith.constant 2 : i32
      %mul3A_61 = arith.muli %mul3A_60, %scan3A_27 : i32
      %add3A_62 = arith.constant 0 : i32
      %add3A_63 = arith.addi %mul3A_61, %add3A_62 : i32
      %add3A_64 = arith.addi %add3A_63, %mul3A_4 : i32
      %dma_wait3A_65 = arith.constant 0 : i32
      %dma_wait3A_66 = arith.constant 0 : i32
      %dma_wait3A_67 = tpu.memref_slice %arg3[%add3A_64, %dma_wait3A_65, %dma_wait3A_66] : memref<2560x2x128xi32, #tpu.memory_space<hbm>> -> memref<1x2x128xi32, #tpu.memory_space<hbm>>
      %dma_wait3A_68 = tpu.memref_squeeze %dma_wait3A_67 : memref<1x2x128xi32, #tpu.memory_space<hbm>> -> memref<2x128xi32, #tpu.memory_space<hbm>>
      %dma_wait3A_69 = arith.constant 0 : i32
      %dma_wait3A_70 = arith.constant 0 : i32
      %dma_wait3A_71 = tpu.memref_slice %arg3[%add3A_64, %dma_wait3A_69, %dma_wait3A_70] : memref<2560x2x128xi32, #tpu.memory_space<hbm>> -> memref<1x2x128xi32, #tpu.memory_space<hbm>>
      %dma_wait3A_72 = tpu.memref_squeeze %dma_wait3A_71 : memref<1x2x128xi32, #tpu.memory_space<hbm>> -> memref<2x128xi32, #tpu.memory_space<hbm>>
      tpu.wait_dma2 semaphore(%arg11 : memref<!tpu.dma_semaphore, #tpu.memory_space<semaphore_mem>>) src(%dma_wait3A_72 : memref<2x128xi32, #tpu.memory_space<hbm>>) dst(%arg6 : memref<2x128xi32, #tpu.memory_space<vmem>>)
      %dma_start3A_73 = arith.constant 0 : i32
      %dma_start3A_74 = arith.constant 0 : i32
      %dma_start3A_75 = tpu.memref_slice %arg6[%dma_start3A_73, %dma_start3A_74] : memref<2x128xi32, #tpu.memory_space<vmem>> -> memref<1x128xi32, #tpu.memory_space<vmem>>
      %dma_start3A_76 = tpu.memref_squeeze %dma_start3A_75 : memref<1x128xi32, #tpu.memory_space<vmem>> -> memref<128xi32, #tpu.memory_space<vmem>>
      %dma_start3A_77 = arith.constant 0 : i32
      %dma_start3A_78 = arith.constant 0 : i32
      %dma_start3A_79 = tpu.memref_slice %arg2[%dma_start3A_77, %dma_start3A_78] : memref<20000x128xf32, #tpu.memory_space<hbm>> -> memref<20000x128xf32, #tpu.memory_space<hbm>>
      tpu.enqueue_indirect_dma source(%dma_start3A_79 : memref<20000x128xf32, #tpu.memory_space<hbm>>) target(%arg8 : memref<128x128xf32, #tpu.memory_space<vmem>>) offsets(%dma_start3A_76 : memref<128xi32, #tpu.memory_space<vmem>>) semaphore(%arg13 : memref<!tpu.dma_semaphore, #tpu.memory_space<semaphore_mem>>)
      %mul3A_80 = arith.constant 2 : i32
      %mul3A_81 = arith.muli %mul3A_80, %scan3A_27 : i32
      %add3A_82 = arith.constant 1 : i32
      %add3A_83 = arith.addi %mul3A_81, %add3A_82 : i32
      %add3A_84 = arith.addi %add3A_83, %mul3A_4 : i32
      %dma_wait3A_85 = arith.constant 0 : i32
      %dma_wait3A_86 = arith.constant 0 : i32
      %dma_wait3A_87 = tpu.memref_slice %arg3[%add3A_84, %dma_wait3A_85, %dma_wait3A_86] : memref<2560x2x128xi32, #tpu.memory_space<hbm>> -> memref<1x2x128xi32, #tpu.memory_space<hbm>>
      %dma_wait3A_88 = tpu.memref_squeeze %dma_wait3A_87 : memref<1x2x128xi32, #tpu.memory_space<hbm>> -> memref<2x128xi32, #tpu.memory_space<hbm>>
      %dma_wait3A_89 = arith.constant 0 : i32
      %dma_wait3A_90 = arith.constant 0 : i32
      %dma_wait3A_91 = tpu.memref_slice %arg3[%add3A_84, %dma_wait3A_89, %dma_wait3A_90] : memref<2560x2x128xi32, #tpu.memory_space<hbm>> -> memref<1x2x128xi32, #tpu.memory_space<hbm>>
      %dma_wait3A_92 = tpu.memref_squeeze %dma_wait3A_91 : memref<1x2x128xi32, #tpu.memory_space<hbm>> -> memref<2x128xi32, #tpu.memory_space<hbm>>
      tpu.wait_dma2 semaphore(%arg12 : memref<!tpu.dma_semaphore, #tpu.memory_space<semaphore_mem>>) src(%dma_wait3A_92 : memref<2x128xi32, #tpu.memory_space<hbm>>) dst(%arg7 : memref<2x128xi32, #tpu.memory_space<vmem>>)
      %dma_start3A_93 = arith.constant 0 : i32
      %dma_start3A_94 = arith.constant 0 : i32
      %dma_start3A_95 = tpu.memref_slice %arg7[%dma_start3A_93, %dma_start3A_94] : memref<2x128xi32, #tpu.memory_space<vmem>> -> memref<1x128xi32, #tpu.memory_space<vmem>>
      %dma_start3A_96 = tpu.memref_squeeze %dma_start3A_95 : memref<1x128xi32, #tpu.memory_space<vmem>> -> memref<128xi32, #tpu.memory_space<vmem>>
      %dma_start3A_97 = arith.constant 0 : i32
      %dma_start3A_98 = arith.constant 0 : i32
      %dma_start3A_99 = tpu.memref_slice %arg2[%dma_start3A_97, %dma_start3A_98] : memref<20000x128xf32, #tpu.memory_space<hbm>> -> memref<20000x128xf32, #tpu.memory_space<hbm>>
      tpu.enqueue_indirect_dma source(%dma_start3A_99 : memref<20000x128xf32, #tpu.memory_space<hbm>>) target(%arg9 : memref<128x128xf32, #tpu.memory_space<vmem>>) offsets(%dma_start3A_96 : memref<128xi32, #tpu.memory_space<vmem>>) semaphore(%arg14 : memref<!tpu.dma_semaphore, #tpu.memory_space<semaphore_mem>>)
      %dma_wait3A_100 = arith.constant 0 : i32
      %dma_wait3A_101 = arith.constant 0 : i32
      %dma_wait3A_102 = tpu.memref_slice %arg6[%dma_wait3A_100, %dma_wait3A_101] : memref<2x128xi32, #tpu.memory_space<vmem>> -> memref<1x128xi32, #tpu.memory_space<vmem>>
      %dma_wait3A_103 = tpu.memref_squeeze %dma_wait3A_102 : memref<1x128xi32, #tpu.memory_space<vmem>> -> memref<128xi32, #tpu.memory_space<vmem>>
      %dma_wait3A_104 = arith.constant 0 : i32
      %dma_wait3A_105 = arith.constant 0 : i32
      %dma_wait3A_106 = tpu.memref_slice %arg2[%dma_wait3A_104, %dma_wait3A_105] : memref<20000x128xf32, #tpu.memory_space<hbm>> -> memref<20000x128xf32, #tpu.memory_space<hbm>>
      tpu.wait_indirect_dma semaphore(%arg13 : memref<!tpu.dma_semaphore, #tpu.memory_space<semaphore_mem>>) src(%dma_wait3A_106 : memref<20000x128xf32, #tpu.memory_space<hbm>>) dst(%arg8 : memref<128x128xf32, #tpu.memory_space<vmem>>)
      %dma_start3A_107 = arith.constant 1 : i32
      %dma_start3A_108 = arith.constant 0 : i32
      %dma_start3A_109 = tpu.memref_slice %arg6[%dma_start3A_107, %dma_start3A_108] : memref<2x128xi32, #tpu.memory_space<vmem>> -> memref<1x128xi32, #tpu.memory_space<vmem>>
      %dma_start3A_110 = tpu.memref_squeeze %dma_start3A_109 : memref<1x128xi32, #tpu.memory_space<vmem>> -> memref<128xi32, #tpu.memory_space<vmem>>
      %dma_start3A_111 = arith.constant 0 : i32
      %dma_start3A_112 = arith.constant 0 : i32
      %dma_start3A_113 = tpu.memref_slice %arg10[%dma_start3A_111, %dma_start3A_112] : memref<10112x128xf32, #tpu.memory_space<vmem_shared>> -> memref<10112x128xf32, #tpu.memory_space<vmem_shared>>
      tpu.enqueue_indirect_dma source(%arg8 : memref<128x128xf32, #tpu.memory_space<vmem>>) target(%dma_start3A_113 : memref<10112x128xf32, #tpu.memory_space<vmem_shared>>) offsets(%dma_start3A_110 : memref<128xi32, #tpu.memory_space<vmem>>) semaphore(%arg15 : memref<!tpu.dma_semaphore, #tpu.memory_space<semaphore_mem>>) {add = true}
      %dma_wait3A_114 = arith.constant 0 : i32
      %dma_wait3A_115 = arith.constant 0 : i32
      %dma_wait3A_116 = tpu.memref_slice %arg7[%dma_wait3A_114, %dma_wait3A_115] : memref<2x128xi32, #tpu.memory_space<vmem>> -> memref<1x128xi32, #tpu.memory_space<vmem>>
      %dma_wait3A_117 = tpu.memref_squeeze %dma_wait3A_116 : memref<1x128xi32, #tpu.memory_space<vmem>> -> memref<128xi32, #tpu.memory_space<vmem>>
      %dma_wait3A_118 = arith.constant 0 : i32
      %dma_wait3A_119 = arith.constant 0 : i32
      %dma_wait3A_120 = tpu.memref_slice %arg2[%dma_wait3A_118, %dma_wait3A_119] : memref<20000x128xf32, #tpu.memory_space<hbm>> -> memref<20000x128xf32, #tpu.memory_space<hbm>>
      tpu.wait_indirect_dma semaphore(%arg14 : memref<!tpu.dma_semaphore, #tpu.memory_space<semaphore_mem>>) src(%dma_wait3A_120 : memref<20000x128xf32, #tpu.memory_space<hbm>>) dst(%arg9 : memref<128x128xf32, #tpu.memory_space<vmem>>)
      %dma_start3A_121 = arith.constant 1 : i32
      %dma_start3A_122 = arith.constant 0 : i32
      %dma_start3A_123 = tpu.memref_slice %arg7[%dma_start3A_121, %dma_start3A_122] : memref<2x128xi32, #tpu.memory_space<vmem>> -> memref<1x128xi32, #tpu.memory_space<vmem>>
      %dma_start3A_124 = tpu.memref_squeeze %dma_start3A_123 : memref<1x128xi32, #tpu.memory_space<vmem>> -> memref<128xi32, #tpu.memory_space<vmem>>
      %dma_start3A_125 = arith.constant 0 : i32
      %dma_start3A_126 = arith.constant 0 : i32
      %dma_start3A_127 = tpu.memref_slice %arg10[%dma_start3A_125, %dma_start3A_126] : memref<10112x128xf32, #tpu.memory_space<vmem_shared>> -> memref<10112x128xf32, #tpu.memory_space<vmem_shared>>
      tpu.enqueue_indirect_dma source(%arg9 : memref<128x128xf32, #tpu.memory_space<vmem>>) target(%dma_start3A_127 : memref<10112x128xf32, #tpu.memory_space<vmem_shared>>) offsets(%dma_start3A_124 : memref<128xi32, #tpu.memory_space<vmem>>) semaphore(%arg16 : memref<!tpu.dma_semaphore, #tpu.memory_space<semaphore_mem>>) {add = true}
    }
    %scan3A_9 = arith.constant 40 : i32
    %dma_wait3A = arith.constant 1 : i32
    %dma_wait3A_10 = arith.constant 0 : i32
    %dma_wait3A_11 = tpu.memref_slice %arg6[%dma_wait3A, %dma_wait3A_10] : memref<2x128xi32, #tpu.memory_space<vmem>> -> memref<1x128xi32, #tpu.memory_space<vmem>>
    %dma_wait3A_12 = tpu.memref_squeeze %dma_wait3A_11 : memref<1x128xi32, #tpu.memory_space<vmem>> -> memref<128xi32, #tpu.memory_space<vmem>>
    %dma_wait3A_13 = arith.constant 0 : i32
    %dma_wait3A_14 = arith.constant 0 : i32
    %dma_wait3A_15 = tpu.memref_slice %arg10[%dma_wait3A_13, %dma_wait3A_14] : memref<10112x128xf32, #tpu.memory_space<vmem_shared>> -> memref<10112x128xf32, #tpu.memory_space<vmem_shared>>
    tpu.wait_indirect_dma semaphore(%arg15 : memref<!tpu.dma_semaphore, #tpu.memory_space<semaphore_mem>>) src(%arg8 : memref<128x128xf32, #tpu.memory_space<vmem>>) dst(%dma_wait3A_15 : memref<10112x128xf32, #tpu.memory_space<vmem_shared>>)
    %dma_wait3A_16 = arith.constant 1 : i32
    %dma_wait3A_17 = arith.constant 0 : i32
    %dma_wait3A_18 = tpu.memref_slice %arg7[%dma_wait3A_16, %dma_wait3A_17] : memref<2x128xi32, #tpu.memory_space<vmem>> -> memref<1x128xi32, #tpu.memory_space<vmem>>
    %dma_wait3A_19 = tpu.memref_squeeze %dma_wait3A_18 : memref<1x128xi32, #tpu.memory_space<vmem>> -> memref<128xi32, #tpu.memory_space<vmem>>
    %dma_wait3A_20 = arith.constant 0 : i32
    %dma_wait3A_21 = arith.constant 0 : i32
    %dma_wait3A_22 = tpu.memref_slice %arg10[%dma_wait3A_20, %dma_wait3A_21] : memref<10112x128xf32, #tpu.memory_space<vmem_shared>> -> memref<10112x128xf32, #tpu.memory_space<vmem_shared>>
    tpu.wait_indirect_dma semaphore(%arg16 : memref<!tpu.dma_semaphore, #tpu.memory_space<semaphore_mem>>) src(%arg9 : memref<128x128xf32, #tpu.memory_space<vmem>>) dst(%dma_wait3A_22 : memref<10112x128xf32, #tpu.memory_space<vmem_shared>>)
    %barrier3A_23 = arith.constant 0 : index
    tpu.barrier barrier_id(%barrier3A_23)
    %mul3A_24 = arith.constant 10112 : i32
    %mul3A_25 = arith.muli %arg0, %mul3A_24 : i32
    %add3A_26 = arith.addi %mul3A_25, %mul3A_0 : i32
    "tpu.region"() ({
      %run_scoped3A = tpu.sem_alloc : memref<!tpu.dma_semaphore, #tpu.memory_space<semaphore_mem>>
      %dma_start3A = arith.constant 0 : i32
      %dma_start3A_27 = tpu.memref_slice %arg5[%add3A_26, %dma_start3A] : memref<20224x128xf32, #tpu.memory_space<hbm>> -> memref<632x128xf32, #tpu.memory_space<hbm>>
      %dma_start3A_28 = arith.constant 0 : i32
      %dma_start3A_29 = tpu.memref_slice %arg10[%mul3A_0, %dma_start3A_28] : memref<10112x128xf32, #tpu.memory_space<vmem_shared>> -> memref<632x128xf32, #tpu.memory_space<vmem_shared>>
      tpu.enqueue_dma source(%dma_start3A_29 : memref<632x128xf32, #tpu.memory_space<vmem_shared>>) target(%dma_start3A_27 : memref<632x128xf32, #tpu.memory_space<hbm>>) target_semaphore(%run_scoped3A : memref<!tpu.dma_semaphore, #tpu.memory_space<semaphore_mem>>)
      %dma_wait3A_30 = arith.constant 0 : i32
      %dma_wait3A_31 = tpu.memref_slice %arg5[%add3A_26, %dma_wait3A_30] : memref<20224x128xf32, #tpu.memory_space<hbm>> -> memref<632x128xf32, #tpu.memory_space<hbm>>
      %dma_wait3A_32 = arith.constant 0 : i32
      %dma_wait3A_33 = tpu.memref_slice %arg10[%mul3A_0, %dma_wait3A_32] : memref<10112x128xf32, #tpu.memory_space<vmem_shared>> -> memref<632x128xf32, #tpu.memory_space<vmem_shared>>
      tpu.wait_dma2 semaphore(%run_scoped3A : memref<!tpu.dma_semaphore, #tpu.memory_space<semaphore_mem>>) src(%dma_wait3A_33 : memref<632x128xf32, #tpu.memory_space<vmem_shared>>) dst(%dma_wait3A_31 : memref<632x128xf32, #tpu.memory_space<hbm>>)
      tpu.yield
    }) : () -> ()
    return
  }
}

#map = affine_map<(d0, d1) -> (0, 0)>
#map1 = affine_map<(d0, d1) -> (0, 0, 0)>
module attributes {stable_mosaic.version = 14 : i64} {
  func.func @_agg_body(%arg0: i32, %arg1: i32, %arg2: memref<20000x128xf32, #tpu.memory_space<hbm>>, %arg3: memref<2560x2x128xi32, #tpu.memory_space<hbm>>, %arg4: memref<632x128xf32, #tpu.memory_space<hbm>>, %arg5: memref<20224x128xf32, #tpu.memory_space<hbm>>, %arg6: memref<2x128xi32, #tpu.memory_space<vmem>>, %arg7: memref<2x128xi32, #tpu.memory_space<vmem>>, %arg8: memref<128x128xf32, #tpu.memory_space<vmem>>, %arg9: memref<128x128xf32, #tpu.memory_space<vmem>>, %arg10: memref<10112x128xf32, #tpu.memory_space<vmem_shared>>, %arg11: memref<!tpu.dma_semaphore, #tpu.memory_space<semaphore_mem>>, %arg12: memref<!tpu.dma_semaphore, #tpu.memory_space<semaphore_mem>>, %arg13: memref<!tpu.dma_semaphore, #tpu.memory_space<semaphore_mem>>, %arg14: memref<!tpu.dma_semaphore, #tpu.memory_space<semaphore_mem>>, %arg15: memref<!tpu.dma_semaphore, #tpu.memory_space<semaphore_mem>>, %arg16: memref<!tpu.dma_semaphore, #tpu.memory_space<semaphore_mem>>) attributes {dimension_semantics = [#tpu.dimension_semantics<core_parallel>, #tpu.dimension_semantics<subcore_parallel>], iteration_bounds = array<i64: 2, 16>, scalar_prefetch = 0 : i64, scratch_operands = 11 : i64, tpu.core_type = #tpu.core_type<sc_vector_subcore>, window_params = [{transform_indices = #map}, {transform_indices = #map1}, {transform_indices = #map}, {transform_indices = #map}]} {
    %mul3A = arith.constant 632 : i32
    %mul3A_0 = arith.muli %arg1, %mul3A : i32
    "tpu.region"() ({
      %run_scoped3A = tpu.sem_alloc : memref<!tpu.dma_semaphore, #tpu.memory_space<semaphore_mem>>
      %dma_start3A = arith.constant 0 : i32
      %dma_start3A_27 = tpu.memref_slice %arg10[%mul3A_0, %dma_start3A] : memref<10112x128xf32, #tpu.memory_space<vmem_shared>> -> memref<632x128xf32, #tpu.memory_space<vmem_shared>>
      tpu.enqueue_dma source(%arg4 : memref<632x128xf32, #tpu.memory_space<hbm>>) target(%dma_start3A_27 : memref<632x128xf32, #tpu.memory_space<vmem_shared>>) target_semaphore(%run_scoped3A : memref<!tpu.dma_semaphore, #tpu.memory_space<semaphore_mem>>)
      %dma_wait3A_28 = arith.constant 0 : i32
      %dma_wait3A_29 = tpu.memref_slice %arg10[%mul3A_0, %dma_wait3A_28] : memref<10112x128xf32, #tpu.memory_space<vmem_shared>> -> memref<632x128xf32, #tpu.memory_space<vmem_shared>>
      tpu.wait_dma2 semaphore(%run_scoped3A : memref<!tpu.dma_semaphore, #tpu.memory_space<semaphore_mem>>) src(%arg4 : memref<632x128xf32, #tpu.memory_space<hbm>>) dst(%dma_wait3A_29 : memref<632x128xf32, #tpu.memory_space<vmem_shared>>)
      tpu.yield
    }) : () -> ()
    %barrier3A = arith.constant 0 : index
    tpu.barrier barrier_id(%barrier3A)
    %mul3A_1 = arith.constant 16 : i32
    %mul3A_2 = arith.muli %arg0, %mul3A_1 : i32
    %add3A = arith.addi %mul3A_2, %arg1 : i32
    %mul3A_3 = arith.constant 80 : i32
    %mul3A_4 = arith.muli %add3A, %mul3A_3 : i32
    %scan3A = arith.constant 0 : i32
    %scan3A_5 = arith.constant 0 : i32
    %scan3A_6 = arith.constant 40 : i32
    %scan3A_7 = arith.addi %scan3A_5, %scan3A_6 : i32
    %scan3A_8 = arith.constant 1 : i32
    scf.for %scan3A_27 = %scan3A_5 to %scan3A_7 step %scan3A_8  : i32 {
      %gt3A = arith.constant 0 : i32
      %gt3A_28 = arith.cmpi sgt, %scan3A_27, %gt3A : i32
      %convert_element_type3A = arith.extui %gt3A_28 : i1 to i32
      %cond3A = arith.constant 0 : i32
      %cond3A_29 = arith.cmpi ne, %convert_element_type3A, %cond3A : i32
      scf.if %cond3A_29 {
        %dma_wait3A_128 = arith.constant 1 : i32
        %dma_wait3A_129 = arith.constant 0 : i32
        %dma_wait3A_130 = tpu.memref_slice %arg6[%dma_wait3A_128, %dma_wait3A_129] : memref<2x128xi32, #tpu.memory_space<vmem>> -> memref<1x128xi32, #tpu.memory_space<vmem>>
        %dma_wait3A_131 = tpu.memref_squeeze %dma_wait3A_130 : memref<1x128xi32, #tpu.memory_space<vmem>> -> memref<128xi32, #tpu.memory_space<vmem>>
        %dma_wait3A_132 = arith.constant 0 : i32
        %dma_wait3A_133 = arith.constant 0 : i32
        %dma_wait3A_134 = tpu.memref_slice %arg10[%dma_wait3A_132, %dma_wait3A_133] : memref<10112x128xf32, #tpu.memory_space<vmem_shared>> -> memref<10112x128xf32, #tpu.memory_space<vmem_shared>>
        tpu.wait_indirect_dma semaphore(%arg15 : memref<!tpu.dma_semaphore, #tpu.memory_space<semaphore_mem>>) src(%arg8 : memref<128x128xf32, #tpu.memory_space<vmem>>) dst(%dma_wait3A_134 : memref<10112x128xf32, #tpu.memory_space<vmem_shared>>)
      } else {
      }
      %mul3A_30 = arith.constant 2 : i32
      %mul3A_31 = arith.muli %mul3A_30, %scan3A_27 : i32
      %add3A_32 = arith.constant 0 : i32
      %add3A_33 = arith.addi %mul3A_31, %add3A_32 : i32
      %add3A_34 = arith.addi %add3A_33, %mul3A_4 : i32
      %dma_start3A = arith.constant 0 : i32
      %dma_start3A_35 = arith.constant 0 : i32
      %dma_start3A_36 = tpu.memref_slice %arg3[%add3A_34, %dma_start3A, %dma_start3A_35] : memref<2560x2x128xi32, #tpu.memory_space<hbm>> -> memref<1x2x128xi32, #tpu.memory_space<hbm>>
      %dma_start3A_37 = tpu.memref_squeeze %dma_start3A_36 : memref<1x2x128xi32, #tpu.memory_space<hbm>> -> memref<2x128xi32, #tpu.memory_space<hbm>>
      %dma_start3A_38 = arith.constant 0 : i32
      %dma_start3A_39 = arith.constant 0 : i32
      %dma_start3A_40 = tpu.memref_slice %arg3[%add3A_34, %dma_start3A_38, %dma_start3A_39] : memref<2560x2x128xi32, #tpu.memory_space<hbm>> -> memref<1x2x128xi32, #tpu.memory_space<hbm>>
      %dma_start3A_41 = tpu.memref_squeeze %dma_start3A_40 : memref<1x2x128xi32, #tpu.memory_space<hbm>> -> memref<2x128xi32, #tpu.memory_space<hbm>>
      tpu.enqueue_dma source(%dma_start3A_41 : memref<2x128xi32, #tpu.memory_space<hbm>>) target(%arg6 : memref<2x128xi32, #tpu.memory_space<vmem>>) target_semaphore(%arg11 : memref<!tpu.dma_semaphore, #tpu.memory_space<semaphore_mem>>)
      %gt3A_42 = arith.constant 0 : i32
      %gt3A_43 = arith.cmpi sgt, %scan3A_27, %gt3A_42 : i32
      %convert_element_type3A_44 = arith.extui %gt3A_43 : i1 to i32
      %cond3A_45 = arith.constant 0 : i32
      %cond3A_46 = arith.cmpi ne, %convert_element_type3A_44, %cond3A_45 : i32
      scf.if %cond3A_46 {
        %dma_wait3A_128 = arith.constant 1 : i32
        %dma_wait3A_129 = arith.constant 0 : i32
        %dma_wait3A_130 = tpu.memref_slice %arg7[%dma_wait3A_128, %dma_wait3A_129] : memref<2x128xi32, #tpu.memory_space<vmem>> -> memref<1x128xi32, #tpu.memory_space<vmem>>
        %dma_wait3A_131 = tpu.memref_squeeze %dma_wait3A_130 : memref<1x128xi32, #tpu.memory_space<vmem>> -> memref<128xi32, #tpu.memory_space<vmem>>
        %dma_wait3A_132 = arith.constant 0 : i32
        %dma_wait3A_133 = arith.constant 0 : i32
        %dma_wait3A_134 = tpu.memref_slice %arg10[%dma_wait3A_132, %dma_wait3A_133] : memref<10112x128xf32, #tpu.memory_space<vmem_shared>> -> memref<10112x128xf32, #tpu.memory_space<vmem_shared>>
        tpu.wait_indirect_dma semaphore(%arg16 : memref<!tpu.dma_semaphore, #tpu.memory_space<semaphore_mem>>) src(%arg9 : memref<128x128xf32, #tpu.memory_space<vmem>>) dst(%dma_wait3A_134 : memref<10112x128xf32, #tpu.memory_space<vmem_shared>>)
      } else {
      }
      %mul3A_47 = arith.constant 2 : i32
      %mul3A_48 = arith.muli %mul3A_47, %scan3A_27 : i32
      %add3A_49 = arith.constant 1 : i32
      %add3A_50 = arith.addi %mul3A_48, %add3A_49 : i32
      %add3A_51 = arith.addi %add3A_50, %mul3A_4 : i32
      %dma_start3A_52 = arith.constant 0 : i32
      %dma_start3A_53 = arith.constant 0 : i32
      %dma_start3A_54 = tpu.memref_slice %arg3[%add3A_51, %dma_start3A_52, %dma_start3A_53] : memref<2560x2x128xi32, #tpu.memory_space<hbm>> -> memref<1x2x128xi32, #tpu.memory_space<hbm>>
      %dma_start3A_55 = tpu.memref_squeeze %dma_start3A_54 : memref<1x2x128xi32, #tpu.memory_space<hbm>> -> memref<2x128xi32, #tpu.memory_space<hbm>>
      %dma_start3A_56 = arith.constant 0 : i32
      %dma_start3A_57 = arith.constant 0 : i32
      %dma_start3A_58 = tpu.memref_slice %arg3[%add3A_51, %dma_start3A_56, %dma_start3A_57] : memref<2560x2x128xi32, #tpu.memory_space<hbm>> -> memref<1x2x128xi32, #tpu.memory_space<hbm>>
      %dma_start3A_59 = tpu.memref_squeeze %dma_start3A_58 : memref<1x2x128xi32, #tpu.memory_space<hbm>> -> memref<2x128xi32, #tpu.memory_space<hbm>>
      tpu.enqueue_dma source(%dma_start3A_59 : memref<2x128xi32, #tpu.memory_space<hbm>>) target(%arg7 : memref<2x128xi32, #tpu.memory_space<vmem>>) target_semaphore(%arg12 : memref<!tpu.dma_semaphore, #tpu.memory_space<semaphore_mem>>)
      %mul3A_60 = arith.constant 2 : i32
      %mul3A_61 = arith.muli %mul3A_60, %scan3A_27 : i32
      %add3A_62 = arith.constant 0 : i32
      %add3A_63 = arith.addi %mul3A_61, %add3A_62 : i32
      %add3A_64 = arith.addi %add3A_63, %mul3A_4 : i32
      %dma_wait3A_65 = arith.constant 0 : i32
      %dma_wait3A_66 = arith.constant 0 : i32
      %dma_wait3A_67 = tpu.memref_slice %arg3[%add3A_64, %dma_wait3A_65, %dma_wait3A_66] : memref<2560x2x128xi32, #tpu.memory_space<hbm>> -> memref<1x2x128xi32, #tpu.memory_space<hbm>>
      %dma_wait3A_68 = tpu.memref_squeeze %dma_wait3A_67 : memref<1x2x128xi32, #tpu.memory_space<hbm>> -> memref<2x128xi32, #tpu.memory_space<hbm>>
      %dma_wait3A_69 = arith.constant 0 : i32
      %dma_wait3A_70 = arith.constant 0 : i32
      %dma_wait3A_71 = tpu.memref_slice %arg3[%add3A_64, %dma_wait3A_69, %dma_wait3A_70] : memref<2560x2x128xi32, #tpu.memory_space<hbm>> -> memref<1x2x128xi32, #tpu.memory_space<hbm>>
      %dma_wait3A_72 = tpu.memref_squeeze %dma_wait3A_71 : memref<1x2x128xi32, #tpu.memory_space<hbm>> -> memref<2x128xi32, #tpu.memory_space<hbm>>
      tpu.wait_dma2 semaphore(%arg11 : memref<!tpu.dma_semaphore, #tpu.memory_space<semaphore_mem>>) src(%dma_wait3A_72 : memref<2x128xi32, #tpu.memory_space<hbm>>) dst(%arg6 : memref<2x128xi32, #tpu.memory_space<vmem>>)
      %dma_start3A_73 = arith.constant 0 : i32
      %dma_start3A_74 = arith.constant 0 : i32
      %dma_start3A_75 = tpu.memref_slice %arg6[%dma_start3A_73, %dma_start3A_74] : memref<2x128xi32, #tpu.memory_space<vmem>> -> memref<1x128xi32, #tpu.memory_space<vmem>>
      %dma_start3A_76 = tpu.memref_squeeze %dma_start3A_75 : memref<1x128xi32, #tpu.memory_space<vmem>> -> memref<128xi32, #tpu.memory_space<vmem>>
      %dma_start3A_77 = arith.constant 0 : i32
      %dma_start3A_78 = arith.constant 0 : i32
      %dma_start3A_79 = tpu.memref_slice %arg2[%dma_start3A_77, %dma_start3A_78] : memref<20000x128xf32, #tpu.memory_space<hbm>> -> memref<20000x128xf32, #tpu.memory_space<hbm>>
      tpu.enqueue_indirect_dma source(%dma_start3A_79 : memref<20000x128xf32, #tpu.memory_space<hbm>>) target(%arg8 : memref<128x128xf32, #tpu.memory_space<vmem>>) offsets(%dma_start3A_76 : memref<128xi32, #tpu.memory_space<vmem>>) semaphore(%arg13 : memref<!tpu.dma_semaphore, #tpu.memory_space<semaphore_mem>>)
      %mul3A_80 = arith.constant 2 : i32
      %mul3A_81 = arith.muli %mul3A_80, %scan3A_27 : i32
      %add3A_82 = arith.constant 1 : i32
      %add3A_83 = arith.addi %mul3A_81, %add3A_82 : i32
      %add3A_84 = arith.addi %add3A_83, %mul3A_4 : i32
      %dma_wait3A_85 = arith.constant 0 : i32
      %dma_wait3A_86 = arith.constant 0 : i32
      %dma_wait3A_87 = tpu.memref_slice %arg3[%add3A_84, %dma_wait3A_85, %dma_wait3A_86] : memref<2560x2x128xi32, #tpu.memory_space<hbm>> -> memref<1x2x128xi32, #tpu.memory_space<hbm>>
      %dma_wait3A_88 = tpu.memref_squeeze %dma_wait3A_87 : memref<1x2x128xi32, #tpu.memory_space<hbm>> -> memref<2x128xi32, #tpu.memory_space<hbm>>
      %dma_wait3A_89 = arith.constant 0 : i32
      %dma_wait3A_90 = arith.constant 0 : i32
      %dma_wait3A_91 = tpu.memref_slice %arg3[%add3A_84, %dma_wait3A_89, %dma_wait3A_90] : memref<2560x2x128xi32, #tpu.memory_space<hbm>> -> memref<1x2x128xi32, #tpu.memory_space<hbm>>
      %dma_wait3A_92 = tpu.memref_squeeze %dma_wait3A_91 : memref<1x2x128xi32, #tpu.memory_space<hbm>> -> memref<2x128xi32, #tpu.memory_space<hbm>>
      tpu.wait_dma2 semaphore(%arg12 : memref<!tpu.dma_semaphore, #tpu.memory_space<semaphore_mem>>) src(%dma_wait3A_92 : memref<2x128xi32, #tpu.memory_space<hbm>>) dst(%arg7 : memref<2x128xi32, #tpu.memory_space<vmem>>)
      %dma_start3A_93 = arith.constant 0 : i32
      %dma_start3A_94 = arith.constant 0 : i32
      %dma_start3A_95 = tpu.memref_slice %arg7[%dma_start3A_93, %dma_start3A_94] : memref<2x128xi32, #tpu.memory_space<vmem>> -> memref<1x128xi32, #tpu.memory_space<vmem>>
      %dma_start3A_96 = tpu.memref_squeeze %dma_start3A_95 : memref<1x128xi32, #tpu.memory_space<vmem>> -> memref<128xi32, #tpu.memory_space<vmem>>
      %dma_start3A_97 = arith.constant 0 : i32
      %dma_start3A_98 = arith.constant 0 : i32
      %dma_start3A_99 = tpu.memref_slice %arg2[%dma_start3A_97, %dma_start3A_98] : memref<20000x128xf32, #tpu.memory_space<hbm>> -> memref<20000x128xf32, #tpu.memory_space<hbm>>
      tpu.enqueue_indirect_dma source(%dma_start3A_99 : memref<20000x128xf32, #tpu.memory_space<hbm>>) target(%arg9 : memref<128x128xf32, #tpu.memory_space<vmem>>) offsets(%dma_start3A_96 : memref<128xi32, #tpu.memory_space<vmem>>) semaphore(%arg14 : memref<!tpu.dma_semaphore, #tpu.memory_space<semaphore_mem>>)
      %dma_wait3A_100 = arith.constant 0 : i32
      %dma_wait3A_101 = arith.constant 0 : i32
      %dma_wait3A_102 = tpu.memref_slice %arg6[%dma_wait3A_100, %dma_wait3A_101] : memref<2x128xi32, #tpu.memory_space<vmem>> -> memref<1x128xi32, #tpu.memory_space<vmem>>
      %dma_wait3A_103 = tpu.memref_squeeze %dma_wait3A_102 : memref<1x128xi32, #tpu.memory_space<vmem>> -> memref<128xi32, #tpu.memory_space<vmem>>
      %dma_wait3A_104 = arith.constant 0 : i32
      %dma_wait3A_105 = arith.constant 0 : i32
      %dma_wait3A_106 = tpu.memref_slice %arg2[%dma_wait3A_104, %dma_wait3A_105] : memref<20000x128xf32, #tpu.memory_space<hbm>> -> memref<20000x128xf32, #tpu.memory_space<hbm>>
      tpu.wait_indirect_dma semaphore(%arg13 : memref<!tpu.dma_semaphore, #tpu.memory_space<semaphore_mem>>) src(%dma_wait3A_106 : memref<20000x128xf32, #tpu.memory_space<hbm>>) dst(%arg8 : memref<128x128xf32, #tpu.memory_space<vmem>>)
      %dma_start3A_107 = arith.constant 1 : i32
      %dma_start3A_108 = arith.constant 0 : i32
      %dma_start3A_109 = tpu.memref_slice %arg6[%dma_start3A_107, %dma_start3A_108] : memref<2x128xi32, #tpu.memory_space<vmem>> -> memref<1x128xi32, #tpu.memory_space<vmem>>
      %dma_start3A_110 = tpu.memref_squeeze %dma_start3A_109 : memref<1x128xi32, #tpu.memory_space<vmem>> -> memref<128xi32, #tpu.memory_space<vmem>>
      %dma_start3A_111 = arith.constant 0 : i32
      %dma_start3A_112 = arith.constant 0 : i32
      %dma_start3A_113 = tpu.memref_slice %arg10[%dma_start3A_111, %dma_start3A_112] : memref<10112x128xf32, #tpu.memory_space<vmem_shared>> -> memref<10112x128xf32, #tpu.memory_space<vmem_shared>>
      tpu.enqueue_indirect_dma source(%arg8 : memref<128x128xf32, #tpu.memory_space<vmem>>) target(%dma_start3A_113 : memref<10112x128xf32, #tpu.memory_space<vmem_shared>>) offsets(%dma_start3A_110 : memref<128xi32, #tpu.memory_space<vmem>>) semaphore(%arg15 : memref<!tpu.dma_semaphore, #tpu.memory_space<semaphore_mem>>) {add = true}
      %dma_wait3A_114 = arith.constant 0 : i32
      %dma_wait3A_115 = arith.constant 0 : i32
      %dma_wait3A_116 = tpu.memref_slice %arg7[%dma_wait3A_114, %dma_wait3A_115] : memref<2x128xi32, #tpu.memory_space<vmem>> -> memref<1x128xi32, #tpu.memory_space<vmem>>
      %dma_wait3A_117 = tpu.memref_squeeze %dma_wait3A_116 : memref<1x128xi32, #tpu.memory_space<vmem>> -> memref<128xi32, #tpu.memory_space<vmem>>
      %dma_wait3A_118 = arith.constant 0 : i32
      %dma_wait3A_119 = arith.constant 0 : i32
      %dma_wait3A_120 = tpu.memref_slice %arg2[%dma_wait3A_118, %dma_wait3A_119] : memref<20000x128xf32, #tpu.memory_space<hbm>> -> memref<20000x128xf32, #tpu.memory_space<hbm>>
      tpu.wait_indirect_dma semaphore(%arg14 : memref<!tpu.dma_semaphore, #tpu.memory_space<semaphore_mem>>) src(%dma_wait3A_120 : memref<20000x128xf32, #tpu.memory_space<hbm>>) dst(%arg9 : memref<128x128xf32, #tpu.memory_space<vmem>>)
      %dma_start3A_121 = arith.constant 1 : i32
      %dma_start3A_122 = arith.constant 0 : i32
      %dma_start3A_123 = tpu.memref_slice %arg7[%dma_start3A_121, %dma_start3A_122] : memref<2x128xi32, #tpu.memory_space<vmem>> -> memref<1x128xi32, #tpu.memory_space<vmem>>
      %dma_start3A_124 = tpu.memref_squeeze %dma_start3A_123 : memref<1x128xi32, #tpu.memory_space<vmem>> -> memref<128xi32, #tpu.memory_space<vmem>>
      %dma_start3A_125 = arith.constant 0 : i32
      %dma_start3A_126 = arith.constant 0 : i32
      %dma_start3A_127 = tpu.memref_slice %arg10[%dma_start3A_125, %dma_start3A_126] : memref<10112x128xf32, #tpu.memory_space<vmem_shared>> -> memref<10112x128xf32, #tpu.memory_space<vmem_shared>>
      tpu.enqueue_indirect_dma source(%arg9 : memref<128x128xf32, #tpu.memory_space<vmem>>) target(%dma_start3A_127 : memref<10112x128xf32, #tpu.memory_space<vmem_shared>>) offsets(%dma_start3A_124 : memref<128xi32, #tpu.memory_space<vmem>>) semaphore(%arg16 : memref<!tpu.dma_semaphore, #tpu.memory_space<semaphore_mem>>) {add = true}
    }
    %scan3A_9 = arith.constant 40 : i32
    %dma_wait3A = arith.constant 1 : i32
    %dma_wait3A_10 = arith.constant 0 : i32
    %dma_wait3A_11 = tpu.memref_slice %arg6[%dma_wait3A, %dma_wait3A_10] : memref<2x128xi32, #tpu.memory_space<vmem>> -> memref<1x128xi32, #tpu.memory_space<vmem>>
    %dma_wait3A_12 = tpu.memref_squeeze %dma_wait3A_11 : memref<1x128xi32, #tpu.memory_space<vmem>> -> memref<128xi32, #tpu.memory_space<vmem>>
    %dma_wait3A_13 = arith.constant 0 : i32
    %dma_wait3A_14 = arith.constant 0 : i32
    %dma_wait3A_15 = tpu.memref_slice %arg10[%dma_wait3A_13, %dma_wait3A_14] : memref<10112x128xf32, #tpu.memory_space<vmem_shared>> -> memref<10112x128xf32, #tpu.memory_space<vmem_shared>>
    tpu.wait_indirect_dma semaphore(%arg15 : memref<!tpu.dma_semaphore, #tpu.memory_space<semaphore_mem>>) src(%arg8 : memref<128x128xf32, #tpu.memory_space<vmem>>) dst(%dma_wait3A_15 : memref<10112x128xf32, #tpu.memory_space<vmem_shared>>)
    %dma_wait3A_16 = arith.constant 1 : i32
    %dma_wait3A_17 = arith.constant 0 : i32
    %dma_wait3A_18 = tpu.memref_slice %arg7[%dma_wait3A_16, %dma_wait3A_17] : memref<2x128xi32, #tpu.memory_space<vmem>> -> memref<1x128xi32, #tpu.memory_space<vmem>>
    %dma_wait3A_19 = tpu.memref_squeeze %dma_wait3A_18 : memref<1x128xi32, #tpu.memory_space<vmem>> -> memref<128xi32, #tpu.memory_space<vmem>>
    %dma_wait3A_20 = arith.constant 0 : i32
    %dma_wait3A_21 = arith.constant 0 : i32
    %dma_wait3A_22 = tpu.memref_slice %arg10[%dma_wait3A_20, %dma_wait3A_21] : memref<10112x128xf32, #tpu.memory_space<vmem_shared>> -> memref<10112x128xf32, #tpu.memory_space<vmem_shared>>
    tpu.wait_indirect_dma semaphore(%arg16 : memref<!tpu.dma_semaphore, #tpu.memory_space<semaphore_mem>>) src(%arg9 : memref<128x128xf32, #tpu.memory_space<vmem>>) dst(%dma_wait3A_22 : memref<10112x128xf32, #tpu.memory_space<vmem_shared>>)
    %barrier3A_23 = arith.constant 0 : index
    tpu.barrier barrier_id(%barrier3A_23)
    %mul3A_24 = arith.constant 10112 : i32
    %mul3A_25 = arith.muli %arg0, %mul3A_24 : i32
    %add3A_26 = arith.addi %mul3A_25, %mul3A_0 : i32
    "tpu.region"() ({
      %run_scoped3A = tpu.sem_alloc : memref<!tpu.dma_semaphore, #tpu.memory_space<semaphore_mem>>
      %dma_start3A = arith.constant 0 : i32
      %dma_start3A_27 = tpu.memref_slice %arg5[%add3A_26, %dma_start3A] : memref<20224x128xf32, #tpu.memory_space<hbm>> -> memref<632x128xf32, #tpu.memory_space<hbm>>
      %dma_start3A_28 = arith.constant 0 : i32
      %dma_start3A_29 = tpu.memref_slice %arg10[%mul3A_0, %dma_start3A_28] : memref<10112x128xf32, #tpu.memory_space<vmem_shared>> -> memref<632x128xf32, #tpu.memory_space<vmem_shared>>
      tpu.enqueue_dma source(%dma_start3A_29 : memref<632x128xf32, #tpu.memory_space<vmem_shared>>) target(%dma_start3A_27 : memref<632x128xf32, #tpu.memory_space<hbm>>) target_semaphore(%run_scoped3A : memref<!tpu.dma_semaphore, #tpu.memory_space<semaphore_mem>>)
      %dma_wait3A_30 = arith.constant 0 : i32
      %dma_wait3A_31 = tpu.memref_slice %arg5[%add3A_26, %dma_wait3A_30] : memref<20224x128xf32, #tpu.memory_space<hbm>> -> memref<632x128xf32, #tpu.memory_space<hbm>>
      %dma_wait3A_32 = arith.constant 0 : i32
      %dma_wait3A_33 = tpu.memref_slice %arg10[%mul3A_0, %dma_wait3A_32] : memref<10112x128xf32, #tpu.memory_space<vmem_shared>> -> memref<632x128xf32, #tpu.memory_space<vmem_shared>>
      tpu.wait_dma2 semaphore(%run_scoped3A : memref<!tpu.dma_semaphore, #tpu.memory_space<semaphore_mem>>) src(%dma_wait3A_33 : memref<632x128xf32, #tpu.memory_space<vmem_shared>>) dst(%dma_wait3A_31 : memref<632x128xf32, #tpu.memory_space<hbm>>)
      tpu.yield
    }) : () -> ()
    return
  }
}

#map = affine_map<(d0, d1) -> (0, 0)>
#map1 = affine_map<(d0, d1) -> (0, 0, 0)>
module attributes {stable_mosaic.version = 14 : i64} {
  func.func @_agg_body(%arg0: i32, %arg1: i32, %arg2: memref<20000x128xf32, #tpu.memory_space<hbm>>, %arg3: memref<2560x2x128xi32, #tpu.memory_space<hbm>>, %arg4: memref<632x128xf32, #tpu.memory_space<hbm>>, %arg5: memref<20224x128xf32, #tpu.memory_space<hbm>>, %arg6: memref<2x128xi32, #tpu.memory_space<vmem>>, %arg7: memref<2x128xi32, #tpu.memory_space<vmem>>, %arg8: memref<128x128xf32, #tpu.memory_space<vmem>>, %arg9: memref<128x128xf32, #tpu.memory_space<vmem>>, %arg10: memref<10112x128xf32, #tpu.memory_space<vmem_shared>>, %arg11: memref<!tpu.dma_semaphore, #tpu.memory_space<semaphore_mem>>, %arg12: memref<!tpu.dma_semaphore, #tpu.memory_space<semaphore_mem>>, %arg13: memref<!tpu.dma_semaphore, #tpu.memory_space<semaphore_mem>>, %arg14: memref<!tpu.dma_semaphore, #tpu.memory_space<semaphore_mem>>, %arg15: memref<!tpu.dma_semaphore, #tpu.memory_space<semaphore_mem>>, %arg16: memref<!tpu.dma_semaphore, #tpu.memory_space<semaphore_mem>>) attributes {dimension_semantics = [#tpu.dimension_semantics<core_parallel>, #tpu.dimension_semantics<subcore_parallel>], iteration_bounds = array<i64: 2, 16>, scalar_prefetch = 0 : i64, scratch_operands = 11 : i64, tpu.core_type = #tpu.core_type<sc_vector_subcore>, window_params = [{transform_indices = #map}, {transform_indices = #map1}, {transform_indices = #map}, {transform_indices = #map}]} {
    %mul3A = arith.constant 632 : i32
    %mul3A_0 = arith.muli %arg1, %mul3A : i32
    "tpu.region"() ({
      %run_scoped3A = tpu.sem_alloc : memref<!tpu.dma_semaphore, #tpu.memory_space<semaphore_mem>>
      %dma_start3A = arith.constant 0 : i32
      %dma_start3A_27 = tpu.memref_slice %arg10[%mul3A_0, %dma_start3A] : memref<10112x128xf32, #tpu.memory_space<vmem_shared>> -> memref<632x128xf32, #tpu.memory_space<vmem_shared>>
      tpu.enqueue_dma source(%arg4 : memref<632x128xf32, #tpu.memory_space<hbm>>) target(%dma_start3A_27 : memref<632x128xf32, #tpu.memory_space<vmem_shared>>) target_semaphore(%run_scoped3A : memref<!tpu.dma_semaphore, #tpu.memory_space<semaphore_mem>>)
      %dma_wait3A_28 = arith.constant 0 : i32
      %dma_wait3A_29 = tpu.memref_slice %arg10[%mul3A_0, %dma_wait3A_28] : memref<10112x128xf32, #tpu.memory_space<vmem_shared>> -> memref<632x128xf32, #tpu.memory_space<vmem_shared>>
      tpu.wait_dma2 semaphore(%run_scoped3A : memref<!tpu.dma_semaphore, #tpu.memory_space<semaphore_mem>>) src(%arg4 : memref<632x128xf32, #tpu.memory_space<hbm>>) dst(%dma_wait3A_29 : memref<632x128xf32, #tpu.memory_space<vmem_shared>>)
      tpu.yield
    }) : () -> ()
    %barrier3A = arith.constant 0 : index
    tpu.barrier barrier_id(%barrier3A)
    %mul3A_1 = arith.constant 16 : i32
    %mul3A_2 = arith.muli %arg0, %mul3A_1 : i32
    %add3A = arith.addi %mul3A_2, %arg1 : i32
    %mul3A_3 = arith.constant 80 : i32
    %mul3A_4 = arith.muli %add3A, %mul3A_3 : i32
    %scan3A = arith.constant 0 : i32
    %scan3A_5 = arith.constant 0 : i32
    %scan3A_6 = arith.constant 40 : i32
    %scan3A_7 = arith.addi %scan3A_5, %scan3A_6 : i32
    %scan3A_8 = arith.constant 1 : i32
    scf.for %scan3A_27 = %scan3A_5 to %scan3A_7 step %scan3A_8  : i32 {
      %gt3A = arith.constant 0 : i32
      %gt3A_28 = arith.cmpi sgt, %scan3A_27, %gt3A : i32
      %convert_element_type3A = arith.extui %gt3A_28 : i1 to i32
      %cond3A = arith.constant 0 : i32
      %cond3A_29 = arith.cmpi ne, %convert_element_type3A, %cond3A : i32
      scf.if %cond3A_29 {
        %dma_wait3A_128 = arith.constant 1 : i32
        %dma_wait3A_129 = arith.constant 0 : i32
        %dma_wait3A_130 = tpu.memref_slice %arg6[%dma_wait3A_128, %dma_wait3A_129] : memref<2x128xi32, #tpu.memory_space<vmem>> -> memref<1x128xi32, #tpu.memory_space<vmem>>
        %dma_wait3A_131 = tpu.memref_squeeze %dma_wait3A_130 : memref<1x128xi32, #tpu.memory_space<vmem>> -> memref<128xi32, #tpu.memory_space<vmem>>
        %dma_wait3A_132 = arith.constant 0 : i32
        %dma_wait3A_133 = arith.constant 0 : i32
        %dma_wait3A_134 = tpu.memref_slice %arg10[%dma_wait3A_132, %dma_wait3A_133] : memref<10112x128xf32, #tpu.memory_space<vmem_shared>> -> memref<10112x128xf32, #tpu.memory_space<vmem_shared>>
        tpu.wait_indirect_dma semaphore(%arg15 : memref<!tpu.dma_semaphore, #tpu.memory_space<semaphore_mem>>) src(%arg8 : memref<128x128xf32, #tpu.memory_space<vmem>>) dst(%dma_wait3A_134 : memref<10112x128xf32, #tpu.memory_space<vmem_shared>>)
      } else {
      }
      %mul3A_30 = arith.constant 2 : i32
      %mul3A_31 = arith.muli %mul3A_30, %scan3A_27 : i32
      %add3A_32 = arith.constant 0 : i32
      %add3A_33 = arith.addi %mul3A_31, %add3A_32 : i32
      %add3A_34 = arith.addi %add3A_33, %mul3A_4 : i32
      %dma_start3A = arith.constant 0 : i32
      %dma_start3A_35 = arith.constant 0 : i32
      %dma_start3A_36 = tpu.memref_slice %arg3[%add3A_34, %dma_start3A, %dma_start3A_35] : memref<2560x2x128xi32, #tpu.memory_space<hbm>> -> memref<1x2x128xi32, #tpu.memory_space<hbm>>
      %dma_start3A_37 = tpu.memref_squeeze %dma_start3A_36 : memref<1x2x128xi32, #tpu.memory_space<hbm>> -> memref<2x128xi32, #tpu.memory_space<hbm>>
      %dma_start3A_38 = arith.constant 0 : i32
      %dma_start3A_39 = arith.constant 0 : i32
      %dma_start3A_40 = tpu.memref_slice %arg3[%add3A_34, %dma_start3A_38, %dma_start3A_39] : memref<2560x2x128xi32, #tpu.memory_space<hbm>> -> memref<1x2x128xi32, #tpu.memory_space<hbm>>
      %dma_start3A_41 = tpu.memref_squeeze %dma_start3A_40 : memref<1x2x128xi32, #tpu.memory_space<hbm>> -> memref<2x128xi32, #tpu.memory_space<hbm>>
      tpu.enqueue_dma source(%dma_start3A_41 : memref<2x128xi32, #tpu.memory_space<hbm>>) target(%arg6 : memref<2x128xi32, #tpu.memory_space<vmem>>) target_semaphore(%arg11 : memref<!tpu.dma_semaphore, #tpu.memory_space<semaphore_mem>>)
      %gt3A_42 = arith.constant 0 : i32
      %gt3A_43 = arith.cmpi sgt, %scan3A_27, %gt3A_42 : i32
      %convert_element_type3A_44 = arith.extui %gt3A_43 : i1 to i32
      %cond3A_45 = arith.constant 0 : i32
      %cond3A_46 = arith.cmpi ne, %convert_element_type3A_44, %cond3A_45 : i32
      scf.if %cond3A_46 {
        %dma_wait3A_128 = arith.constant 1 : i32
        %dma_wait3A_129 = arith.constant 0 : i32
        %dma_wait3A_130 = tpu.memref_slice %arg7[%dma_wait3A_128, %dma_wait3A_129] : memref<2x128xi32, #tpu.memory_space<vmem>> -> memref<1x128xi32, #tpu.memory_space<vmem>>
        %dma_wait3A_131 = tpu.memref_squeeze %dma_wait3A_130 : memref<1x128xi32, #tpu.memory_space<vmem>> -> memref<128xi32, #tpu.memory_space<vmem>>
        %dma_wait3A_132 = arith.constant 0 : i32
        %dma_wait3A_133 = arith.constant 0 : i32
        %dma_wait3A_134 = tpu.memref_slice %arg10[%dma_wait3A_132, %dma_wait3A_133] : memref<10112x128xf32, #tpu.memory_space<vmem_shared>> -> memref<10112x128xf32, #tpu.memory_space<vmem_shared>>
        tpu.wait_indirect_dma semaphore(%arg16 : memref<!tpu.dma_semaphore, #tpu.memory_space<semaphore_mem>>) src(%arg9 : memref<128x128xf32, #tpu.memory_space<vmem>>) dst(%dma_wait3A_134 : memref<10112x128xf32, #tpu.memory_space<vmem_shared>>)
      } else {
      }
      %mul3A_47 = arith.constant 2 : i32
      %mul3A_48 = arith.muli %mul3A_47, %scan3A_27 : i32
      %add3A_49 = arith.constant 1 : i32
      %add3A_50 = arith.addi %mul3A_48, %add3A_49 : i32
      %add3A_51 = arith.addi %add3A_50, %mul3A_4 : i32
      %dma_start3A_52 = arith.constant 0 : i32
      %dma_start3A_53 = arith.constant 0 : i32
      %dma_start3A_54 = tpu.memref_slice %arg3[%add3A_51, %dma_start3A_52, %dma_start3A_53] : memref<2560x2x128xi32, #tpu.memory_space<hbm>> -> memref<1x2x128xi32, #tpu.memory_space<hbm>>
      %dma_start3A_55 = tpu.memref_squeeze %dma_start3A_54 : memref<1x2x128xi32, #tpu.memory_space<hbm>> -> memref<2x128xi32, #tpu.memory_space<hbm>>
      %dma_start3A_56 = arith.constant 0 : i32
      %dma_start3A_57 = arith.constant 0 : i32
      %dma_start3A_58 = tpu.memref_slice %arg3[%add3A_51, %dma_start3A_56, %dma_start3A_57] : memref<2560x2x128xi32, #tpu.memory_space<hbm>> -> memref<1x2x128xi32, #tpu.memory_space<hbm>>
      %dma_start3A_59 = tpu.memref_squeeze %dma_start3A_58 : memref<1x2x128xi32, #tpu.memory_space<hbm>> -> memref<2x128xi32, #tpu.memory_space<hbm>>
      tpu.enqueue_dma source(%dma_start3A_59 : memref<2x128xi32, #tpu.memory_space<hbm>>) target(%arg7 : memref<2x128xi32, #tpu.memory_space<vmem>>) target_semaphore(%arg12 : memref<!tpu.dma_semaphore, #tpu.memory_space<semaphore_mem>>)
      %mul3A_60 = arith.constant 2 : i32
      %mul3A_61 = arith.muli %mul3A_60, %scan3A_27 : i32
      %add3A_62 = arith.constant 0 : i32
      %add3A_63 = arith.addi %mul3A_61, %add3A_62 : i32
      %add3A_64 = arith.addi %add3A_63, %mul3A_4 : i32
      %dma_wait3A_65 = arith.constant 0 : i32
      %dma_wait3A_66 = arith.constant 0 : i32
      %dma_wait3A_67 = tpu.memref_slice %arg3[%add3A_64, %dma_wait3A_65, %dma_wait3A_66] : memref<2560x2x128xi32, #tpu.memory_space<hbm>> -> memref<1x2x128xi32, #tpu.memory_space<hbm>>
      %dma_wait3A_68 = tpu.memref_squeeze %dma_wait3A_67 : memref<1x2x128xi32, #tpu.memory_space<hbm>> -> memref<2x128xi32, #tpu.memory_space<hbm>>
      %dma_wait3A_69 = arith.constant 0 : i32
      %dma_wait3A_70 = arith.constant 0 : i32
      %dma_wait3A_71 = tpu.memref_slice %arg3[%add3A_64, %dma_wait3A_69, %dma_wait3A_70] : memref<2560x2x128xi32, #tpu.memory_space<hbm>> -> memref<1x2x128xi32, #tpu.memory_space<hbm>>
      %dma_wait3A_72 = tpu.memref_squeeze %dma_wait3A_71 : memref<1x2x128xi32, #tpu.memory_space<hbm>> -> memref<2x128xi32, #tpu.memory_space<hbm>>
      tpu.wait_dma2 semaphore(%arg11 : memref<!tpu.dma_semaphore, #tpu.memory_space<semaphore_mem>>) src(%dma_wait3A_72 : memref<2x128xi32, #tpu.memory_space<hbm>>) dst(%arg6 : memref<2x128xi32, #tpu.memory_space<vmem>>)
      %dma_start3A_73 = arith.constant 0 : i32
      %dma_start3A_74 = arith.constant 0 : i32
      %dma_start3A_75 = tpu.memref_slice %arg6[%dma_start3A_73, %dma_start3A_74] : memref<2x128xi32, #tpu.memory_space<vmem>> -> memref<1x128xi32, #tpu.memory_space<vmem>>
      %dma_start3A_76 = tpu.memref_squeeze %dma_start3A_75 : memref<1x128xi32, #tpu.memory_space<vmem>> -> memref<128xi32, #tpu.memory_space<vmem>>
      %dma_start3A_77 = arith.constant 0 : i32
      %dma_start3A_78 = arith.constant 0 : i32
      %dma_start3A_79 = tpu.memref_slice %arg2[%dma_start3A_77, %dma_start3A_78] : memref<20000x128xf32, #tpu.memory_space<hbm>> -> memref<20000x128xf32, #tpu.memory_space<hbm>>
      tpu.enqueue_indirect_dma source(%dma_start3A_79 : memref<20000x128xf32, #tpu.memory_space<hbm>>) target(%arg8 : memref<128x128xf32, #tpu.memory_space<vmem>>) offsets(%dma_start3A_76 : memref<128xi32, #tpu.memory_space<vmem>>) semaphore(%arg13 : memref<!tpu.dma_semaphore, #tpu.memory_space<semaphore_mem>>)
      %mul3A_80 = arith.constant 2 : i32
      %mul3A_81 = arith.muli %mul3A_80, %scan3A_27 : i32
      %add3A_82 = arith.constant 1 : i32
      %add3A_83 = arith.addi %mul3A_81, %add3A_82 : i32
      %add3A_84 = arith.addi %add3A_83, %mul3A_4 : i32
      %dma_wait3A_85 = arith.constant 0 : i32
      %dma_wait3A_86 = arith.constant 0 : i32
      %dma_wait3A_87 = tpu.memref_slice %arg3[%add3A_84, %dma_wait3A_85, %dma_wait3A_86] : memref<2560x2x128xi32, #tpu.memory_space<hbm>> -> memref<1x2x128xi32, #tpu.memory_space<hbm>>
      %dma_wait3A_88 = tpu.memref_squeeze %dma_wait3A_87 : memref<1x2x128xi32, #tpu.memory_space<hbm>> -> memref<2x128xi32, #tpu.memory_space<hbm>>
      %dma_wait3A_89 = arith.constant 0 : i32
      %dma_wait3A_90 = arith.constant 0 : i32
      %dma_wait3A_91 = tpu.memref_slice %arg3[%add3A_84, %dma_wait3A_89, %dma_wait3A_90] : memref<2560x2x128xi32, #tpu.memory_space<hbm>> -> memref<1x2x128xi32, #tpu.memory_space<hbm>>
      %dma_wait3A_92 = tpu.memref_squeeze %dma_wait3A_91 : memref<1x2x128xi32, #tpu.memory_space<hbm>> -> memref<2x128xi32, #tpu.memory_space<hbm>>
      tpu.wait_dma2 semaphore(%arg12 : memref<!tpu.dma_semaphore, #tpu.memory_space<semaphore_mem>>) src(%dma_wait3A_92 : memref<2x128xi32, #tpu.memory_space<hbm>>) dst(%arg7 : memref<2x128xi32, #tpu.memory_space<vmem>>)
      %dma_start3A_93 = arith.constant 0 : i32
      %dma_start3A_94 = arith.constant 0 : i32
      %dma_start3A_95 = tpu.memref_slice %arg7[%dma_start3A_93, %dma_start3A_94] : memref<2x128xi32, #tpu.memory_space<vmem>> -> memref<1x128xi32, #tpu.memory_space<vmem>>
      %dma_start3A_96 = tpu.memref_squeeze %dma_start3A_95 : memref<1x128xi32, #tpu.memory_space<vmem>> -> memref<128xi32, #tpu.memory_space<vmem>>
      %dma_start3A_97 = arith.constant 0 : i32
      %dma_start3A_98 = arith.constant 0 : i32
      %dma_start3A_99 = tpu.memref_slice %arg2[%dma_start3A_97, %dma_start3A_98] : memref<20000x128xf32, #tpu.memory_space<hbm>> -> memref<20000x128xf32, #tpu.memory_space<hbm>>
      tpu.enqueue_indirect_dma source(%dma_start3A_99 : memref<20000x128xf32, #tpu.memory_space<hbm>>) target(%arg9 : memref<128x128xf32, #tpu.memory_space<vmem>>) offsets(%dma_start3A_96 : memref<128xi32, #tpu.memory_space<vmem>>) semaphore(%arg14 : memref<!tpu.dma_semaphore, #tpu.memory_space<semaphore_mem>>)
      %dma_wait3A_100 = arith.constant 0 : i32
      %dma_wait3A_101 = arith.constant 0 : i32
      %dma_wait3A_102 = tpu.memref_slice %arg6[%dma_wait3A_100, %dma_wait3A_101] : memref<2x128xi32, #tpu.memory_space<vmem>> -> memref<1x128xi32, #tpu.memory_space<vmem>>
      %dma_wait3A_103 = tpu.memref_squeeze %dma_wait3A_102 : memref<1x128xi32, #tpu.memory_space<vmem>> -> memref<128xi32, #tpu.memory_space<vmem>>
      %dma_wait3A_104 = arith.constant 0 : i32
      %dma_wait3A_105 = arith.constant 0 : i32
      %dma_wait3A_106 = tpu.memref_slice %arg2[%dma_wait3A_104, %dma_wait3A_105] : memref<20000x128xf32, #tpu.memory_space<hbm>> -> memref<20000x128xf32, #tpu.memory_space<hbm>>
      tpu.wait_indirect_dma semaphore(%arg13 : memref<!tpu.dma_semaphore, #tpu.memory_space<semaphore_mem>>) src(%dma_wait3A_106 : memref<20000x128xf32, #tpu.memory_space<hbm>>) dst(%arg8 : memref<128x128xf32, #tpu.memory_space<vmem>>)
      %dma_start3A_107 = arith.constant 1 : i32
      %dma_start3A_108 = arith.constant 0 : i32
      %dma_start3A_109 = tpu.memref_slice %arg6[%dma_start3A_107, %dma_start3A_108] : memref<2x128xi32, #tpu.memory_space<vmem>> -> memref<1x128xi32, #tpu.memory_space<vmem>>
      %dma_start3A_110 = tpu.memref_squeeze %dma_start3A_109 : memref<1x128xi32, #tpu.memory_space<vmem>> -> memref<128xi32, #tpu.memory_space<vmem>>
      %dma_start3A_111 = arith.constant 0 : i32
      %dma_start3A_112 = arith.constant 0 : i32
      %dma_start3A_113 = tpu.memref_slice %arg10[%dma_start3A_111, %dma_start3A_112] : memref<10112x128xf32, #tpu.memory_space<vmem_shared>> -> memref<10112x128xf32, #tpu.memory_space<vmem_shared>>
      tpu.enqueue_indirect_dma source(%arg8 : memref<128x128xf32, #tpu.memory_space<vmem>>) target(%dma_start3A_113 : memref<10112x128xf32, #tpu.memory_space<vmem_shared>>) offsets(%dma_start3A_110 : memref<128xi32, #tpu.memory_space<vmem>>) semaphore(%arg15 : memref<!tpu.dma_semaphore, #tpu.memory_space<semaphore_mem>>) {add = true}
      %dma_wait3A_114 = arith.constant 0 : i32
      %dma_wait3A_115 = arith.constant 0 : i32
      %dma_wait3A_116 = tpu.memref_slice %arg7[%dma_wait3A_114, %dma_wait3A_115] : memref<2x128xi32, #tpu.memory_space<vmem>> -> memref<1x128xi32, #tpu.memory_space<vmem>>
      %dma_wait3A_117 = tpu.memref_squeeze %dma_wait3A_116 : memref<1x128xi32, #tpu.memory_space<vmem>> -> memref<128xi32, #tpu.memory_space<vmem>>
      %dma_wait3A_118 = arith.constant 0 : i32
      %dma_wait3A_119 = arith.constant 0 : i32
      %dma_wait3A_120 = tpu.memref_slice %arg2[%dma_wait3A_118, %dma_wait3A_119] : memref<20000x128xf32, #tpu.memory_space<hbm>> -> memref<20000x128xf32, #tpu.memory_space<hbm>>
      tpu.wait_indirect_dma semaphore(%arg14 : memref<!tpu.dma_semaphore, #tpu.memory_space<semaphore_mem>>) src(%dma_wait3A_120 : memref<20000x128xf32, #tpu.memory_space<hbm>>) dst(%arg9 : memref<128x128xf32, #tpu.memory_space<vmem>>)
      %dma_start3A_121 = arith.constant 1 : i32
      %dma_start3A_122 = arith.constant 0 : i32
      %dma_start3A_123 = tpu.memref_slice %arg7[%dma_start3A_121, %dma_start3A_122] : memref<2x128xi32, #tpu.memory_space<vmem>> -> memref<1x128xi32, #tpu.memory_space<vmem>>
      %dma_start3A_124 = tpu.memref_squeeze %dma_start3A_123 : memref<1x128xi32, #tpu.memory_space<vmem>> -> memref<128xi32, #tpu.memory_space<vmem>>
      %dma_start3A_125 = arith.constant 0 : i32
      %dma_start3A_126 = arith.constant 0 : i32
      %dma_start3A_127 = tpu.memref_slice %arg10[%dma_start3A_125, %dma_start3A_126] : memref<10112x128xf32, #tpu.memory_space<vmem_shared>> -> memref<10112x128xf32, #tpu.memory_space<vmem_shared>>
      tpu.enqueue_indirect_dma source(%arg9 : memref<128x128xf32, #tpu.memory_space<vmem>>) target(%dma_start3A_127 : memref<10112x128xf32, #tpu.memory_space<vmem_shared>>) offsets(%dma_start3A_124 : memref<128xi32, #tpu.memory_space<vmem>>) semaphore(%arg16 : memref<!tpu.dma_semaphore, #tpu.memory_space<semaphore_mem>>) {add = true}
    }
    %scan3A_9 = arith.constant 40 : i32
    %dma_wait3A = arith.constant 1 : i32
    %dma_wait3A_10 = arith.constant 0 : i32
    %dma_wait3A_11 = tpu.memref_slice %arg6[%dma_wait3A, %dma_wait3A_10] : memref<2x128xi32, #tpu.memory_space<vmem>> -> memref<1x128xi32, #tpu.memory_space<vmem>>
    %dma_wait3A_12 = tpu.memref_squeeze %dma_wait3A_11 : memref<1x128xi32, #tpu.memory_space<vmem>> -> memref<128xi32, #tpu.memory_space<vmem>>
    %dma_wait3A_13 = arith.constant 0 : i32
    %dma_wait3A_14 = arith.constant 0 : i32
    %dma_wait3A_15 = tpu.memref_slice %arg10[%dma_wait3A_13, %dma_wait3A_14] : memref<10112x128xf32, #tpu.memory_space<vmem_shared>> -> memref<10112x128xf32, #tpu.memory_space<vmem_shared>>
    tpu.wait_indirect_dma semaphore(%arg15 : memref<!tpu.dma_semaphore, #tpu.memory_space<semaphore_mem>>) src(%arg8 : memref<128x128xf32, #tpu.memory_space<vmem>>) dst(%dma_wait3A_15 : memref<10112x128xf32, #tpu.memory_space<vmem_shared>>)
    %dma_wait3A_16 = arith.constant 1 : i32
    %dma_wait3A_17 = arith.constant 0 : i32
    %dma_wait3A_18 = tpu.memref_slice %arg7[%dma_wait3A_16, %dma_wait3A_17] : memref<2x128xi32, #tpu.memory_space<vmem>> -> memref<1x128xi32, #tpu.memory_space<vmem>>
    %dma_wait3A_19 = tpu.memref_squeeze %dma_wait3A_18 : memref<1x128xi32, #tpu.memory_space<vmem>> -> memref<128xi32, #tpu.memory_space<vmem>>
    %dma_wait3A_20 = arith.constant 0 : i32
    %dma_wait3A_21 = arith.constant 0 : i32
    %dma_wait3A_22 = tpu.memref_slice %arg10[%dma_wait3A_20, %dma_wait3A_21] : memref<10112x128xf32, #tpu.memory_space<vmem_shared>> -> memref<10112x128xf32, #tpu.memory_space<vmem_shared>>
    tpu.wait_indirect_dma semaphore(%arg16 : memref<!tpu.dma_semaphore, #tpu.memory_space<semaphore_mem>>) src(%arg9 : memref<128x128xf32, #tpu.memory_space<vmem>>) dst(%dma_wait3A_22 : memref<10112x128xf32, #tpu.memory_space<vmem_shared>>)
    %barrier3A_23 = arith.constant 0 : index
    tpu.barrier barrier_id(%barrier3A_23)
    %mul3A_24 = arith.constant 10112 : i32
    %mul3A_25 = arith.muli %arg0, %mul3A_24 : i32
    %add3A_26 = arith.addi %mul3A_25, %mul3A_0 : i32
    "tpu.region"() ({
      %run_scoped3A = tpu.sem_alloc : memref<!tpu.dma_semaphore, #tpu.memory_space<semaphore_mem>>
      %dma_start3A = arith.constant 0 : i32
      %dma_start3A_27 = tpu.memref_slice %arg5[%add3A_26, %dma_start3A] : memref<20224x128xf32, #tpu.memory_space<hbm>> -> memref<632x128xf32, #tpu.memory_space<hbm>>
      %dma_start3A_28 = arith.constant 0 : i32
      %dma_start3A_29 = tpu.memref_slice %arg10[%mul3A_0, %dma_start3A_28] : memref<10112x128xf32, #tpu.memory_space<vmem_shared>> -> memref<632x128xf32, #tpu.memory_space<vmem_shared>>
      tpu.enqueue_dma source(%dma_start3A_29 : memref<632x128xf32, #tpu.memory_space<vmem_shared>>) target(%dma_start3A_27 : memref<632x128xf32, #tpu.memory_space<hbm>>) target_semaphore(%run_scoped3A : memref<!tpu.dma_semaphore, #tpu.memory_space<semaphore_mem>>)
      %dma_wait3A_30 = arith.constant 0 : i32
      %dma_wait3A_31 = tpu.memref_slice %arg5[%add3A_26, %dma_wait3A_30] : memref<20224x128xf32, #tpu.memory_space<hbm>> -> memref<632x128xf32, #tpu.memory_space<hbm>>
      %dma_wait3A_32 = arith.constant 0 : i32
      %dma_wait3A_33 = tpu.memref_slice %arg10[%mul3A_0, %dma_wait3A_32] : memref<10112x128xf32, #tpu.memory_space<vmem_shared>> -> memref<632x128xf32, #tpu.memory_space<vmem_shared>>
      tpu.wait_dma2 semaphore(%run_scoped3A : memref<!tpu.dma_semaphore, #tpu.memory_space<semaphore_mem>>) src(%dma_wait3A_33 : memref<632x128xf32, #tpu.memory_space<vmem_shared>>) dst(%dma_wait3A_31 : memref<632x128xf32, #tpu.memory_space<hbm>>)
      tpu.yield
    }) : () -> ()
    return
  }
}

#map = affine_map<(d0, d1) -> (0, 0)>
#map1 = affine_map<(d0, d1) -> (0, 0, 0)>
module attributes {stable_mosaic.version = 14 : i64} {
  func.func @_agg_body(%arg0: i32, %arg1: i32, %arg2: memref<20000x128xf32, #tpu.memory_space<hbm>>, %arg3: memref<2560x2x128xi32, #tpu.memory_space<hbm>>, %arg4: memref<632x128xf32, #tpu.memory_space<hbm>>, %arg5: memref<20224x128xf32, #tpu.memory_space<hbm>>, %arg6: memref<2x128xi32, #tpu.memory_space<vmem>>, %arg7: memref<2x128xi32, #tpu.memory_space<vmem>>, %arg8: memref<128x128xf32, #tpu.memory_space<vmem>>, %arg9: memref<128x128xf32, #tpu.memory_space<vmem>>, %arg10: memref<10112x128xf32, #tpu.memory_space<vmem_shared>>, %arg11: memref<!tpu.dma_semaphore, #tpu.memory_space<semaphore_mem>>, %arg12: memref<!tpu.dma_semaphore, #tpu.memory_space<semaphore_mem>>, %arg13: memref<!tpu.dma_semaphore, #tpu.memory_space<semaphore_mem>>, %arg14: memref<!tpu.dma_semaphore, #tpu.memory_space<semaphore_mem>>, %arg15: memref<!tpu.dma_semaphore, #tpu.memory_space<semaphore_mem>>, %arg16: memref<!tpu.dma_semaphore, #tpu.memory_space<semaphore_mem>>) attributes {dimension_semantics = [#tpu.dimension_semantics<core_parallel>, #tpu.dimension_semantics<subcore_parallel>], iteration_bounds = array<i64: 2, 16>, scalar_prefetch = 0 : i64, scratch_operands = 11 : i64, tpu.core_type = #tpu.core_type<sc_vector_subcore>, window_params = [{transform_indices = #map}, {transform_indices = #map1}, {transform_indices = #map}, {transform_indices = #map}]} {
    %mul3A = arith.constant 632 : i32
    %mul3A_0 = arith.muli %arg1, %mul3A : i32
    "tpu.region"() ({
      %run_scoped3A = tpu.sem_alloc : memref<!tpu.dma_semaphore, #tpu.memory_space<semaphore_mem>>
      %dma_start3A = arith.constant 0 : i32
      %dma_start3A_27 = tpu.memref_slice %arg10[%mul3A_0, %dma_start3A] : memref<10112x128xf32, #tpu.memory_space<vmem_shared>> -> memref<632x128xf32, #tpu.memory_space<vmem_shared>>
      tpu.enqueue_dma source(%arg4 : memref<632x128xf32, #tpu.memory_space<hbm>>) target(%dma_start3A_27 : memref<632x128xf32, #tpu.memory_space<vmem_shared>>) target_semaphore(%run_scoped3A : memref<!tpu.dma_semaphore, #tpu.memory_space<semaphore_mem>>)
      %dma_wait3A_28 = arith.constant 0 : i32
      %dma_wait3A_29 = tpu.memref_slice %arg10[%mul3A_0, %dma_wait3A_28] : memref<10112x128xf32, #tpu.memory_space<vmem_shared>> -> memref<632x128xf32, #tpu.memory_space<vmem_shared>>
      tpu.wait_dma2 semaphore(%run_scoped3A : memref<!tpu.dma_semaphore, #tpu.memory_space<semaphore_mem>>) src(%arg4 : memref<632x128xf32, #tpu.memory_space<hbm>>) dst(%dma_wait3A_29 : memref<632x128xf32, #tpu.memory_space<vmem_shared>>)
      tpu.yield
    }) : () -> ()
    %barrier3A = arith.constant 0 : index
    tpu.barrier barrier_id(%barrier3A)
    %mul3A_1 = arith.constant 16 : i32
    %mul3A_2 = arith.muli %arg0, %mul3A_1 : i32
    %add3A = arith.addi %mul3A_2, %arg1 : i32
    %mul3A_3 = arith.constant 80 : i32
    %mul3A_4 = arith.muli %add3A, %mul3A_3 : i32
    %scan3A = arith.constant 0 : i32
    %scan3A_5 = arith.constant 0 : i32
    %scan3A_6 = arith.constant 40 : i32
    %scan3A_7 = arith.addi %scan3A_5, %scan3A_6 : i32
    %scan3A_8 = arith.constant 1 : i32
    scf.for %scan3A_27 = %scan3A_5 to %scan3A_7 step %scan3A_8  : i32 {
      %gt3A = arith.constant 0 : i32
      %gt3A_28 = arith.cmpi sgt, %scan3A_27, %gt3A : i32
      %convert_element_type3A = arith.extui %gt3A_28 : i1 to i32
      %cond3A = arith.constant 0 : i32
      %cond3A_29 = arith.cmpi ne, %convert_element_type3A, %cond3A : i32
      scf.if %cond3A_29 {
        %dma_wait3A_128 = arith.constant 1 : i32
        %dma_wait3A_129 = arith.constant 0 : i32
        %dma_wait3A_130 = tpu.memref_slice %arg6[%dma_wait3A_128, %dma_wait3A_129] : memref<2x128xi32, #tpu.memory_space<vmem>> -> memref<1x128xi32, #tpu.memory_space<vmem>>
        %dma_wait3A_131 = tpu.memref_squeeze %dma_wait3A_130 : memref<1x128xi32, #tpu.memory_space<vmem>> -> memref<128xi32, #tpu.memory_space<vmem>>
        %dma_wait3A_132 = arith.constant 0 : i32
        %dma_wait3A_133 = arith.constant 0 : i32
        %dma_wait3A_134 = tpu.memref_slice %arg10[%dma_wait3A_132, %dma_wait3A_133] : memref<10112x128xf32, #tpu.memory_space<vmem_shared>> -> memref<10112x128xf32, #tpu.memory_space<vmem_shared>>
        tpu.wait_indirect_dma semaphore(%arg15 : memref<!tpu.dma_semaphore, #tpu.memory_space<semaphore_mem>>) src(%arg8 : memref<128x128xf32, #tpu.memory_space<vmem>>) dst(%dma_wait3A_134 : memref<10112x128xf32, #tpu.memory_space<vmem_shared>>)
      } else {
      }
      %mul3A_30 = arith.constant 2 : i32
      %mul3A_31 = arith.muli %mul3A_30, %scan3A_27 : i32
      %add3A_32 = arith.constant 0 : i32
      %add3A_33 = arith.addi %mul3A_31, %add3A_32 : i32
      %add3A_34 = arith.addi %add3A_33, %mul3A_4 : i32
      %dma_start3A = arith.constant 0 : i32
      %dma_start3A_35 = arith.constant 0 : i32
      %dma_start3A_36 = tpu.memref_slice %arg3[%add3A_34, %dma_start3A, %dma_start3A_35] : memref<2560x2x128xi32, #tpu.memory_space<hbm>> -> memref<1x2x128xi32, #tpu.memory_space<hbm>>
      %dma_start3A_37 = tpu.memref_squeeze %dma_start3A_36 : memref<1x2x128xi32, #tpu.memory_space<hbm>> -> memref<2x128xi32, #tpu.memory_space<hbm>>
      %dma_start3A_38 = arith.constant 0 : i32
      %dma_start3A_39 = arith.constant 0 : i32
      %dma_start3A_40 = tpu.memref_slice %arg3[%add3A_34, %dma_start3A_38, %dma_start3A_39] : memref<2560x2x128xi32, #tpu.memory_space<hbm>> -> memref<1x2x128xi32, #tpu.memory_space<hbm>>
      %dma_start3A_41 = tpu.memref_squeeze %dma_start3A_40 : memref<1x2x128xi32, #tpu.memory_space<hbm>> -> memref<2x128xi32, #tpu.memory_space<hbm>>
      tpu.enqueue_dma source(%dma_start3A_41 : memref<2x128xi32, #tpu.memory_space<hbm>>) target(%arg6 : memref<2x128xi32, #tpu.memory_space<vmem>>) target_semaphore(%arg11 : memref<!tpu.dma_semaphore, #tpu.memory_space<semaphore_mem>>)
      %gt3A_42 = arith.constant 0 : i32
      %gt3A_43 = arith.cmpi sgt, %scan3A_27, %gt3A_42 : i32
      %convert_element_type3A_44 = arith.extui %gt3A_43 : i1 to i32
      %cond3A_45 = arith.constant 0 : i32
      %cond3A_46 = arith.cmpi ne, %convert_element_type3A_44, %cond3A_45 : i32
      scf.if %cond3A_46 {
        %dma_wait3A_128 = arith.constant 1 : i32
        %dma_wait3A_129 = arith.constant 0 : i32
        %dma_wait3A_130 = tpu.memref_slice %arg7[%dma_wait3A_128, %dma_wait3A_129] : memref<2x128xi32, #tpu.memory_space<vmem>> -> memref<1x128xi32, #tpu.memory_space<vmem>>
        %dma_wait3A_131 = tpu.memref_squeeze %dma_wait3A_130 : memref<1x128xi32, #tpu.memory_space<vmem>> -> memref<128xi32, #tpu.memory_space<vmem>>
        %dma_wait3A_132 = arith.constant 0 : i32
        %dma_wait3A_133 = arith.constant 0 : i32
        %dma_wait3A_134 = tpu.memref_slice %arg10[%dma_wait3A_132, %dma_wait3A_133] : memref<10112x128xf32, #tpu.memory_space<vmem_shared>> -> memref<10112x128xf32, #tpu.memory_space<vmem_shared>>
        tpu.wait_indirect_dma semaphore(%arg16 : memref<!tpu.dma_semaphore, #tpu.memory_space<semaphore_mem>>) src(%arg9 : memref<128x128xf32, #tpu.memory_space<vmem>>) dst(%dma_wait3A_134 : memref<10112x128xf32, #tpu.memory_space<vmem_shared>>)
      } else {
      }
      %mul3A_47 = arith.constant 2 : i32
      %mul3A_48 = arith.muli %mul3A_47, %scan3A_27 : i32
      %add3A_49 = arith.constant 1 : i32
      %add3A_50 = arith.addi %mul3A_48, %add3A_49 : i32
      %add3A_51 = arith.addi %add3A_50, %mul3A_4 : i32
      %dma_start3A_52 = arith.constant 0 : i32
      %dma_start3A_53 = arith.constant 0 : i32
      %dma_start3A_54 = tpu.memref_slice %arg3[%add3A_51, %dma_start3A_52, %dma_start3A_53] : memref<2560x2x128xi32, #tpu.memory_space<hbm>> -> memref<1x2x128xi32, #tpu.memory_space<hbm>>
      %dma_start3A_55 = tpu.memref_squeeze %dma_start3A_54 : memref<1x2x128xi32, #tpu.memory_space<hbm>> -> memref<2x128xi32, #tpu.memory_space<hbm>>
      %dma_start3A_56 = arith.constant 0 : i32
      %dma_start3A_57 = arith.constant 0 : i32
      %dma_start3A_58 = tpu.memref_slice %arg3[%add3A_51, %dma_start3A_56, %dma_start3A_57] : memref<2560x2x128xi32, #tpu.memory_space<hbm>> -> memref<1x2x128xi32, #tpu.memory_space<hbm>>
      %dma_start3A_59 = tpu.memref_squeeze %dma_start3A_58 : memref<1x2x128xi32, #tpu.memory_space<hbm>> -> memref<2x128xi32, #tpu.memory_space<hbm>>
      tpu.enqueue_dma source(%dma_start3A_59 : memref<2x128xi32, #tpu.memory_space<hbm>>) target(%arg7 : memref<2x128xi32, #tpu.memory_space<vmem>>) target_semaphore(%arg12 : memref<!tpu.dma_semaphore, #tpu.memory_space<semaphore_mem>>)
      %mul3A_60 = arith.constant 2 : i32
      %mul3A_61 = arith.muli %mul3A_60, %scan3A_27 : i32
      %add3A_62 = arith.constant 0 : i32
      %add3A_63 = arith.addi %mul3A_61, %add3A_62 : i32
      %add3A_64 = arith.addi %add3A_63, %mul3A_4 : i32
      %dma_wait3A_65 = arith.constant 0 : i32
      %dma_wait3A_66 = arith.constant 0 : i32
      %dma_wait3A_67 = tpu.memref_slice %arg3[%add3A_64, %dma_wait3A_65, %dma_wait3A_66] : memref<2560x2x128xi32, #tpu.memory_space<hbm>> -> memref<1x2x128xi32, #tpu.memory_space<hbm>>
      %dma_wait3A_68 = tpu.memref_squeeze %dma_wait3A_67 : memref<1x2x128xi32, #tpu.memory_space<hbm>> -> memref<2x128xi32, #tpu.memory_space<hbm>>
      %dma_wait3A_69 = arith.constant 0 : i32
      %dma_wait3A_70 = arith.constant 0 : i32
      %dma_wait3A_71 = tpu.memref_slice %arg3[%add3A_64, %dma_wait3A_69, %dma_wait3A_70] : memref<2560x2x128xi32, #tpu.memory_space<hbm>> -> memref<1x2x128xi32, #tpu.memory_space<hbm>>
      %dma_wait3A_72 = tpu.memref_squeeze %dma_wait3A_71 : memref<1x2x128xi32, #tpu.memory_space<hbm>> -> memref<2x128xi32, #tpu.memory_space<hbm>>
      tpu.wait_dma2 semaphore(%arg11 : memref<!tpu.dma_semaphore, #tpu.memory_space<semaphore_mem>>) src(%dma_wait3A_72 : memref<2x128xi32, #tpu.memory_space<hbm>>) dst(%arg6 : memref<2x128xi32, #tpu.memory_space<vmem>>)
      %dma_start3A_73 = arith.constant 0 : i32
      %dma_start3A_74 = arith.constant 0 : i32
      %dma_start3A_75 = tpu.memref_slice %arg6[%dma_start3A_73, %dma_start3A_74] : memref<2x128xi32, #tpu.memory_space<vmem>> -> memref<1x128xi32, #tpu.memory_space<vmem>>
      %dma_start3A_76 = tpu.memref_squeeze %dma_start3A_75 : memref<1x128xi32, #tpu.memory_space<vmem>> -> memref<128xi32, #tpu.memory_space<vmem>>
      %dma_start3A_77 = arith.constant 0 : i32
      %dma_start3A_78 = arith.constant 0 : i32
      %dma_start3A_79 = tpu.memref_slice %arg2[%dma_start3A_77, %dma_start3A_78] : memref<20000x128xf32, #tpu.memory_space<hbm>> -> memref<20000x128xf32, #tpu.memory_space<hbm>>
      tpu.enqueue_indirect_dma source(%dma_start3A_79 : memref<20000x128xf32, #tpu.memory_space<hbm>>) target(%arg8 : memref<128x128xf32, #tpu.memory_space<vmem>>) offsets(%dma_start3A_76 : memref<128xi32, #tpu.memory_space<vmem>>) semaphore(%arg13 : memref<!tpu.dma_semaphore, #tpu.memory_space<semaphore_mem>>)
      %mul3A_80 = arith.constant 2 : i32
      %mul3A_81 = arith.muli %mul3A_80, %scan3A_27 : i32
      %add3A_82 = arith.constant 1 : i32
      %add3A_83 = arith.addi %mul3A_81, %add3A_82 : i32
      %add3A_84 = arith.addi %add3A_83, %mul3A_4 : i32
      %dma_wait3A_85 = arith.constant 0 : i32
      %dma_wait3A_86 = arith.constant 0 : i32
      %dma_wait3A_87 = tpu.memref_slice %arg3[%add3A_84, %dma_wait3A_85, %dma_wait3A_86] : memref<2560x2x128xi32, #tpu.memory_space<hbm>> -> memref<1x2x128xi32, #tpu.memory_space<hbm>>
      %dma_wait3A_88 = tpu.memref_squeeze %dma_wait3A_87 : memref<1x2x128xi32, #tpu.memory_space<hbm>> -> memref<2x128xi32, #tpu.memory_space<hbm>>
      %dma_wait3A_89 = arith.constant 0 : i32
      %dma_wait3A_90 = arith.constant 0 : i32
      %dma_wait3A_91 = tpu.memref_slice %arg3[%add3A_84, %dma_wait3A_89, %dma_wait3A_90] : memref<2560x2x128xi32, #tpu.memory_space<hbm>> -> memref<1x2x128xi32, #tpu.memory_space<hbm>>
      %dma_wait3A_92 = tpu.memref_squeeze %dma_wait3A_91 : memref<1x2x128xi32, #tpu.memory_space<hbm>> -> memref<2x128xi32, #tpu.memory_space<hbm>>
      tpu.wait_dma2 semaphore(%arg12 : memref<!tpu.dma_semaphore, #tpu.memory_space<semaphore_mem>>) src(%dma_wait3A_92 : memref<2x128xi32, #tpu.memory_space<hbm>>) dst(%arg7 : memref<2x128xi32, #tpu.memory_space<vmem>>)
      %dma_start3A_93 = arith.constant 0 : i32
      %dma_start3A_94 = arith.constant 0 : i32
      %dma_start3A_95 = tpu.memref_slice %arg7[%dma_start3A_93, %dma_start3A_94] : memref<2x128xi32, #tpu.memory_space<vmem>> -> memref<1x128xi32, #tpu.memory_space<vmem>>
      %dma_start3A_96 = tpu.memref_squeeze %dma_start3A_95 : memref<1x128xi32, #tpu.memory_space<vmem>> -> memref<128xi32, #tpu.memory_space<vmem>>
      %dma_start3A_97 = arith.constant 0 : i32
      %dma_start3A_98 = arith.constant 0 : i32
      %dma_start3A_99 = tpu.memref_slice %arg2[%dma_start3A_97, %dma_start3A_98] : memref<20000x128xf32, #tpu.memory_space<hbm>> -> memref<20000x128xf32, #tpu.memory_space<hbm>>
      tpu.enqueue_indirect_dma source(%dma_start3A_99 : memref<20000x128xf32, #tpu.memory_space<hbm>>) target(%arg9 : memref<128x128xf32, #tpu.memory_space<vmem>>) offsets(%dma_start3A_96 : memref<128xi32, #tpu.memory_space<vmem>>) semaphore(%arg14 : memref<!tpu.dma_semaphore, #tpu.memory_space<semaphore_mem>>)
      %dma_wait3A_100 = arith.constant 0 : i32
      %dma_wait3A_101 = arith.constant 0 : i32
      %dma_wait3A_102 = tpu.memref_slice %arg6[%dma_wait3A_100, %dma_wait3A_101] : memref<2x128xi32, #tpu.memory_space<vmem>> -> memref<1x128xi32, #tpu.memory_space<vmem>>
      %dma_wait3A_103 = tpu.memref_squeeze %dma_wait3A_102 : memref<1x128xi32, #tpu.memory_space<vmem>> -> memref<128xi32, #tpu.memory_space<vmem>>
      %dma_wait3A_104 = arith.constant 0 : i32
      %dma_wait3A_105 = arith.constant 0 : i32
      %dma_wait3A_106 = tpu.memref_slice %arg2[%dma_wait3A_104, %dma_wait3A_105] : memref<20000x128xf32, #tpu.memory_space<hbm>> -> memref<20000x128xf32, #tpu.memory_space<hbm>>
      tpu.wait_indirect_dma semaphore(%arg13 : memref<!tpu.dma_semaphore, #tpu.memory_space<semaphore_mem>>) src(%dma_wait3A_106 : memref<20000x128xf32, #tpu.memory_space<hbm>>) dst(%arg8 : memref<128x128xf32, #tpu.memory_space<vmem>>)
      %dma_start3A_107 = arith.constant 1 : i32
      %dma_start3A_108 = arith.constant 0 : i32
      %dma_start3A_109 = tpu.memref_slice %arg6[%dma_start3A_107, %dma_start3A_108] : memref<2x128xi32, #tpu.memory_space<vmem>> -> memref<1x128xi32, #tpu.memory_space<vmem>>
      %dma_start3A_110 = tpu.memref_squeeze %dma_start3A_109 : memref<1x128xi32, #tpu.memory_space<vmem>> -> memref<128xi32, #tpu.memory_space<vmem>>
      %dma_start3A_111 = arith.constant 0 : i32
      %dma_start3A_112 = arith.constant 0 : i32
      %dma_start3A_113 = tpu.memref_slice %arg10[%dma_start3A_111, %dma_start3A_112] : memref<10112x128xf32, #tpu.memory_space<vmem_shared>> -> memref<10112x128xf32, #tpu.memory_space<vmem_shared>>
      tpu.enqueue_indirect_dma source(%arg8 : memref<128x128xf32, #tpu.memory_space<vmem>>) target(%dma_start3A_113 : memref<10112x128xf32, #tpu.memory_space<vmem_shared>>) offsets(%dma_start3A_110 : memref<128xi32, #tpu.memory_space<vmem>>) semaphore(%arg15 : memref<!tpu.dma_semaphore, #tpu.memory_space<semaphore_mem>>) {add = true}
      %dma_wait3A_114 = arith.constant 0 : i32
      %dma_wait3A_115 = arith.constant 0 : i32
      %dma_wait3A_116 = tpu.memref_slice %arg7[%dma_wait3A_114, %dma_wait3A_115] : memref<2x128xi32, #tpu.memory_space<vmem>> -> memref<1x128xi32, #tpu.memory_space<vmem>>
      %dma_wait3A_117 = tpu.memref_squeeze %dma_wait3A_116 : memref<1x128xi32, #tpu.memory_space<vmem>> -> memref<128xi32, #tpu.memory_space<vmem>>
      %dma_wait3A_118 = arith.constant 0 : i32
      %dma_wait3A_119 = arith.constant 0 : i32
      %dma_wait3A_120 = tpu.memref_slice %arg2[%dma_wait3A_118, %dma_wait3A_119] : memref<20000x128xf32, #tpu.memory_space<hbm>> -> memref<20000x128xf32, #tpu.memory_space<hbm>>
      tpu.wait_indirect_dma semaphore(%arg14 : memref<!tpu.dma_semaphore, #tpu.memory_space<semaphore_mem>>) src(%dma_wait3A_120 : memref<20000x128xf32, #tpu.memory_space<hbm>>) dst(%arg9 : memref<128x128xf32, #tpu.memory_space<vmem>>)
      %dma_start3A_121 = arith.constant 1 : i32
      %dma_start3A_122 = arith.constant 0 : i32
      %dma_start3A_123 = tpu.memref_slice %arg7[%dma_start3A_121, %dma_start3A_122] : memref<2x128xi32, #tpu.memory_space<vmem>> -> memref<1x128xi32, #tpu.memory_space<vmem>>
      %dma_start3A_124 = tpu.memref_squeeze %dma_start3A_123 : memref<1x128xi32, #tpu.memory_space<vmem>> -> memref<128xi32, #tpu.memory_space<vmem>>
      %dma_start3A_125 = arith.constant 0 : i32
      %dma_start3A_126 = arith.constant 0 : i32
      %dma_start3A_127 = tpu.memref_slice %arg10[%dma_start3A_125, %dma_start3A_126] : memref<10112x128xf32, #tpu.memory_space<vmem_shared>> -> memref<10112x128xf32, #tpu.memory_space<vmem_shared>>
      tpu.enqueue_indirect_dma source(%arg9 : memref<128x128xf32, #tpu.memory_space<vmem>>) target(%dma_start3A_127 : memref<10112x128xf32, #tpu.memory_space<vmem_shared>>) offsets(%dma_start3A_124 : memref<128xi32, #tpu.memory_space<vmem>>) semaphore(%arg16 : memref<!tpu.dma_semaphore, #tpu.memory_space<semaphore_mem>>) {add = true}
    }
    %scan3A_9 = arith.constant 40 : i32
    %dma_wait3A = arith.constant 1 : i32
    %dma_wait3A_10 = arith.constant 0 : i32
    %dma_wait3A_11 = tpu.memref_slice %arg6[%dma_wait3A, %dma_wait3A_10] : memref<2x128xi32, #tpu.memory_space<vmem>> -> memref<1x128xi32, #tpu.memory_space<vmem>>
    %dma_wait3A_12 = tpu.memref_squeeze %dma_wait3A_11 : memref<1x128xi32, #tpu.memory_space<vmem>> -> memref<128xi32, #tpu.memory_space<vmem>>
    %dma_wait3A_13 = arith.constant 0 : i32
    %dma_wait3A_14 = arith.constant 0 : i32
    %dma_wait3A_15 = tpu.memref_slice %arg10[%dma_wait3A_13, %dma_wait3A_14] : memref<10112x128xf32, #tpu.memory_space<vmem_shared>> -> memref<10112x128xf32, #tpu.memory_space<vmem_shared>>
    tpu.wait_indirect_dma semaphore(%arg15 : memref<!tpu.dma_semaphore, #tpu.memory_space<semaphore_mem>>) src(%arg8 : memref<128x128xf32, #tpu.memory_space<vmem>>) dst(%dma_wait3A_15 : memref<10112x128xf32, #tpu.memory_space<vmem_shared>>)
    %dma_wait3A_16 = arith.constant 1 : i32
    %dma_wait3A_17 = arith.constant 0 : i32
    %dma_wait3A_18 = tpu.memref_slice %arg7[%dma_wait3A_16, %dma_wait3A_17] : memref<2x128xi32, #tpu.memory_space<vmem>> -> memref<1x128xi32, #tpu.memory_space<vmem>>
    %dma_wait3A_19 = tpu.memref_squeeze %dma_wait3A_18 : memref<1x128xi32, #tpu.memory_space<vmem>> -> memref<128xi32, #tpu.memory_space<vmem>>
    %dma_wait3A_20 = arith.constant 0 : i32
    %dma_wait3A_21 = arith.constant 0 : i32
    %dma_wait3A_22 = tpu.memref_slice %arg10[%dma_wait3A_20, %dma_wait3A_21] : memref<10112x128xf32, #tpu.memory_space<vmem_shared>> -> memref<10112x128xf32, #tpu.memory_space<vmem_shared>>
    tpu.wait_indirect_dma semaphore(%arg16 : memref<!tpu.dma_semaphore, #tpu.memory_space<semaphore_mem>>) src(%arg9 : memref<128x128xf32, #tpu.memory_space<vmem>>) dst(%dma_wait3A_22 : memref<10112x128xf32, #tpu.memory_space<vmem_shared>>)
    %barrier3A_23 = arith.constant 0 : index
    tpu.barrier barrier_id(%barrier3A_23)
    %mul3A_24 = arith.constant 10112 : i32
    %mul3A_25 = arith.muli %arg0, %mul3A_24 : i32
    %add3A_26 = arith.addi %mul3A_25, %mul3A_0 : i32
    "tpu.region"() ({
      %run_scoped3A = tpu.sem_alloc : memref<!tpu.dma_semaphore, #tpu.memory_space<semaphore_mem>>
      %dma_start3A = arith.constant 0 : i32
      %dma_start3A_27 = tpu.memref_slice %arg5[%add3A_26, %dma_start3A] : memref<20224x128xf32, #tpu.memory_space<hbm>> -> memref<632x128xf32, #tpu.memory_space<hbm>>
      %dma_start3A_28 = arith.constant 0 : i32
      %dma_start3A_29 = tpu.memref_slice %arg10[%mul3A_0, %dma_start3A_28] : memref<10112x128xf32, #tpu.memory_space<vmem_shared>> -> memref<632x128xf32, #tpu.memory_space<vmem_shared>>
      tpu.enqueue_dma source(%dma_start3A_29 : memref<632x128xf32, #tpu.memory_space<vmem_shared>>) target(%dma_start3A_27 : memref<632x128xf32, #tpu.memory_space<hbm>>) target_semaphore(%run_scoped3A : memref<!tpu.dma_semaphore, #tpu.memory_space<semaphore_mem>>)
      %dma_wait3A_30 = arith.constant 0 : i32
      %dma_wait3A_31 = tpu.memref_slice %arg5[%add3A_26, %dma_wait3A_30] : memref<20224x128xf32, #tpu.memory_space<hbm>> -> memref<632x128xf32, #tpu.memory_space<hbm>>
      %dma_wait3A_32 = arith.constant 0 : i32
      %dma_wait3A_33 = tpu.memref_slice %arg10[%mul3A_0, %dma_wait3A_32] : memref<10112x128xf32, #tpu.memory_space<vmem_shared>> -> memref<632x128xf32, #tpu.memory_space<vmem_shared>>
      tpu.wait_dma2 semaphore(%run_scoped3A : memref<!tpu.dma_semaphore, #tpu.memory_space<semaphore_mem>>) src(%dma_wait3A_33 : memref<632x128xf32, #tpu.memory_space<vmem_shared>>) dst(%dma_wait3A_31 : memref<632x128xf32, #tpu.memory_space<hbm>>)
      tpu.yield
    }) : () -> ()
    return
  }
}

#map = affine_map<(d0, d1) -> (0, 0)>
#map1 = affine_map<(d0, d1) -> (0, 0, 0)>
module attributes {stable_mosaic.version = 14 : i64} {
  func.func @_agg_body(%arg0: i32, %arg1: i32, %arg2: memref<20000x128xf32, #tpu.memory_space<hbm>>, %arg3: memref<2560x2x128xi32, #tpu.memory_space<hbm>>, %arg4: memref<632x128xf32, #tpu.memory_space<hbm>>, %arg5: memref<20224x128xf32, #tpu.memory_space<hbm>>, %arg6: memref<2x128xi32, #tpu.memory_space<vmem>>, %arg7: memref<2x128xi32, #tpu.memory_space<vmem>>, %arg8: memref<128x128xf32, #tpu.memory_space<vmem>>, %arg9: memref<128x128xf32, #tpu.memory_space<vmem>>, %arg10: memref<10112x128xf32, #tpu.memory_space<vmem_shared>>, %arg11: memref<!tpu.dma_semaphore, #tpu.memory_space<semaphore_mem>>, %arg12: memref<!tpu.dma_semaphore, #tpu.memory_space<semaphore_mem>>, %arg13: memref<!tpu.dma_semaphore, #tpu.memory_space<semaphore_mem>>, %arg14: memref<!tpu.dma_semaphore, #tpu.memory_space<semaphore_mem>>, %arg15: memref<!tpu.dma_semaphore, #tpu.memory_space<semaphore_mem>>, %arg16: memref<!tpu.dma_semaphore, #tpu.memory_space<semaphore_mem>>) attributes {dimension_semantics = [#tpu.dimension_semantics<core_parallel>, #tpu.dimension_semantics<subcore_parallel>], iteration_bounds = array<i64: 2, 16>, scalar_prefetch = 0 : i64, scratch_operands = 11 : i64, tpu.core_type = #tpu.core_type<sc_vector_subcore>, window_params = [{transform_indices = #map}, {transform_indices = #map1}, {transform_indices = #map}, {transform_indices = #map}]} {
    %mul3A = arith.constant 632 : i32
    %mul3A_0 = arith.muli %arg1, %mul3A : i32
    "tpu.region"() ({
      %run_scoped3A = tpu.sem_alloc : memref<!tpu.dma_semaphore, #tpu.memory_space<semaphore_mem>>
      %dma_start3A = arith.constant 0 : i32
      %dma_start3A_27 = tpu.memref_slice %arg10[%mul3A_0, %dma_start3A] : memref<10112x128xf32, #tpu.memory_space<vmem_shared>> -> memref<632x128xf32, #tpu.memory_space<vmem_shared>>
      tpu.enqueue_dma source(%arg4 : memref<632x128xf32, #tpu.memory_space<hbm>>) target(%dma_start3A_27 : memref<632x128xf32, #tpu.memory_space<vmem_shared>>) target_semaphore(%run_scoped3A : memref<!tpu.dma_semaphore, #tpu.memory_space<semaphore_mem>>)
      %dma_wait3A_28 = arith.constant 0 : i32
      %dma_wait3A_29 = tpu.memref_slice %arg10[%mul3A_0, %dma_wait3A_28] : memref<10112x128xf32, #tpu.memory_space<vmem_shared>> -> memref<632x128xf32, #tpu.memory_space<vmem_shared>>
      tpu.wait_dma2 semaphore(%run_scoped3A : memref<!tpu.dma_semaphore, #tpu.memory_space<semaphore_mem>>) src(%arg4 : memref<632x128xf32, #tpu.memory_space<hbm>>) dst(%dma_wait3A_29 : memref<632x128xf32, #tpu.memory_space<vmem_shared>>)
      tpu.yield
    }) : () -> ()
    %barrier3A = arith.constant 0 : index
    tpu.barrier barrier_id(%barrier3A)
    %mul3A_1 = arith.constant 16 : i32
    %mul3A_2 = arith.muli %arg0, %mul3A_1 : i32
    %add3A = arith.addi %mul3A_2, %arg1 : i32
    %mul3A_3 = arith.constant 80 : i32
    %mul3A_4 = arith.muli %add3A, %mul3A_3 : i32
    %scan3A = arith.constant 0 : i32
    %scan3A_5 = arith.constant 0 : i32
    %scan3A_6 = arith.constant 40 : i32
    %scan3A_7 = arith.addi %scan3A_5, %scan3A_6 : i32
    %scan3A_8 = arith.constant 1 : i32
    scf.for %scan3A_27 = %scan3A_5 to %scan3A_7 step %scan3A_8  : i32 {
      %gt3A = arith.constant 0 : i32
      %gt3A_28 = arith.cmpi sgt, %scan3A_27, %gt3A : i32
      %convert_element_type3A = arith.extui %gt3A_28 : i1 to i32
      %cond3A = arith.constant 0 : i32
      %cond3A_29 = arith.cmpi ne, %convert_element_type3A, %cond3A : i32
      scf.if %cond3A_29 {
        %dma_wait3A_128 = arith.constant 1 : i32
        %dma_wait3A_129 = arith.constant 0 : i32
        %dma_wait3A_130 = tpu.memref_slice %arg6[%dma_wait3A_128, %dma_wait3A_129] : memref<2x128xi32, #tpu.memory_space<vmem>> -> memref<1x128xi32, #tpu.memory_space<vmem>>
        %dma_wait3A_131 = tpu.memref_squeeze %dma_wait3A_130 : memref<1x128xi32, #tpu.memory_space<vmem>> -> memref<128xi32, #tpu.memory_space<vmem>>
        %dma_wait3A_132 = arith.constant 0 : i32
        %dma_wait3A_133 = arith.constant 0 : i32
        %dma_wait3A_134 = tpu.memref_slice %arg10[%dma_wait3A_132, %dma_wait3A_133] : memref<10112x128xf32, #tpu.memory_space<vmem_shared>> -> memref<10112x128xf32, #tpu.memory_space<vmem_shared>>
        tpu.wait_indirect_dma semaphore(%arg15 : memref<!tpu.dma_semaphore, #tpu.memory_space<semaphore_mem>>) src(%arg8 : memref<128x128xf32, #tpu.memory_space<vmem>>) dst(%dma_wait3A_134 : memref<10112x128xf32, #tpu.memory_space<vmem_shared>>)
      } else {
      }
      %mul3A_30 = arith.constant 2 : i32
      %mul3A_31 = arith.muli %mul3A_30, %scan3A_27 : i32
      %add3A_32 = arith.constant 0 : i32
      %add3A_33 = arith.addi %mul3A_31, %add3A_32 : i32
      %add3A_34 = arith.addi %add3A_33, %mul3A_4 : i32
      %dma_start3A = arith.constant 0 : i32
      %dma_start3A_35 = arith.constant 0 : i32
      %dma_start3A_36 = tpu.memref_slice %arg3[%add3A_34, %dma_start3A, %dma_start3A_35] : memref<2560x2x128xi32, #tpu.memory_space<hbm>> -> memref<1x2x128xi32, #tpu.memory_space<hbm>>
      %dma_start3A_37 = tpu.memref_squeeze %dma_start3A_36 : memref<1x2x128xi32, #tpu.memory_space<hbm>> -> memref<2x128xi32, #tpu.memory_space<hbm>>
      %dma_start3A_38 = arith.constant 0 : i32
      %dma_start3A_39 = arith.constant 0 : i32
      %dma_start3A_40 = tpu.memref_slice %arg3[%add3A_34, %dma_start3A_38, %dma_start3A_39] : memref<2560x2x128xi32, #tpu.memory_space<hbm>> -> memref<1x2x128xi32, #tpu.memory_space<hbm>>
      %dma_start3A_41 = tpu.memref_squeeze %dma_start3A_40 : memref<1x2x128xi32, #tpu.memory_space<hbm>> -> memref<2x128xi32, #tpu.memory_space<hbm>>
      tpu.enqueue_dma source(%dma_start3A_41 : memref<2x128xi32, #tpu.memory_space<hbm>>) target(%arg6 : memref<2x128xi32, #tpu.memory_space<vmem>>) target_semaphore(%arg11 : memref<!tpu.dma_semaphore, #tpu.memory_space<semaphore_mem>>)
      %gt3A_42 = arith.constant 0 : i32
      %gt3A_43 = arith.cmpi sgt, %scan3A_27, %gt3A_42 : i32
      %convert_element_type3A_44 = arith.extui %gt3A_43 : i1 to i32
      %cond3A_45 = arith.constant 0 : i32
      %cond3A_46 = arith.cmpi ne, %convert_element_type3A_44, %cond3A_45 : i32
      scf.if %cond3A_46 {
        %dma_wait3A_128 = arith.constant 1 : i32
        %dma_wait3A_129 = arith.constant 0 : i32
        %dma_wait3A_130 = tpu.memref_slice %arg7[%dma_wait3A_128, %dma_wait3A_129] : memref<2x128xi32, #tpu.memory_space<vmem>> -> memref<1x128xi32, #tpu.memory_space<vmem>>
        %dma_wait3A_131 = tpu.memref_squeeze %dma_wait3A_130 : memref<1x128xi32, #tpu.memory_space<vmem>> -> memref<128xi32, #tpu.memory_space<vmem>>
        %dma_wait3A_132 = arith.constant 0 : i32
        %dma_wait3A_133 = arith.constant 0 : i32
        %dma_wait3A_134 = tpu.memref_slice %arg10[%dma_wait3A_132, %dma_wait3A_133] : memref<10112x128xf32, #tpu.memory_space<vmem_shared>> -> memref<10112x128xf32, #tpu.memory_space<vmem_shared>>
        tpu.wait_indirect_dma semaphore(%arg16 : memref<!tpu.dma_semaphore, #tpu.memory_space<semaphore_mem>>) src(%arg9 : memref<128x128xf32, #tpu.memory_space<vmem>>) dst(%dma_wait3A_134 : memref<10112x128xf32, #tpu.memory_space<vmem_shared>>)
      } else {
      }
      %mul3A_47 = arith.constant 2 : i32
      %mul3A_48 = arith.muli %mul3A_47, %scan3A_27 : i32
      %add3A_49 = arith.constant 1 : i32
      %add3A_50 = arith.addi %mul3A_48, %add3A_49 : i32
      %add3A_51 = arith.addi %add3A_50, %mul3A_4 : i32
      %dma_start3A_52 = arith.constant 0 : i32
      %dma_start3A_53 = arith.constant 0 : i32
      %dma_start3A_54 = tpu.memref_slice %arg3[%add3A_51, %dma_start3A_52, %dma_start3A_53] : memref<2560x2x128xi32, #tpu.memory_space<hbm>> -> memref<1x2x128xi32, #tpu.memory_space<hbm>>
      %dma_start3A_55 = tpu.memref_squeeze %dma_start3A_54 : memref<1x2x128xi32, #tpu.memory_space<hbm>> -> memref<2x128xi32, #tpu.memory_space<hbm>>
      %dma_start3A_56 = arith.constant 0 : i32
      %dma_start3A_57 = arith.constant 0 : i32
      %dma_start3A_58 = tpu.memref_slice %arg3[%add3A_51, %dma_start3A_56, %dma_start3A_57] : memref<2560x2x128xi32, #tpu.memory_space<hbm>> -> memref<1x2x128xi32, #tpu.memory_space<hbm>>
      %dma_start3A_59 = tpu.memref_squeeze %dma_start3A_58 : memref<1x2x128xi32, #tpu.memory_space<hbm>> -> memref<2x128xi32, #tpu.memory_space<hbm>>
      tpu.enqueue_dma source(%dma_start3A_59 : memref<2x128xi32, #tpu.memory_space<hbm>>) target(%arg7 : memref<2x128xi32, #tpu.memory_space<vmem>>) target_semaphore(%arg12 : memref<!tpu.dma_semaphore, #tpu.memory_space<semaphore_mem>>)
      %mul3A_60 = arith.constant 2 : i32
      %mul3A_61 = arith.muli %mul3A_60, %scan3A_27 : i32
      %add3A_62 = arith.constant 0 : i32
      %add3A_63 = arith.addi %mul3A_61, %add3A_62 : i32
      %add3A_64 = arith.addi %add3A_63, %mul3A_4 : i32
      %dma_wait3A_65 = arith.constant 0 : i32
      %dma_wait3A_66 = arith.constant 0 : i32
      %dma_wait3A_67 = tpu.memref_slice %arg3[%add3A_64, %dma_wait3A_65, %dma_wait3A_66] : memref<2560x2x128xi32, #tpu.memory_space<hbm>> -> memref<1x2x128xi32, #tpu.memory_space<hbm>>
      %dma_wait3A_68 = tpu.memref_squeeze %dma_wait3A_67 : memref<1x2x128xi32, #tpu.memory_space<hbm>> -> memref<2x128xi32, #tpu.memory_space<hbm>>
      %dma_wait3A_69 = arith.constant 0 : i32
      %dma_wait3A_70 = arith.constant 0 : i32
      %dma_wait3A_71 = tpu.memref_slice %arg3[%add3A_64, %dma_wait3A_69, %dma_wait3A_70] : memref<2560x2x128xi32, #tpu.memory_space<hbm>> -> memref<1x2x128xi32, #tpu.memory_space<hbm>>
      %dma_wait3A_72 = tpu.memref_squeeze %dma_wait3A_71 : memref<1x2x128xi32, #tpu.memory_space<hbm>> -> memref<2x128xi32, #tpu.memory_space<hbm>>
      tpu.wait_dma2 semaphore(%arg11 : memref<!tpu.dma_semaphore, #tpu.memory_space<semaphore_mem>>) src(%dma_wait3A_72 : memref<2x128xi32, #tpu.memory_space<hbm>>) dst(%arg6 : memref<2x128xi32, #tpu.memory_space<vmem>>)
      %dma_start3A_73 = arith.constant 0 : i32
      %dma_start3A_74 = arith.constant 0 : i32
      %dma_start3A_75 = tpu.memref_slice %arg6[%dma_start3A_73, %dma_start3A_74] : memref<2x128xi32, #tpu.memory_space<vmem>> -> memref<1x128xi32, #tpu.memory_space<vmem>>
      %dma_start3A_76 = tpu.memref_squeeze %dma_start3A_75 : memref<1x128xi32, #tpu.memory_space<vmem>> -> memref<128xi32, #tpu.memory_space<vmem>>
      %dma_start3A_77 = arith.constant 0 : i32
      %dma_start3A_78 = arith.constant 0 : i32
      %dma_start3A_79 = tpu.memref_slice %arg2[%dma_start3A_77, %dma_start3A_78] : memref<20000x128xf32, #tpu.memory_space<hbm>> -> memref<20000x128xf32, #tpu.memory_space<hbm>>
      tpu.enqueue_indirect_dma source(%dma_start3A_79 : memref<20000x128xf32, #tpu.memory_space<hbm>>) target(%arg8 : memref<128x128xf32, #tpu.memory_space<vmem>>) offsets(%dma_start3A_76 : memref<128xi32, #tpu.memory_space<vmem>>) semaphore(%arg13 : memref<!tpu.dma_semaphore, #tpu.memory_space<semaphore_mem>>)
      %mul3A_80 = arith.constant 2 : i32
      %mul3A_81 = arith.muli %mul3A_80, %scan3A_27 : i32
      %add3A_82 = arith.constant 1 : i32
      %add3A_83 = arith.addi %mul3A_81, %add3A_82 : i32
      %add3A_84 = arith.addi %add3A_83, %mul3A_4 : i32
      %dma_wait3A_85 = arith.constant 0 : i32
      %dma_wait3A_86 = arith.constant 0 : i32
      %dma_wait3A_87 = tpu.memref_slice %arg3[%add3A_84, %dma_wait3A_85, %dma_wait3A_86] : memref<2560x2x128xi32, #tpu.memory_space<hbm>> -> memref<1x2x128xi32, #tpu.memory_space<hbm>>
      %dma_wait3A_88 = tpu.memref_squeeze %dma_wait3A_87 : memref<1x2x128xi32, #tpu.memory_space<hbm>> -> memref<2x128xi32, #tpu.memory_space<hbm>>
      %dma_wait3A_89 = arith.constant 0 : i32
      %dma_wait3A_90 = arith.constant 0 : i32
      %dma_wait3A_91 = tpu.memref_slice %arg3[%add3A_84, %dma_wait3A_89, %dma_wait3A_90] : memref<2560x2x128xi32, #tpu.memory_space<hbm>> -> memref<1x2x128xi32, #tpu.memory_space<hbm>>
      %dma_wait3A_92 = tpu.memref_squeeze %dma_wait3A_91 : memref<1x2x128xi32, #tpu.memory_space<hbm>> -> memref<2x128xi32, #tpu.memory_space<hbm>>
      tpu.wait_dma2 semaphore(%arg12 : memref<!tpu.dma_semaphore, #tpu.memory_space<semaphore_mem>>) src(%dma_wait3A_92 : memref<2x128xi32, #tpu.memory_space<hbm>>) dst(%arg7 : memref<2x128xi32, #tpu.memory_space<vmem>>)
      %dma_start3A_93 = arith.constant 0 : i32
      %dma_start3A_94 = arith.constant 0 : i32
      %dma_start3A_95 = tpu.memref_slice %arg7[%dma_start3A_93, %dma_start3A_94] : memref<2x128xi32, #tpu.memory_space<vmem>> -> memref<1x128xi32, #tpu.memory_space<vmem>>
      %dma_start3A_96 = tpu.memref_squeeze %dma_start3A_95 : memref<1x128xi32, #tpu.memory_space<vmem>> -> memref<128xi32, #tpu.memory_space<vmem>>
      %dma_start3A_97 = arith.constant 0 : i32
      %dma_start3A_98 = arith.constant 0 : i32
      %dma_start3A_99 = tpu.memref_slice %arg2[%dma_start3A_97, %dma_start3A_98] : memref<20000x128xf32, #tpu.memory_space<hbm>> -> memref<20000x128xf32, #tpu.memory_space<hbm>>
      tpu.enqueue_indirect_dma source(%dma_start3A_99 : memref<20000x128xf32, #tpu.memory_space<hbm>>) target(%arg9 : memref<128x128xf32, #tpu.memory_space<vmem>>) offsets(%dma_start3A_96 : memref<128xi32, #tpu.memory_space<vmem>>) semaphore(%arg14 : memref<!tpu.dma_semaphore, #tpu.memory_space<semaphore_mem>>)
      %dma_wait3A_100 = arith.constant 0 : i32
      %dma_wait3A_101 = arith.constant 0 : i32
      %dma_wait3A_102 = tpu.memref_slice %arg6[%dma_wait3A_100, %dma_wait3A_101] : memref<2x128xi32, #tpu.memory_space<vmem>> -> memref<1x128xi32, #tpu.memory_space<vmem>>
      %dma_wait3A_103 = tpu.memref_squeeze %dma_wait3A_102 : memref<1x128xi32, #tpu.memory_space<vmem>> -> memref<128xi32, #tpu.memory_space<vmem>>
      %dma_wait3A_104 = arith.constant 0 : i32
      %dma_wait3A_105 = arith.constant 0 : i32
      %dma_wait3A_106 = tpu.memref_slice %arg2[%dma_wait3A_104, %dma_wait3A_105] : memref<20000x128xf32, #tpu.memory_space<hbm>> -> memref<20000x128xf32, #tpu.memory_space<hbm>>
      tpu.wait_indirect_dma semaphore(%arg13 : memref<!tpu.dma_semaphore, #tpu.memory_space<semaphore_mem>>) src(%dma_wait3A_106 : memref<20000x128xf32, #tpu.memory_space<hbm>>) dst(%arg8 : memref<128x128xf32, #tpu.memory_space<vmem>>)
      %dma_start3A_107 = arith.constant 1 : i32
      %dma_start3A_108 = arith.constant 0 : i32
      %dma_start3A_109 = tpu.memref_slice %arg6[%dma_start3A_107, %dma_start3A_108] : memref<2x128xi32, #tpu.memory_space<vmem>> -> memref<1x128xi32, #tpu.memory_space<vmem>>
      %dma_start3A_110 = tpu.memref_squeeze %dma_start3A_109 : memref<1x128xi32, #tpu.memory_space<vmem>> -> memref<128xi32, #tpu.memory_space<vmem>>
      %dma_start3A_111 = arith.constant 0 : i32
      %dma_start3A_112 = arith.constant 0 : i32
      %dma_start3A_113 = tpu.memref_slice %arg10[%dma_start3A_111, %dma_start3A_112] : memref<10112x128xf32, #tpu.memory_space<vmem_shared>> -> memref<10112x128xf32, #tpu.memory_space<vmem_shared>>
      tpu.enqueue_indirect_dma source(%arg8 : memref<128x128xf32, #tpu.memory_space<vmem>>) target(%dma_start3A_113 : memref<10112x128xf32, #tpu.memory_space<vmem_shared>>) offsets(%dma_start3A_110 : memref<128xi32, #tpu.memory_space<vmem>>) semaphore(%arg15 : memref<!tpu.dma_semaphore, #tpu.memory_space<semaphore_mem>>) {add = true}
      %dma_wait3A_114 = arith.constant 0 : i32
      %dma_wait3A_115 = arith.constant 0 : i32
      %dma_wait3A_116 = tpu.memref_slice %arg7[%dma_wait3A_114, %dma_wait3A_115] : memref<2x128xi32, #tpu.memory_space<vmem>> -> memref<1x128xi32, #tpu.memory_space<vmem>>
      %dma_wait3A_117 = tpu.memref_squeeze %dma_wait3A_116 : memref<1x128xi32, #tpu.memory_space<vmem>> -> memref<128xi32, #tpu.memory_space<vmem>>
      %dma_wait3A_118 = arith.constant 0 : i32
      %dma_wait3A_119 = arith.constant 0 : i32
      %dma_wait3A_120 = tpu.memref_slice %arg2[%dma_wait3A_118, %dma_wait3A_119] : memref<20000x128xf32, #tpu.memory_space<hbm>> -> memref<20000x128xf32, #tpu.memory_space<hbm>>
      tpu.wait_indirect_dma semaphore(%arg14 : memref<!tpu.dma_semaphore, #tpu.memory_space<semaphore_mem>>) src(%dma_wait3A_120 : memref<20000x128xf32, #tpu.memory_space<hbm>>) dst(%arg9 : memref<128x128xf32, #tpu.memory_space<vmem>>)
      %dma_start3A_121 = arith.constant 1 : i32
      %dma_start3A_122 = arith.constant 0 : i32
      %dma_start3A_123 = tpu.memref_slice %arg7[%dma_start3A_121, %dma_start3A_122] : memref<2x128xi32, #tpu.memory_space<vmem>> -> memref<1x128xi32, #tpu.memory_space<vmem>>
      %dma_start3A_124 = tpu.memref_squeeze %dma_start3A_123 : memref<1x128xi32, #tpu.memory_space<vmem>> -> memref<128xi32, #tpu.memory_space<vmem>>
      %dma_start3A_125 = arith.constant 0 : i32
      %dma_start3A_126 = arith.constant 0 : i32
      %dma_start3A_127 = tpu.memref_slice %arg10[%dma_start3A_125, %dma_start3A_126] : memref<10112x128xf32, #tpu.memory_space<vmem_shared>> -> memref<10112x128xf32, #tpu.memory_space<vmem_shared>>
      tpu.enqueue_indirect_dma source(%arg9 : memref<128x128xf32, #tpu.memory_space<vmem>>) target(%dma_start3A_127 : memref<10112x128xf32, #tpu.memory_space<vmem_shared>>) offsets(%dma_start3A_124 : memref<128xi32, #tpu.memory_space<vmem>>) semaphore(%arg16 : memref<!tpu.dma_semaphore, #tpu.memory_space<semaphore_mem>>) {add = true}
    }
    %scan3A_9 = arith.constant 40 : i32
    %dma_wait3A = arith.constant 1 : i32
    %dma_wait3A_10 = arith.constant 0 : i32
    %dma_wait3A_11 = tpu.memref_slice %arg6[%dma_wait3A, %dma_wait3A_10] : memref<2x128xi32, #tpu.memory_space<vmem>> -> memref<1x128xi32, #tpu.memory_space<vmem>>
    %dma_wait3A_12 = tpu.memref_squeeze %dma_wait3A_11 : memref<1x128xi32, #tpu.memory_space<vmem>> -> memref<128xi32, #tpu.memory_space<vmem>>
    %dma_wait3A_13 = arith.constant 0 : i32
    %dma_wait3A_14 = arith.constant 0 : i32
    %dma_wait3A_15 = tpu.memref_slice %arg10[%dma_wait3A_13, %dma_wait3A_14] : memref<10112x128xf32, #tpu.memory_space<vmem_shared>> -> memref<10112x128xf32, #tpu.memory_space<vmem_shared>>
    tpu.wait_indirect_dma semaphore(%arg15 : memref<!tpu.dma_semaphore, #tpu.memory_space<semaphore_mem>>) src(%arg8 : memref<128x128xf32, #tpu.memory_space<vmem>>) dst(%dma_wait3A_15 : memref<10112x128xf32, #tpu.memory_space<vmem_shared>>)
    %dma_wait3A_16 = arith.constant 1 : i32
    %dma_wait3A_17 = arith.constant 0 : i32
    %dma_wait3A_18 = tpu.memref_slice %arg7[%dma_wait3A_16, %dma_wait3A_17] : memref<2x128xi32, #tpu.memory_space<vmem>> -> memref<1x128xi32, #tpu.memory_space<vmem>>
    %dma_wait3A_19 = tpu.memref_squeeze %dma_wait3A_18 : memref<1x128xi32, #tpu.memory_space<vmem>> -> memref<128xi32, #tpu.memory_space<vmem>>
    %dma_wait3A_20 = arith.constant 0 : i32
    %dma_wait3A_21 = arith.constant 0 : i32
    %dma_wait3A_22 = tpu.memref_slice %arg10[%dma_wait3A_20, %dma_wait3A_21] : memref<10112x128xf32, #tpu.memory_space<vmem_shared>> -> memref<10112x128xf32, #tpu.memory_space<vmem_shared>>
    tpu.wait_indirect_dma semaphore(%arg16 : memref<!tpu.dma_semaphore, #tpu.memory_space<semaphore_mem>>) src(%arg9 : memref<128x128xf32, #tpu.memory_space<vmem>>) dst(%dma_wait3A_22 : memref<10112x128xf32, #tpu.memory_space<vmem_shared>>)
    %barrier3A_23 = arith.constant 0 : index
    tpu.barrier barrier_id(%barrier3A_23)
    %mul3A_24 = arith.constant 10112 : i32
    %mul3A_25 = arith.muli %arg0, %mul3A_24 : i32
    %add3A_26 = arith.addi %mul3A_25, %mul3A_0 : i32
    "tpu.region"() ({
      %run_scoped3A = tpu.sem_alloc : memref<!tpu.dma_semaphore, #tpu.memory_space<semaphore_mem>>
      %dma_start3A = arith.constant 0 : i32
      %dma_start3A_27 = tpu.memref_slice %arg5[%add3A_26, %dma_start3A] : memref<20224x128xf32, #tpu.memory_space<hbm>> -> memref<632x128xf32, #tpu.memory_space<hbm>>
      %dma_start3A_28 = arith.constant 0 : i32
      %dma_start3A_29 = tpu.memref_slice %arg10[%mul3A_0, %dma_start3A_28] : memref<10112x128xf32, #tpu.memory_space<vmem_shared>> -> memref<632x128xf32, #tpu.memory_space<vmem_shared>>
      tpu.enqueue_dma source(%dma_start3A_29 : memref<632x128xf32, #tpu.memory_space<vmem_shared>>) target(%dma_start3A_27 : memref<632x128xf32, #tpu.memory_space<hbm>>) target_semaphore(%run_scoped3A : memref<!tpu.dma_semaphore, #tpu.memory_space<semaphore_mem>>)
      %dma_wait3A_30 = arith.constant 0 : i32
      %dma_wait3A_31 = tpu.memref_slice %arg5[%add3A_26, %dma_wait3A_30] : memref<20224x128xf32, #tpu.memory_space<hbm>> -> memref<632x128xf32, #tpu.memory_space<hbm>>
      %dma_wait3A_32 = arith.constant 0 : i32
      %dma_wait3A_33 = tpu.memref_slice %arg10[%mul3A_0, %dma_wait3A_32] : memref<10112x128xf32, #tpu.memory_space<vmem_shared>> -> memref<632x128xf32, #tpu.memory_space<vmem_shared>>
      tpu.wait_dma2 semaphore(%run_scoped3A : memref<!tpu.dma_semaphore, #tpu.memory_space<semaphore_mem>>) src(%dma_wait3A_33 : memref<632x128xf32, #tpu.memory_space<vmem_shared>>) dst(%dma_wait3A_31 : memref<632x128xf32, #tpu.memory_space<hbm>>)
      tpu.yield
    }) : () -> ()
    return
  }
}

#map = affine_map<(d0, d1) -> (0, 0)>
#map1 = affine_map<(d0, d1) -> (0, 0, 0)>
module attributes {stable_mosaic.version = 14 : i64} {
  func.func @_agg_body(%arg0: i32, %arg1: i32, %arg2: memref<20000x128xf32, #tpu.memory_space<hbm>>, %arg3: memref<2560x2x128xi32, #tpu.memory_space<hbm>>, %arg4: memref<632x128xf32, #tpu.memory_space<hbm>>, %arg5: memref<20224x128xf32, #tpu.memory_space<hbm>>, %arg6: memref<2x128xi32, #tpu.memory_space<vmem>>, %arg7: memref<2x128xi32, #tpu.memory_space<vmem>>, %arg8: memref<128x128xf32, #tpu.memory_space<vmem>>, %arg9: memref<128x128xf32, #tpu.memory_space<vmem>>, %arg10: memref<10112x128xf32, #tpu.memory_space<vmem_shared>>, %arg11: memref<!tpu.dma_semaphore, #tpu.memory_space<semaphore_mem>>, %arg12: memref<!tpu.dma_semaphore, #tpu.memory_space<semaphore_mem>>, %arg13: memref<!tpu.dma_semaphore, #tpu.memory_space<semaphore_mem>>, %arg14: memref<!tpu.dma_semaphore, #tpu.memory_space<semaphore_mem>>, %arg15: memref<!tpu.dma_semaphore, #tpu.memory_space<semaphore_mem>>, %arg16: memref<!tpu.dma_semaphore, #tpu.memory_space<semaphore_mem>>) attributes {dimension_semantics = [#tpu.dimension_semantics<core_parallel>, #tpu.dimension_semantics<subcore_parallel>], iteration_bounds = array<i64: 2, 16>, scalar_prefetch = 0 : i64, scratch_operands = 11 : i64, tpu.core_type = #tpu.core_type<sc_vector_subcore>, window_params = [{transform_indices = #map}, {transform_indices = #map1}, {transform_indices = #map}, {transform_indices = #map}]} {
    %mul3A = arith.constant 632 : i32
    %mul3A_0 = arith.muli %arg1, %mul3A : i32
    "tpu.region"() ({
      %run_scoped3A = tpu.sem_alloc : memref<!tpu.dma_semaphore, #tpu.memory_space<semaphore_mem>>
      %dma_start3A = arith.constant 0 : i32
      %dma_start3A_27 = tpu.memref_slice %arg10[%mul3A_0, %dma_start3A] : memref<10112x128xf32, #tpu.memory_space<vmem_shared>> -> memref<632x128xf32, #tpu.memory_space<vmem_shared>>
      tpu.enqueue_dma source(%arg4 : memref<632x128xf32, #tpu.memory_space<hbm>>) target(%dma_start3A_27 : memref<632x128xf32, #tpu.memory_space<vmem_shared>>) target_semaphore(%run_scoped3A : memref<!tpu.dma_semaphore, #tpu.memory_space<semaphore_mem>>)
      %dma_wait3A_28 = arith.constant 0 : i32
      %dma_wait3A_29 = tpu.memref_slice %arg10[%mul3A_0, %dma_wait3A_28] : memref<10112x128xf32, #tpu.memory_space<vmem_shared>> -> memref<632x128xf32, #tpu.memory_space<vmem_shared>>
      tpu.wait_dma2 semaphore(%run_scoped3A : memref<!tpu.dma_semaphore, #tpu.memory_space<semaphore_mem>>) src(%arg4 : memref<632x128xf32, #tpu.memory_space<hbm>>) dst(%dma_wait3A_29 : memref<632x128xf32, #tpu.memory_space<vmem_shared>>)
      tpu.yield
    }) : () -> ()
    %barrier3A = arith.constant 0 : index
    tpu.barrier barrier_id(%barrier3A)
    %mul3A_1 = arith.constant 16 : i32
    %mul3A_2 = arith.muli %arg0, %mul3A_1 : i32
    %add3A = arith.addi %mul3A_2, %arg1 : i32
    %mul3A_3 = arith.constant 80 : i32
    %mul3A_4 = arith.muli %add3A, %mul3A_3 : i32
    %scan3A = arith.constant 0 : i32
    %scan3A_5 = arith.constant 0 : i32
    %scan3A_6 = arith.constant 40 : i32
    %scan3A_7 = arith.addi %scan3A_5, %scan3A_6 : i32
    %scan3A_8 = arith.constant 1 : i32
    scf.for %scan3A_27 = %scan3A_5 to %scan3A_7 step %scan3A_8  : i32 {
      %gt3A = arith.constant 0 : i32
      %gt3A_28 = arith.cmpi sgt, %scan3A_27, %gt3A : i32
      %convert_element_type3A = arith.extui %gt3A_28 : i1 to i32
      %cond3A = arith.constant 0 : i32
      %cond3A_29 = arith.cmpi ne, %convert_element_type3A, %cond3A : i32
      scf.if %cond3A_29 {
        %dma_wait3A_128 = arith.constant 1 : i32
        %dma_wait3A_129 = arith.constant 0 : i32
        %dma_wait3A_130 = tpu.memref_slice %arg6[%dma_wait3A_128, %dma_wait3A_129] : memref<2x128xi32, #tpu.memory_space<vmem>> -> memref<1x128xi32, #tpu.memory_space<vmem>>
        %dma_wait3A_131 = tpu.memref_squeeze %dma_wait3A_130 : memref<1x128xi32, #tpu.memory_space<vmem>> -> memref<128xi32, #tpu.memory_space<vmem>>
        %dma_wait3A_132 = arith.constant 0 : i32
        %dma_wait3A_133 = arith.constant 0 : i32
        %dma_wait3A_134 = tpu.memref_slice %arg10[%dma_wait3A_132, %dma_wait3A_133] : memref<10112x128xf32, #tpu.memory_space<vmem_shared>> -> memref<10112x128xf32, #tpu.memory_space<vmem_shared>>
        tpu.wait_indirect_dma semaphore(%arg15 : memref<!tpu.dma_semaphore, #tpu.memory_space<semaphore_mem>>) src(%arg8 : memref<128x128xf32, #tpu.memory_space<vmem>>) dst(%dma_wait3A_134 : memref<10112x128xf32, #tpu.memory_space<vmem_shared>>)
      } else {
      }
      %mul3A_30 = arith.constant 2 : i32
      %mul3A_31 = arith.muli %mul3A_30, %scan3A_27 : i32
      %add3A_32 = arith.constant 0 : i32
      %add3A_33 = arith.addi %mul3A_31, %add3A_32 : i32
      %add3A_34 = arith.addi %add3A_33, %mul3A_4 : i32
      %dma_start3A = arith.constant 0 : i32
      %dma_start3A_35 = arith.constant 0 : i32
      %dma_start3A_36 = tpu.memref_slice %arg3[%add3A_34, %dma_start3A, %dma_start3A_35] : memref<2560x2x128xi32, #tpu.memory_space<hbm>> -> memref<1x2x128xi32, #tpu.memory_space<hbm>>
      %dma_start3A_37 = tpu.memref_squeeze %dma_start3A_36 : memref<1x2x128xi32, #tpu.memory_space<hbm>> -> memref<2x128xi32, #tpu.memory_space<hbm>>
      %dma_start3A_38 = arith.constant 0 : i32
      %dma_start3A_39 = arith.constant 0 : i32
      %dma_start3A_40 = tpu.memref_slice %arg3[%add3A_34, %dma_start3A_38, %dma_start3A_39] : memref<2560x2x128xi32, #tpu.memory_space<hbm>> -> memref<1x2x128xi32, #tpu.memory_space<hbm>>
      %dma_start3A_41 = tpu.memref_squeeze %dma_start3A_40 : memref<1x2x128xi32, #tpu.memory_space<hbm>> -> memref<2x128xi32, #tpu.memory_space<hbm>>
      tpu.enqueue_dma source(%dma_start3A_41 : memref<2x128xi32, #tpu.memory_space<hbm>>) target(%arg6 : memref<2x128xi32, #tpu.memory_space<vmem>>) target_semaphore(%arg11 : memref<!tpu.dma_semaphore, #tpu.memory_space<semaphore_mem>>)
      %gt3A_42 = arith.constant 0 : i32
      %gt3A_43 = arith.cmpi sgt, %scan3A_27, %gt3A_42 : i32
      %convert_element_type3A_44 = arith.extui %gt3A_43 : i1 to i32
      %cond3A_45 = arith.constant 0 : i32
      %cond3A_46 = arith.cmpi ne, %convert_element_type3A_44, %cond3A_45 : i32
      scf.if %cond3A_46 {
        %dma_wait3A_128 = arith.constant 1 : i32
        %dma_wait3A_129 = arith.constant 0 : i32
        %dma_wait3A_130 = tpu.memref_slice %arg7[%dma_wait3A_128, %dma_wait3A_129] : memref<2x128xi32, #tpu.memory_space<vmem>> -> memref<1x128xi32, #tpu.memory_space<vmem>>
        %dma_wait3A_131 = tpu.memref_squeeze %dma_wait3A_130 : memref<1x128xi32, #tpu.memory_space<vmem>> -> memref<128xi32, #tpu.memory_space<vmem>>
        %dma_wait3A_132 = arith.constant 0 : i32
        %dma_wait3A_133 = arith.constant 0 : i32
        %dma_wait3A_134 = tpu.memref_slice %arg10[%dma_wait3A_132, %dma_wait3A_133] : memref<10112x128xf32, #tpu.memory_space<vmem_shared>> -> memref<10112x128xf32, #tpu.memory_space<vmem_shared>>
        tpu.wait_indirect_dma semaphore(%arg16 : memref<!tpu.dma_semaphore, #tpu.memory_space<semaphore_mem>>) src(%arg9 : memref<128x128xf32, #tpu.memory_space<vmem>>) dst(%dma_wait3A_134 : memref<10112x128xf32, #tpu.memory_space<vmem_shared>>)
      } else {
      }
      %mul3A_47 = arith.constant 2 : i32
      %mul3A_48 = arith.muli %mul3A_47, %scan3A_27 : i32
      %add3A_49 = arith.constant 1 : i32
      %add3A_50 = arith.addi %mul3A_48, %add3A_49 : i32
      %add3A_51 = arith.addi %add3A_50, %mul3A_4 : i32
      %dma_start3A_52 = arith.constant 0 : i32
      %dma_start3A_53 = arith.constant 0 : i32
      %dma_start3A_54 = tpu.memref_slice %arg3[%add3A_51, %dma_start3A_52, %dma_start3A_53] : memref<2560x2x128xi32, #tpu.memory_space<hbm>> -> memref<1x2x128xi32, #tpu.memory_space<hbm>>
      %dma_start3A_55 = tpu.memref_squeeze %dma_start3A_54 : memref<1x2x128xi32, #tpu.memory_space<hbm>> -> memref<2x128xi32, #tpu.memory_space<hbm>>
      %dma_start3A_56 = arith.constant 0 : i32
      %dma_start3A_57 = arith.constant 0 : i32
      %dma_start3A_58 = tpu.memref_slice %arg3[%add3A_51, %dma_start3A_56, %dma_start3A_57] : memref<2560x2x128xi32, #tpu.memory_space<hbm>> -> memref<1x2x128xi32, #tpu.memory_space<hbm>>
      %dma_start3A_59 = tpu.memref_squeeze %dma_start3A_58 : memref<1x2x128xi32, #tpu.memory_space<hbm>> -> memref<2x128xi32, #tpu.memory_space<hbm>>
      tpu.enqueue_dma source(%dma_start3A_59 : memref<2x128xi32, #tpu.memory_space<hbm>>) target(%arg7 : memref<2x128xi32, #tpu.memory_space<vmem>>) target_semaphore(%arg12 : memref<!tpu.dma_semaphore, #tpu.memory_space<semaphore_mem>>)
      %mul3A_60 = arith.constant 2 : i32
      %mul3A_61 = arith.muli %mul3A_60, %scan3A_27 : i32
      %add3A_62 = arith.constant 0 : i32
      %add3A_63 = arith.addi %mul3A_61, %add3A_62 : i32
      %add3A_64 = arith.addi %add3A_63, %mul3A_4 : i32
      %dma_wait3A_65 = arith.constant 0 : i32
      %dma_wait3A_66 = arith.constant 0 : i32
      %dma_wait3A_67 = tpu.memref_slice %arg3[%add3A_64, %dma_wait3A_65, %dma_wait3A_66] : memref<2560x2x128xi32, #tpu.memory_space<hbm>> -> memref<1x2x128xi32, #tpu.memory_space<hbm>>
      %dma_wait3A_68 = tpu.memref_squeeze %dma_wait3A_67 : memref<1x2x128xi32, #tpu.memory_space<hbm>> -> memref<2x128xi32, #tpu.memory_space<hbm>>
      %dma_wait3A_69 = arith.constant 0 : i32
      %dma_wait3A_70 = arith.constant 0 : i32
      %dma_wait3A_71 = tpu.memref_slice %arg3[%add3A_64, %dma_wait3A_69, %dma_wait3A_70] : memref<2560x2x128xi32, #tpu.memory_space<hbm>> -> memref<1x2x128xi32, #tpu.memory_space<hbm>>
      %dma_wait3A_72 = tpu.memref_squeeze %dma_wait3A_71 : memref<1x2x128xi32, #tpu.memory_space<hbm>> -> memref<2x128xi32, #tpu.memory_space<hbm>>
      tpu.wait_dma2 semaphore(%arg11 : memref<!tpu.dma_semaphore, #tpu.memory_space<semaphore_mem>>) src(%dma_wait3A_72 : memref<2x128xi32, #tpu.memory_space<hbm>>) dst(%arg6 : memref<2x128xi32, #tpu.memory_space<vmem>>)
      %dma_start3A_73 = arith.constant 0 : i32
      %dma_start3A_74 = arith.constant 0 : i32
      %dma_start3A_75 = tpu.memref_slice %arg6[%dma_start3A_73, %dma_start3A_74] : memref<2x128xi32, #tpu.memory_space<vmem>> -> memref<1x128xi32, #tpu.memory_space<vmem>>
      %dma_start3A_76 = tpu.memref_squeeze %dma_start3A_75 : memref<1x128xi32, #tpu.memory_space<vmem>> -> memref<128xi32, #tpu.memory_space<vmem>>
      %dma_start3A_77 = arith.constant 0 : i32
      %dma_start3A_78 = arith.constant 0 : i32
      %dma_start3A_79 = tpu.memref_slice %arg2[%dma_start3A_77, %dma_start3A_78] : memref<20000x128xf32, #tpu.memory_space<hbm>> -> memref<20000x128xf32, #tpu.memory_space<hbm>>
      tpu.enqueue_indirect_dma source(%dma_start3A_79 : memref<20000x128xf32, #tpu.memory_space<hbm>>) target(%arg8 : memref<128x128xf32, #tpu.memory_space<vmem>>) offsets(%dma_start3A_76 : memref<128xi32, #tpu.memory_space<vmem>>) semaphore(%arg13 : memref<!tpu.dma_semaphore, #tpu.memory_space<semaphore_mem>>)
      %mul3A_80 = arith.constant 2 : i32
      %mul3A_81 = arith.muli %mul3A_80, %scan3A_27 : i32
      %add3A_82 = arith.constant 1 : i32
      %add3A_83 = arith.addi %mul3A_81, %add3A_82 : i32
      %add3A_84 = arith.addi %add3A_83, %mul3A_4 : i32
      %dma_wait3A_85 = arith.constant 0 : i32
      %dma_wait3A_86 = arith.constant 0 : i32
      %dma_wait3A_87 = tpu.memref_slice %arg3[%add3A_84, %dma_wait3A_85, %dma_wait3A_86] : memref<2560x2x128xi32, #tpu.memory_space<hbm>> -> memref<1x2x128xi32, #tpu.memory_space<hbm>>
      %dma_wait3A_88 = tpu.memref_squeeze %dma_wait3A_87 : memref<1x2x128xi32, #tpu.memory_space<hbm>> -> memref<2x128xi32, #tpu.memory_space<hbm>>
      %dma_wait3A_89 = arith.constant 0 : i32
      %dma_wait3A_90 = arith.constant 0 : i32
      %dma_wait3A_91 = tpu.memref_slice %arg3[%add3A_84, %dma_wait3A_89, %dma_wait3A_90] : memref<2560x2x128xi32, #tpu.memory_space<hbm>> -> memref<1x2x128xi32, #tpu.memory_space<hbm>>
      %dma_wait3A_92 = tpu.memref_squeeze %dma_wait3A_91 : memref<1x2x128xi32, #tpu.memory_space<hbm>> -> memref<2x128xi32, #tpu.memory_space<hbm>>
      tpu.wait_dma2 semaphore(%arg12 : memref<!tpu.dma_semaphore, #tpu.memory_space<semaphore_mem>>) src(%dma_wait3A_92 : memref<2x128xi32, #tpu.memory_space<hbm>>) dst(%arg7 : memref<2x128xi32, #tpu.memory_space<vmem>>)
      %dma_start3A_93 = arith.constant 0 : i32
      %dma_start3A_94 = arith.constant 0 : i32
      %dma_start3A_95 = tpu.memref_slice %arg7[%dma_start3A_93, %dma_start3A_94] : memref<2x128xi32, #tpu.memory_space<vmem>> -> memref<1x128xi32, #tpu.memory_space<vmem>>
      %dma_start3A_96 = tpu.memref_squeeze %dma_start3A_95 : memref<1x128xi32, #tpu.memory_space<vmem>> -> memref<128xi32, #tpu.memory_space<vmem>>
      %dma_start3A_97 = arith.constant 0 : i32
      %dma_start3A_98 = arith.constant 0 : i32
      %dma_start3A_99 = tpu.memref_slice %arg2[%dma_start3A_97, %dma_start3A_98] : memref<20000x128xf32, #tpu.memory_space<hbm>> -> memref<20000x128xf32, #tpu.memory_space<hbm>>
      tpu.enqueue_indirect_dma source(%dma_start3A_99 : memref<20000x128xf32, #tpu.memory_space<hbm>>) target(%arg9 : memref<128x128xf32, #tpu.memory_space<vmem>>) offsets(%dma_start3A_96 : memref<128xi32, #tpu.memory_space<vmem>>) semaphore(%arg14 : memref<!tpu.dma_semaphore, #tpu.memory_space<semaphore_mem>>)
      %dma_wait3A_100 = arith.constant 0 : i32
      %dma_wait3A_101 = arith.constant 0 : i32
      %dma_wait3A_102 = tpu.memref_slice %arg6[%dma_wait3A_100, %dma_wait3A_101] : memref<2x128xi32, #tpu.memory_space<vmem>> -> memref<1x128xi32, #tpu.memory_space<vmem>>
      %dma_wait3A_103 = tpu.memref_squeeze %dma_wait3A_102 : memref<1x128xi32, #tpu.memory_space<vmem>> -> memref<128xi32, #tpu.memory_space<vmem>>
      %dma_wait3A_104 = arith.constant 0 : i32
      %dma_wait3A_105 = arith.constant 0 : i32
      %dma_wait3A_106 = tpu.memref_slice %arg2[%dma_wait3A_104, %dma_wait3A_105] : memref<20000x128xf32, #tpu.memory_space<hbm>> -> memref<20000x128xf32, #tpu.memory_space<hbm>>
      tpu.wait_indirect_dma semaphore(%arg13 : memref<!tpu.dma_semaphore, #tpu.memory_space<semaphore_mem>>) src(%dma_wait3A_106 : memref<20000x128xf32, #tpu.memory_space<hbm>>) dst(%arg8 : memref<128x128xf32, #tpu.memory_space<vmem>>)
      %dma_start3A_107 = arith.constant 1 : i32
      %dma_start3A_108 = arith.constant 0 : i32
      %dma_start3A_109 = tpu.memref_slice %arg6[%dma_start3A_107, %dma_start3A_108] : memref<2x128xi32, #tpu.memory_space<vmem>> -> memref<1x128xi32, #tpu.memory_space<vmem>>
      %dma_start3A_110 = tpu.memref_squeeze %dma_start3A_109 : memref<1x128xi32, #tpu.memory_space<vmem>> -> memref<128xi32, #tpu.memory_space<vmem>>
      %dma_start3A_111 = arith.constant 0 : i32
      %dma_start3A_112 = arith.constant 0 : i32
      %dma_start3A_113 = tpu.memref_slice %arg10[%dma_start3A_111, %dma_start3A_112] : memref<10112x128xf32, #tpu.memory_space<vmem_shared>> -> memref<10112x128xf32, #tpu.memory_space<vmem_shared>>
      tpu.enqueue_indirect_dma source(%arg8 : memref<128x128xf32, #tpu.memory_space<vmem>>) target(%dma_start3A_113 : memref<10112x128xf32, #tpu.memory_space<vmem_shared>>) offsets(%dma_start3A_110 : memref<128xi32, #tpu.memory_space<vmem>>) semaphore(%arg15 : memref<!tpu.dma_semaphore, #tpu.memory_space<semaphore_mem>>) {add = true}
      %dma_wait3A_114 = arith.constant 0 : i32
      %dma_wait3A_115 = arith.constant 0 : i32
      %dma_wait3A_116 = tpu.memref_slice %arg7[%dma_wait3A_114, %dma_wait3A_115] : memref<2x128xi32, #tpu.memory_space<vmem>> -> memref<1x128xi32, #tpu.memory_space<vmem>>
      %dma_wait3A_117 = tpu.memref_squeeze %dma_wait3A_116 : memref<1x128xi32, #tpu.memory_space<vmem>> -> memref<128xi32, #tpu.memory_space<vmem>>
      %dma_wait3A_118 = arith.constant 0 : i32
      %dma_wait3A_119 = arith.constant 0 : i32
      %dma_wait3A_120 = tpu.memref_slice %arg2[%dma_wait3A_118, %dma_wait3A_119] : memref<20000x128xf32, #tpu.memory_space<hbm>> -> memref<20000x128xf32, #tpu.memory_space<hbm>>
      tpu.wait_indirect_dma semaphore(%arg14 : memref<!tpu.dma_semaphore, #tpu.memory_space<semaphore_mem>>) src(%dma_wait3A_120 : memref<20000x128xf32, #tpu.memory_space<hbm>>) dst(%arg9 : memref<128x128xf32, #tpu.memory_space<vmem>>)
      %dma_start3A_121 = arith.constant 1 : i32
      %dma_start3A_122 = arith.constant 0 : i32
      %dma_start3A_123 = tpu.memref_slice %arg7[%dma_start3A_121, %dma_start3A_122] : memref<2x128xi32, #tpu.memory_space<vmem>> -> memref<1x128xi32, #tpu.memory_space<vmem>>
      %dma_start3A_124 = tpu.memref_squeeze %dma_start3A_123 : memref<1x128xi32, #tpu.memory_space<vmem>> -> memref<128xi32, #tpu.memory_space<vmem>>
      %dma_start3A_125 = arith.constant 0 : i32
      %dma_start3A_126 = arith.constant 0 : i32
      %dma_start3A_127 = tpu.memref_slice %arg10[%dma_start3A_125, %dma_start3A_126] : memref<10112x128xf32, #tpu.memory_space<vmem_shared>> -> memref<10112x128xf32, #tpu.memory_space<vmem_shared>>
      tpu.enqueue_indirect_dma source(%arg9 : memref<128x128xf32, #tpu.memory_space<vmem>>) target(%dma_start3A_127 : memref<10112x128xf32, #tpu.memory_space<vmem_shared>>) offsets(%dma_start3A_124 : memref<128xi32, #tpu.memory_space<vmem>>) semaphore(%arg16 : memref<!tpu.dma_semaphore, #tpu.memory_space<semaphore_mem>>) {add = true}
    }
    %scan3A_9 = arith.constant 40 : i32
    %dma_wait3A = arith.constant 1 : i32
    %dma_wait3A_10 = arith.constant 0 : i32
    %dma_wait3A_11 = tpu.memref_slice %arg6[%dma_wait3A, %dma_wait3A_10] : memref<2x128xi32, #tpu.memory_space<vmem>> -> memref<1x128xi32, #tpu.memory_space<vmem>>
    %dma_wait3A_12 = tpu.memref_squeeze %dma_wait3A_11 : memref<1x128xi32, #tpu.memory_space<vmem>> -> memref<128xi32, #tpu.memory_space<vmem>>
    %dma_wait3A_13 = arith.constant 0 : i32
    %dma_wait3A_14 = arith.constant 0 : i32
    %dma_wait3A_15 = tpu.memref_slice %arg10[%dma_wait3A_13, %dma_wait3A_14] : memref<10112x128xf32, #tpu.memory_space<vmem_shared>> -> memref<10112x128xf32, #tpu.memory_space<vmem_shared>>
    tpu.wait_indirect_dma semaphore(%arg15 : memref<!tpu.dma_semaphore, #tpu.memory_space<semaphore_mem>>) src(%arg8 : memref<128x128xf32, #tpu.memory_space<vmem>>) dst(%dma_wait3A_15 : memref<10112x128xf32, #tpu.memory_space<vmem_shared>>)
    %dma_wait3A_16 = arith.constant 1 : i32
    %dma_wait3A_17 = arith.constant 0 : i32
    %dma_wait3A_18 = tpu.memref_slice %arg7[%dma_wait3A_16, %dma_wait3A_17] : memref<2x128xi32, #tpu.memory_space<vmem>> -> memref<1x128xi32, #tpu.memory_space<vmem>>
    %dma_wait3A_19 = tpu.memref_squeeze %dma_wait3A_18 : memref<1x128xi32, #tpu.memory_space<vmem>> -> memref<128xi32, #tpu.memory_space<vmem>>
    %dma_wait3A_20 = arith.constant 0 : i32
    %dma_wait3A_21 = arith.constant 0 : i32
    %dma_wait3A_22 = tpu.memref_slice %arg10[%dma_wait3A_20, %dma_wait3A_21] : memref<10112x128xf32, #tpu.memory_space<vmem_shared>> -> memref<10112x128xf32, #tpu.memory_space<vmem_shared>>
    tpu.wait_indirect_dma semaphore(%arg16 : memref<!tpu.dma_semaphore, #tpu.memory_space<semaphore_mem>>) src(%arg9 : memref<128x128xf32, #tpu.memory_space<vmem>>) dst(%dma_wait3A_22 : memref<10112x128xf32, #tpu.memory_space<vmem_shared>>)
    %barrier3A_23 = arith.constant 0 : index
    tpu.barrier barrier_id(%barrier3A_23)
    %mul3A_24 = arith.constant 10112 : i32
    %mul3A_25 = arith.muli %arg0, %mul3A_24 : i32
    %add3A_26 = arith.addi %mul3A_25, %mul3A_0 : i32
    "tpu.region"() ({
      %run_scoped3A = tpu.sem_alloc : memref<!tpu.dma_semaphore, #tpu.memory_space<semaphore_mem>>
      %dma_start3A = arith.constant 0 : i32
      %dma_start3A_27 = tpu.memref_slice %arg5[%add3A_26, %dma_start3A] : memref<20224x128xf32, #tpu.memory_space<hbm>> -> memref<632x128xf32, #tpu.memory_space<hbm>>
      %dma_start3A_28 = arith.constant 0 : i32
      %dma_start3A_29 = tpu.memref_slice %arg10[%mul3A_0, %dma_start3A_28] : memref<10112x128xf32, #tpu.memory_space<vmem_shared>> -> memref<632x128xf32, #tpu.memory_space<vmem_shared>>
      tpu.enqueue_dma source(%dma_start3A_29 : memref<632x128xf32, #tpu.memory_space<vmem_shared>>) target(%dma_start3A_27 : memref<632x128xf32, #tpu.memory_space<hbm>>) target_semaphore(%run_scoped3A : memref<!tpu.dma_semaphore, #tpu.memory_space<semaphore_mem>>)
      %dma_wait3A_30 = arith.constant 0 : i32
      %dma_wait3A_31 = tpu.memref_slice %arg5[%add3A_26, %dma_wait3A_30] : memref<20224x128xf32, #tpu.memory_space<hbm>> -> memref<632x128xf32, #tpu.memory_space<hbm>>
      %dma_wait3A_32 = arith.constant 0 : i32
      %dma_wait3A_33 = tpu.memref_slice %arg10[%mul3A_0, %dma_wait3A_32] : memref<10112x128xf32, #tpu.memory_space<vmem_shared>> -> memref<632x128xf32, #tpu.memory_space<vmem_shared>>
      tpu.wait_dma2 semaphore(%run_scoped3A : memref<!tpu.dma_semaphore, #tpu.memory_space<semaphore_mem>>) src(%dma_wait3A_33 : memref<632x128xf32, #tpu.memory_space<vmem_shared>>) dst(%dma_wait3A_31 : memref<632x128xf32, #tpu.memory_space<hbm>>)
      tpu.yield
    }) : () -> ()
    return
  }
}

module attributes {stable_mosaic.version = 14 : i64} {
  func.func @_proj_body(%arg0: i32, %arg1: memref<400x256xf32, #tpu.memory_space<vmem>>, %arg2: memref<256x256xf32, #tpu.memory_space<vmem>>, %arg3: memref<2x400x128xf32, #tpu.memory_space<vmem>>) attributes {dimension_semantics = [#tpu.dimension_semantics<arbitrary>], iteration_bounds = array<i64: 25>, scalar_prefetch = 0 : i64, scratch_operands = 0 : i64, tpu.core_type = #tpu.core_type<tc>, window_params = [{transform_indices = @transform_0, window_bounds = array<i64: 400, 256>}, {pipeline_mode = #tpu.pipeline_mode<synchronous>, transform_indices = @transform_1, window_bounds = array<i64: 256, 256>}, {transform_indices = @transform_2, window_bounds = array<i64: 2, 400, 128>}]} {
    %get3A = arith.constant 0 : index
    %get3A_0 = arith.constant 0 : index
    %get3A_1 = vector.load %arg1[%get3A, %get3A_0] : memref<400x256xf32, #tpu.memory_space<vmem>>, vector<400x256xf32>
    %get3A_2 = arith.constant 0 : index
    %get3A_3 = arith.constant 0 : index
    %get3A_4 = vector.load %arg2[%get3A_2, %get3A_3] : memref<256x256xf32, #tpu.memory_space<vmem>>, vector<256x256xf32>
    %dot_general3A = arith.constant dense<0.000000e+00> : vector<400x256xf32>
    %dot_general3A_5 = tpu.matmul %get3A_1, %get3A_4, %dot_general3A {dimension_numbers = #tpu.dot_dimension_numbers<[1], [0], [0], [1], [0, 0, 1, 1], [], []>, transpose_lhs_hint = false} : vector<400x256xf32>, vector<256x256xf32>, vector<400x256xf32> -> vector<400x256xf32>
    %max3A = arith.constant 0.000000e+00 : f32
    %max3A_6 = vector.broadcast %max3A : f32 to vector<400x256xf32>
    %max3A_7 = arith.maximumf %dot_general3A_5, %max3A_6 : vector<400x256xf32>
    %slice3A = vector.extract_strided_slice %max3A_7 {offsets = [0, 0], sizes = [400, 128], strides = [1, 1]} : vector<400x256xf32> to vector<400x128xf32>
    %swap3A = arith.constant 0 : index
    %swap3A_8 = arith.constant 0 : index
    %swap3A_9 = arith.constant 0 : index
    %swap3A_10 = vector.load %arg3[%swap3A, %swap3A_8, %swap3A_9] : memref<2x400x128xf32, #tpu.memory_space<vmem>>, vector<1x400x128xf32>
    %swap3A_11 = vector.shape_cast %swap3A_10 : vector<1x400x128xf32> to vector<400x128xf32>
    %swap3A_12 = vector.shape_cast %slice3A : vector<400x128xf32> to vector<1x400x128xf32>
    tpu.vector_store %arg3[%swap3A, %swap3A_8, %swap3A_9], %swap3A_12 {strides = array<i32>} : memref<2x400x128xf32, #tpu.memory_space<vmem>>, vector<1x400x128xf32>,
    %slice3A_13 = vector.extract_strided_slice %max3A_7 {offsets = [0, 128], sizes = [400, 128], strides = [1, 1]} : vector<400x256xf32> to vector<400x128xf32>
    %swap3A_14 = arith.constant 1 : index
    %swap3A_15 = arith.constant 0 : index
    %swap3A_16 = arith.constant 0 : index
    %swap3A_17 = vector.load %arg3[%swap3A_14, %swap3A_15, %swap3A_16] : memref<2x400x128xf32, #tpu.memory_space<vmem>>, vector<1x400x128xf32>
    %swap3A_18 = vector.shape_cast %swap3A_17 : vector<1x400x128xf32> to vector<400x128xf32>
    %swap3A_19 = vector.shape_cast %slice3A_13 : vector<400x128xf32> to vector<1x400x128xf32>
    tpu.vector_store %arg3[%swap3A_14, %swap3A_15, %swap3A_16], %swap3A_19 {strides = array<i32>} : memref<2x400x128xf32, #tpu.memory_space<vmem>>, vector<1x400x128xf32>,
    return
  }
  func.func @transform_0(%arg0: i32) -> (i32, i32) {
    %c0_i32 = arith.constant 0 : i32
    %c0_i32_0 = arith.constant 0 : i32
    return %arg0, %c0_i32 : i32, i32
  }
  func.func @transform_1(%arg0: i32) -> (i32, i32) {
    %c0_i32 = arith.constant 0 : i32
    %c0_i32_0 = arith.constant 0 : i32
    %c0_i32_1 = arith.constant 0 : i32
    return %c0_i32, %c0_i32_0 : i32, i32
  }
  func.func @transform_2(%arg0: i32) -> (i32, i32, i32) {
    %c0_i32 = arith.constant 0 : i32
    %c0_i32_0 = arith.constant 0 : i32
    %c0_i32_1 = arith.constant 0 : i32
    return %c0_i32, %arg0, %c0_i32_0 : i32, i32, i32
  }
}

module attributes {stable_mosaic.version = 14 : i64} {
  func.func @_wmu_body(%arg0: memref<256x256xf32, #tpu.memory_space<vmem>>, %arg1: memref<256x256xf32, #tpu.memory_space<vmem>>, %arg2: memref<256x256xf32, #tpu.memory_space<vmem>>) attributes {dimension_semantics = [], scalar_prefetch = 0 : i64, scratch_operands = 0 : i64, tpu.core_type = #tpu.core_type<tc>} {
    %get3A = arith.constant 0 : index
    %get3A_0 = arith.constant 0 : index
    %get3A_1 = vector.load %arg0[%get3A, %get3A_0] : memref<256x256xf32, #tpu.memory_space<vmem>>, vector<256x256xf32>
    %get3A_2 = arith.constant 0 : index
    %get3A_3 = arith.constant 0 : index
    %get3A_4 = vector.load %arg1[%get3A_2, %get3A_3] : memref<256x256xf32, #tpu.memory_space<vmem>>, vector<256x256xf32>
    %dot_general3A = arith.constant dense<0.000000e+00> : vector<256x256xf32>
    %dot_general3A_5 = tpu.matmul %get3A_1, %get3A_4, %dot_general3A {dimension_numbers = #tpu.dot_dimension_numbers<[1], [0], [0], [1], [0, 0, 1, 1], [], []>, transpose_lhs_hint = false} : vector<256x256xf32>, vector<256x256xf32>, vector<256x256xf32> -> vector<256x256xf32>
    %swap3A = arith.constant 0 : index
    %swap3A_6 = arith.constant 0 : index
    %swap3A_7 = vector.load %arg2[%swap3A, %swap3A_6] : memref<256x256xf32, #tpu.memory_space<vmem>>, vector<256x256xf32>
    tpu.vector_store %arg2[%swap3A, %swap3A_6], %dot_general3A_5 {strides = array<i32>} : memref<256x256xf32, #tpu.memory_space<vmem>>, vector<256x256xf32>,
    return
  }
}

module attributes {stable_mosaic.version = 14 : i64} {
  func.func @_update_body(%arg0: i32, %arg1: memref<2x400x128xf32, #tpu.memory_space<vmem>>, %arg2: memref<2x400x128xf32, #tpu.memory_space<vmem>>, %arg3: memref<256x256xf32, #tpu.memory_space<vmem>>, %arg4: memref<2x400x128xf32, #tpu.memory_space<vmem>>) attributes {dimension_semantics = [#tpu.dimension_semantics<arbitrary>], iteration_bounds = array<i64: 25>, scalar_prefetch = 0 : i64, scratch_operands = 0 : i64, tpu.core_type = #tpu.core_type<tc>, window_params = [{transform_indices = @transform_0, window_bounds = array<i64: 2, 400, 128>}, {transform_indices = @transform_1, window_bounds = array<i64: 2, 400, 128>}, {pipeline_mode = #tpu.pipeline_mode<synchronous>, transform_indices = @transform_2, window_bounds = array<i64: 256, 256>}, {transform_indices = @transform_3, window_bounds = array<i64: 2, 400, 128>}]} {
    %get3A = arith.constant 0 : index
    %get3A_0 = arith.constant 0 : index
    %get3A_1 = arith.constant 0 : index
    %get3A_2 = vector.load %arg1[%get3A, %get3A_0, %get3A_1] : memref<2x400x128xf32, #tpu.memory_space<vmem>>, vector<1x400x128xf32>
    %get3A_3 = vector.shape_cast %get3A_2 : vector<1x400x128xf32> to vector<400x128xf32>
    %get3A_4 = arith.constant 1 : index
    %get3A_5 = arith.constant 0 : index
    %get3A_6 = arith.constant 0 : index
    %get3A_7 = vector.load %arg1[%get3A_4, %get3A_5, %get3A_6] : memref<2x400x128xf32, #tpu.memory_space<vmem>>, vector<1x400x128xf32>
    %get3A_8 = vector.shape_cast %get3A_7 : vector<1x400x128xf32> to vector<400x128xf32>
    %concatenate3A = tpu.concatenate %get3A_3, %get3A_8 in 1 : vector<400x128xf32>, vector<400x128xf32> -> vector<400x256xf32>
    %get3A_9 = arith.constant 0 : index
    %get3A_10 = arith.constant 0 : index
    %get3A_11 = arith.constant 0 : index
    %get3A_12 = vector.load %arg2[%get3A_9, %get3A_10, %get3A_11] : memref<2x400x128xf32, #tpu.memory_space<vmem>>, vector<1x400x128xf32>
    %get3A_13 = vector.shape_cast %get3A_12 : vector<1x400x128xf32> to vector<400x128xf32>
    %get3A_14 = arith.constant 1 : index
    %get3A_15 = arith.constant 0 : index
    %get3A_16 = arith.constant 0 : index
    %get3A_17 = vector.load %arg2[%get3A_14, %get3A_15, %get3A_16] : memref<2x400x128xf32, #tpu.memory_space<vmem>>, vector<1x400x128xf32>
    %get3A_18 = vector.shape_cast %get3A_17 : vector<1x400x128xf32> to vector<400x128xf32>
    %concatenate3A_19 = tpu.concatenate %get3A_13, %get3A_18 in 1 : vector<400x128xf32>, vector<400x128xf32> -> vector<400x256xf32>
    %get3A_20 = arith.constant 0 : index
    %get3A_21 = arith.constant 0 : index
    %get3A_22 = vector.load %arg3[%get3A_20, %get3A_21] : memref<256x256xf32, #tpu.memory_space<vmem>>, vector<256x256xf32>
    %dot_general3A = arith.constant dense<0.000000e+00> : vector<400x256xf32>
    %dot_general3A_23 = tpu.matmul %concatenate3A, %get3A_22, %dot_general3A {dimension_numbers = #tpu.dot_dimension_numbers<[1], [0], [0], [1], [0, 0, 1, 1], [], []>, transpose_lhs_hint = false} : vector<400x256xf32>, vector<256x256xf32>, vector<400x256xf32> -> vector<400x256xf32>
    %add3A = arith.addf %concatenate3A_19, %dot_general3A_23 : vector<400x256xf32>
    %max3A = arith.constant 0.000000e+00 : f32
    %max3A_24 = vector.broadcast %max3A : f32 to vector<400x256xf32>
    %max3A_25 = arith.maximumf %add3A, %max3A_24 : vector<400x256xf32>
    %slice3A = vector.extract_strided_slice %max3A_25 {offsets = [0, 0], sizes = [400, 128], strides = [1, 1]} : vector<400x256xf32> to vector<400x128xf32>
    %swap3A = arith.constant 0 : index
    %swap3A_26 = arith.constant 0 : index
    %swap3A_27 = arith.constant 0 : index
    %swap3A_28 = vector.load %arg4[%swap3A, %swap3A_26, %swap3A_27] : memref<2x400x128xf32, #tpu.memory_space<vmem>>, vector<1x400x128xf32>
    %swap3A_29 = vector.shape_cast %swap3A_28 : vector<1x400x128xf32> to vector<400x128xf32>
    %swap3A_30 = vector.shape_cast %slice3A : vector<400x128xf32> to vector<1x400x128xf32>
    tpu.vector_store %arg4[%swap3A, %swap3A_26, %swap3A_27], %swap3A_30 {strides = array<i32>} : memref<2x400x128xf32, #tpu.memory_space<vmem>>, vector<1x400x128xf32>,
    %slice3A_31 = vector.extract_strided_slice %max3A_25 {offsets = [0, 128], sizes = [400, 128], strides = [1, 1]} : vector<400x256xf32> to vector<400x128xf32>
    %swap3A_32 = arith.constant 1 : index
    %swap3A_33 = arith.constant 0 : index
    %swap3A_34 = arith.constant 0 : index
    %swap3A_35 = vector.load %arg4[%swap3A_32, %swap3A_33, %swap3A_34] : memref<2x400x128xf32, #tpu.memory_space<vmem>>, vector<1x400x128xf32>
    %swap3A_36 = vector.shape_cast %swap3A_35 : vector<1x400x128xf32> to vector<400x128xf32>
    %swap3A_37 = vector.shape_cast %slice3A_31 : vector<400x128xf32> to vector<1x400x128xf32>
    tpu.vector_store %arg4[%swap3A_32, %swap3A_33, %swap3A_34], %swap3A_37 {strides = array<i32>} : memref<2x400x128xf32, #tpu.memory_space<vmem>>, vector<1x400x128xf32>,
    return
  }
  func.func @transform_0(%arg0: i32) -> (i32, i32, i32) {
    %c0_i32 = arith.constant 0 : i32
    %c0_i32_0 = arith.constant 0 : i32
    %c0_i32_1 = arith.constant 0 : i32
    return %c0_i32, %arg0, %c0_i32_0 : i32, i32, i32
  }
  func.func @transform_1(%arg0: i32) -> (i32, i32, i32) {
    %c0_i32 = arith.constant 0 : i32
    %c0_i32_0 = arith.constant 0 : i32
    %c0_i32_1 = arith.constant 0 : i32
    return %c0_i32, %arg0, %c0_i32_0 : i32, i32, i32
  }
  func.func @transform_2(%arg0: i32) -> (i32, i32) {
    %c0_i32 = arith.constant 0 : i32
    %c0_i32_0 = arith.constant 0 : i32
    %c0_i32_1 = arith.constant 0 : i32
    return %c0_i32, %c0_i32_0 : i32, i32
  }
  func.func @transform_3(%arg0: i32) -> (i32, i32, i32) {
    %c0_i32 = arith.constant 0 : i32
    %c0_i32_0 = arith.constant 0 : i32
    %c0_i32_1 = arith.constant 0 : i32
    return %c0_i32, %arg0, %c0_i32_0 : i32, i32, i32
  }
}

module attributes {stable_mosaic.version = 14 : i64} {
  func.func @_drug_readout_body(%arg0: memref<2x10000x128xf32, #tpu.memory_space<vmem>>, %arg1: memref<10000x1xi32, #tpu.memory_space<vmem>>, %arg2: memref<256x256xf32, #tpu.memory_space<vmem>>, %arg3: memref<128x256xf32, #tpu.memory_space<vmem>>) attributes {dimension_semantics = [], scalar_prefetch = 0 : i64, scratch_operands = 0 : i64, tpu.core_type = #tpu.core_type<tc>} {
    %get3A = arith.constant 0 : index
    %get3A_0 = arith.constant 0 : index
    %get3A_1 = arith.constant 0 : index
    %get3A_2 = vector.load %arg0[%get3A, %get3A_0, %get3A_1] : memref<2x10000x128xf32, #tpu.memory_space<vmem>>, vector<1x10000x128xf32>
    %get3A_3 = vector.shape_cast %get3A_2 : vector<1x10000x128xf32> to vector<10000x128xf32>
    %get3A_4 = arith.constant 1 : index
    %get3A_5 = arith.constant 0 : index
    %get3A_6 = arith.constant 0 : index
    %get3A_7 = vector.load %arg0[%get3A_4, %get3A_5, %get3A_6] : memref<2x10000x128xf32, #tpu.memory_space<vmem>>, vector<1x10000x128xf32>
    %get3A_8 = vector.shape_cast %get3A_7 : vector<1x10000x128xf32> to vector<10000x128xf32>
    %concatenate3A = tpu.concatenate %get3A_3, %get3A_8 in 1 : vector<10000x128xf32>, vector<10000x128xf32> -> vector<10000x256xf32>
    %get3A_9 = arith.constant 0 : index
    %get3A_10 = arith.constant 0 : index
    %get3A_11 = vector.load %arg1[%get3A_9, %get3A_10] : memref<10000x1xi32, #tpu.memory_space<vmem>>, vector<10000x1xi32>
    %iota3A = tpu.iota {dimensions = array<i32: 1>} : vector<10000x128xi32>
    %eq3A = vector.broadcast %get3A_11 : vector<10000x1xi32> to vector<10000x128xi32>
    %eq3A_12 = arith.cmpi eq, %eq3A, %iota3A : vector<10000x128xi32>
    %convert_element_type3A = arith.extui %eq3A_12 : vector<10000x128xi1> to vector<10000x128xi32>
    %convert_element_type3A_13 = arith.sitofp %convert_element_type3A : vector<10000x128xi32> to vector<10000x128xf32>
    %dot_general3A = arith.constant dense<0.000000e+00> : vector<128x256xf32>
    %dot_general3A_14 = tpu.matmul %convert_element_type3A_13, %concatenate3A, %dot_general3A {dimension_numbers = #tpu.dot_dimension_numbers<[0], [0], [1], [1], [0, 1, 1, 1], [], []>, transpose_lhs_hint = false} : vector<10000x128xf32>, vector<10000x256xf32>, vector<128x256xf32> -> vector<128x256xf32>
    %broadcast_in_dim3A = arith.constant 1.000000e+00 : f32
    %broadcast_in_dim3A_15 = vector.broadcast %broadcast_in_dim3A : f32 to vector<10000x1xf32>
    %dot_general3A_16 = arith.constant dense<0.000000e+00> : vector<128x1xf32>
    %dot_general3A_17 = tpu.matmul %convert_element_type3A_13, %broadcast_in_dim3A_15, %dot_general3A_16 {dimension_numbers = #tpu.dot_dimension_numbers<[0], [0], [1], [1], [0, 1, 1, 1], [], []>, transpose_lhs_hint = false} : vector<10000x128xf32>, vector<10000x1xf32>, vector<128x1xf32> -> vector<128x1xf32>
    %max3A = arith.constant 1.000000e+00 : f32
    %max3A_18 = vector.broadcast %max3A : f32 to vector<128x1xf32>
    %max3A_19 = arith.maximumf %dot_general3A_17, %max3A_18 : vector<128x1xf32>
    %div3A = vector.broadcast %max3A_19 : vector<128x1xf32> to vector<128x256xf32>
    %div3A_20 = arith.divf %dot_general3A_14, %div3A : vector<128x256xf32>
    %get3A_21 = arith.constant 0 : index
    %get3A_22 = arith.constant 0 : index
    %get3A_23 = vector.load %arg2[%get3A_21, %get3A_22] : memref<256x256xf32, #tpu.memory_space<vmem>>, vector<256x256xf32>
    %dot_general3A_24 = arith.constant dense<0.000000e+00> : vector<128x256xf32>
    %dot_general3A_25 = tpu.matmul %div3A_20, %get3A_23, %dot_general3A_24 {dimension_numbers = #tpu.dot_dimension_numbers<[1], [0], [0], [1], [0, 0, 1, 1], [], []>, transpose_lhs_hint = false} : vector<128x256xf32>, vector<256x256xf32>, vector<128x256xf32> -> vector<128x256xf32>
    %swap3A = arith.constant 0 : index
    %swap3A_26 = arith.constant 0 : index
    %swap3A_27 = vector.load %arg3[%swap3A, %swap3A_26] : memref<128x256xf32, #tpu.memory_space<vmem>>, vector<128x256xf32>
    tpu.vector_store %arg3[%swap3A, %swap3A_26], %dot_general3A_25 {strides = array<i32>} : memref<128x256xf32, #tpu.memory_space<vmem>>, vector<128x256xf32>,
    return
  }
}

module attributes {stable_mosaic.version = 14 : i64} {
  func.func @_cmpd_readout_body(%arg0: memref<2x10000x128xf32, #tpu.memory_space<vmem>>, %arg1: memref<10000x1xi32, #tpu.memory_space<vmem>>, %arg2: memref<128x256xf32, #tpu.memory_space<vmem>>, %arg3: memref<256x512xf32, #tpu.memory_space<vmem>>, %arg4: memref<1x512xf32, #tpu.memory_space<vmem>>, %arg5: memref<512x1xf32, #tpu.memory_space<vmem>>, %arg6: memref<1x1xf32, #tpu.memory_space<vmem>>, %arg7: memref<128x1xf32, #tpu.memory_space<vmem>>, %arg8: memref<128x1xf32, #tpu.memory_space<vmem>>) attributes {dimension_semantics = [], scalar_prefetch = 0 : i64, scratch_operands = 0 : i64, tpu.core_type = #tpu.core_type<tc>} {
    %get3A = arith.constant 0 : index
    %get3A_0 = arith.constant 0 : index
    %get3A_1 = arith.constant 0 : index
    %get3A_2 = vector.load %arg0[%get3A, %get3A_0, %get3A_1] : memref<2x10000x128xf32, #tpu.memory_space<vmem>>, vector<1x10000x128xf32>
    %get3A_3 = vector.shape_cast %get3A_2 : vector<1x10000x128xf32> to vector<10000x128xf32>
    %get3A_4 = arith.constant 1 : index
    %get3A_5 = arith.constant 0 : index
    %get3A_6 = arith.constant 0 : index
    %get3A_7 = vector.load %arg0[%get3A_4, %get3A_5, %get3A_6] : memref<2x10000x128xf32, #tpu.memory_space<vmem>>, vector<1x10000x128xf32>
    %get3A_8 = vector.shape_cast %get3A_7 : vector<1x10000x128xf32> to vector<10000x128xf32>
    %concatenate3A = tpu.concatenate %get3A_3, %get3A_8 in 1 : vector<10000x128xf32>, vector<10000x128xf32> -> vector<10000x256xf32>
    %get3A_9 = arith.constant 0 : index
    %get3A_10 = arith.constant 0 : index
    %get3A_11 = vector.load %arg1[%get3A_9, %get3A_10] : memref<10000x1xi32, #tpu.memory_space<vmem>>, vector<10000x1xi32>
    %iota3A = tpu.iota {dimensions = array<i32: 1>} : vector<10000x128xi32>
    %eq3A = vector.broadcast %get3A_11 : vector<10000x1xi32> to vector<10000x128xi32>
    %eq3A_12 = arith.cmpi eq, %eq3A, %iota3A : vector<10000x128xi32>
    %convert_element_type3A = arith.extui %eq3A_12 : vector<10000x128xi1> to vector<10000x128xi32>
    %convert_element_type3A_13 = arith.sitofp %convert_element_type3A : vector<10000x128xi32> to vector<10000x128xf32>
    %get3A_14 = arith.constant 0 : index
    %get3A_15 = arith.constant 0 : index
    %get3A_16 = vector.load %arg2[%get3A_14, %get3A_15] : memref<128x256xf32, #tpu.memory_space<vmem>>, vector<128x256xf32>
    %dot_general3A = arith.constant dense<0.000000e+00> : vector<10000x256xf32>
    %dot_general3A_17 = tpu.matmul %convert_element_type3A_13, %get3A_16, %dot_general3A {dimension_numbers = #tpu.dot_dimension_numbers<[1], [0], [0], [1], [0, 0, 1, 1], [], []>, transpose_lhs_hint = false} : vector<10000x128xf32>, vector<128x256xf32>, vector<10000x256xf32> -> vector<10000x256xf32>
    %mul3A = arith.mulf %concatenate3A, %dot_general3A_17 : vector<10000x256xf32>
    %reduce_sum3A = arith.constant dense<0.000000e+00> : vector<10000xf32>
    %reduce_sum3A_18 = vector.multi_reduction <add>, %mul3A, %reduce_sum3A [1] : vector<10000x256xf32> to vector<10000xf32>
    %broadcast_in_dim3A = vector.shape_cast %reduce_sum3A_18 : vector<10000xf32> to vector<10000x1xf32>
    %jit3A = arith.constant -1.000000e+30 : f32
    %broadcast_in_dim3A_19 = vector.shape_cast %broadcast_in_dim3A : vector<10000x1xf32> to vector<10000x1xf32>
    %broadcast_in_dim3A_20 = vector.broadcast %broadcast_in_dim3A_19 : vector<10000x1xf32> to vector<10000x128xf32>
    %broadcast_in_dim3A_21 = vector.broadcast %jit3A : f32 to vector<10000x128xf32>
    %select_n3A = arith.select %eq3A_12, %broadcast_in_dim3A_20, %broadcast_in_dim3A_21 : vector<10000x128xi1>, vector<10000x128xf32>
    %reduce_max3A = arith.constant dense<0xFF800000> : vector<128xf32>
    %reduce_max3A_22 = vector.multi_reduction <maximumf>, %select_n3A, %reduce_max3A [0] : vector<10000x128xf32> to vector<128xf32>
    %broadcast_in_dim3A_23 = vector.shape_cast %reduce_max3A_22 : vector<128xf32> to vector<1x128xf32>
    %mul3A_24 = vector.broadcast %broadcast_in_dim3A_23 : vector<1x128xf32> to vector<10000x128xf32>
    %mul3A_25 = arith.mulf %convert_element_type3A_13, %mul3A_24 : vector<10000x128xf32>
    %reduce_sum3A_26 = arith.constant dense<0.000000e+00> : vector<10000xf32>
    %reduce_sum3A_27 = vector.multi_reduction <add>, %mul3A_25, %reduce_sum3A_26 [1] : vector<10000x128xf32> to vector<10000xf32>
    %broadcast_in_dim3A_28 = vector.shape_cast %reduce_sum3A_27 : vector<10000xf32> to vector<10000x1xf32>
    %sub3A = arith.subf %broadcast_in_dim3A, %broadcast_in_dim3A_28 : vector<10000x1xf32>
    %exp3A = math.exp %sub3A : vector<10000x1xf32>
    %dot_general3A_29 = arith.constant dense<0.000000e+00> : vector<128x1xf32>
    %dot_general3A_30 = tpu.matmul %convert_element_type3A_13, %exp3A, %dot_general3A_29 {dimension_numbers = #tpu.dot_dimension_numbers<[0], [0], [1], [1], [0, 1, 1, 1], [], []>, transpose_lhs_hint = false} : vector<10000x128xf32>, vector<10000x1xf32>, vector<128x1xf32> -> vector<128x1xf32>
    %dot_general3A_31 = arith.constant dense<0.000000e+00> : vector<10000x1xf32>
    %dot_general3A_32 = tpu.matmul %convert_element_type3A_13, %dot_general3A_30, %dot_general3A_31 {dimension_numbers = #tpu.dot_dimension_numbers<[1], [0], [0], [1], [0, 0, 1, 1], [], []>, transpose_lhs_hint = false} : vector<10000x128xf32>, vector<128x1xf32>, vector<10000x1xf32> -> vector<10000x1xf32>
    %div3A = arith.divf %exp3A, %dot_general3A_32 : vector<10000x1xf32>
    %mul3A_33 = vector.broadcast %div3A : vector<10000x1xf32> to vector<10000x256xf32>
    %mul3A_34 = arith.mulf %mul3A_33, %concatenate3A : vector<10000x256xf32>
    %dot_general3A_35 = arith.constant dense<0.000000e+00> : vector<128x256xf32>
    %dot_general3A_36 = tpu.matmul %convert_element_type3A_13, %mul3A_34, %dot_general3A_35 {dimension_numbers = #tpu.dot_dimension_numbers<[0], [0], [1], [1], [0, 1, 1, 1], [], []>, transpose_lhs_hint = false} : vector<10000x128xf32>, vector<10000x256xf32>, vector<128x256xf32> -> vector<128x256xf32>
    %add3A = arith.constant 9.99999996E-13 : f32
    %add3A_37 = vector.broadcast %add3A : f32 to vector<10000x1xf32>
    %add3A_38 = arith.addf %div3A, %add3A_37 : vector<10000x1xf32>
    %log3A = math.log %add3A_38 : vector<10000x1xf32>
    %mul3A_39 = arith.mulf %div3A, %log3A : vector<10000x1xf32>
    %dot_general3A_40 = arith.constant dense<0.000000e+00> : vector<128x1xf32>
    %dot_general3A_41 = tpu.matmul %convert_element_type3A_13, %mul3A_39, %dot_general3A_40 {dimension_numbers = #tpu.dot_dimension_numbers<[0], [0], [1], [1], [0, 1, 1, 1], [], []>, transpose_lhs_hint = false} : vector<10000x128xf32>, vector<10000x1xf32>, vector<128x1xf32> -> vector<128x1xf32>
    %neg3A = arith.constant 0.000000e+00 : f32
    %neg3A_42 = vector.broadcast %neg3A : f32 to vector<128x1xf32>
    %neg3A_43 = arith.subf %neg3A_42, %dot_general3A_41 : vector<128x1xf32>
    %get3A_44 = arith.constant 0 : index
    %get3A_45 = arith.constant 0 : index
    %get3A_46 = vector.load %arg3[%get3A_44, %get3A_45] : memref<256x512xf32, #tpu.memory_space<vmem>>, vector<256x512xf32>
    %dot_general3A_47 = arith.constant dense<0.000000e+00> : vector<128x512xf32>
    %dot_general3A_48 = tpu.matmul %dot_general3A_36, %get3A_46, %dot_general3A_47 {dimension_numbers = #tpu.dot_dimension_numbers<[1], [0], [0], [1], [0, 0, 1, 1], [], []>, transpose_lhs_hint = false} : vector<128x256xf32>, vector<256x512xf32>, vector<128x512xf32> -> vector<128x512xf32>
    %get3A_49 = arith.constant 0 : index
    %get3A_50 = arith.constant 0 : index
    %get3A_51 = vector.load %arg4[%get3A_49, %get3A_50] : memref<1x512xf32, #tpu.memory_space<vmem>>, vector<1x512xf32>
    %add3A_52 = vector.broadcast %get3A_51 : vector<1x512xf32> to vector<128x512xf32>
    %add3A_53 = arith.addf %dot_general3A_48, %add3A_52 : vector<128x512xf32>
    %max3A = arith.constant 0.000000e+00 : f32
    %max3A_54 = vector.broadcast %max3A : f32 to vector<128x512xf32>
    %max3A_55 = arith.maximumf %add3A_53, %max3A_54 : vector<128x512xf32>
    %get3A_56 = arith.constant 0 : index
    %get3A_57 = arith.constant 0 : index
    %get3A_58 = vector.load %arg5[%get3A_56, %get3A_57] : memref<512x1xf32, #tpu.memory_space<vmem>>, vector<512x1xf32>
    %dot_general3A_59 = arith.constant dense<0.000000e+00> : vector<128x1xf32>
    %dot_general3A_60 = tpu.matmul %max3A_55, %get3A_58, %dot_general3A_59 {dimension_numbers = #tpu.dot_dimension_numbers<[1], [0], [0], [1], [0, 0, 1, 1], [], []>, transpose_lhs_hint = false} : vector<128x512xf32>, vector<512x1xf32>, vector<128x1xf32> -> vector<128x1xf32>
    %get3A_61 = arith.constant 0 : index
    %get3A_62 = arith.constant 0 : index
    %get3A_63 = vector.load %arg6[%get3A_61, %get3A_62] : memref<1x1xf32, #tpu.memory_space<vmem>>, vector<1x1xf32>
    %add3A_64 = vector.broadcast %get3A_63 : vector<1x1xf32> to vector<128x1xf32>
    %add3A_65 = arith.addf %dot_general3A_60, %add3A_64 : vector<128x1xf32>
    %logistic3A = arith.negf %add3A_65 : vector<128x1xf32>
    %logistic3A_66 = math.exp %logistic3A : vector<128x1xf32>
    %logistic3A_67 = arith.constant 1.000000e+00 : f32
    %logistic3A_68 = vector.broadcast %logistic3A_67 : f32 to vector<128x1xf32>
    %logistic3A_69 = arith.addf %logistic3A_68, %logistic3A_66 : vector<128x1xf32>
    %logistic3A_70 = arith.divf %logistic3A_68, %logistic3A_69 : vector<128x1xf32>
    %swap3A = arith.constant 0 : index
    %swap3A_71 = arith.constant 0 : index
    %swap3A_72 = vector.load %arg7[%swap3A, %swap3A_71] : memref<128x1xf32, #tpu.memory_space<vmem>>, vector<128x1xf32>
    tpu.vector_store %arg7[%swap3A, %swap3A_71], %logistic3A_70 {strides = array<i32>} : memref<128x1xf32, #tpu.memory_space<vmem>>, vector<128x1xf32>,
    %swap3A_73 = arith.constant 0 : index
    %swap3A_74 = arith.constant 0 : index
    %swap3A_75 = vector.load %arg8[%swap3A_73, %swap3A_74] : memref<128x1xf32, #tpu.memory_space<vmem>>, vector<128x1xf32>
    tpu.vector_store %arg8[%swap3A_73, %swap3A_74], %neg3A_43 {strides = array<i32>} : memref<128x1xf32, #tpu.memory_space<vmem>>, vector<128x1xf32>,
    return
  }
}

</mosaic_0001>

<sc_bundles>
// kernel: kernel.20.cloned.1.call-start
scs
__scs_entry_jumppad:
0x0: {  	(pc) =	sbr.rel $0x88, $3  }
0x1: {  	(tag) =	ssettag $0x0;
	lr =	simm.s32 $0x1  }
0x2: {  	[smem:$0x3F90] =	sst lr;
	_ =	strace $0xD0000000  }
0x3: {  	_ = 	snop  }
0x4: {  	_ = 	snop  }
0x5: {  	_ = 	snop  }
0x6: {  	_ = 	snop  }
0x7: {  	_ = 	snop  }
__scs_overlays_trampoline_lowered:
0x8: {  	[smem:$0x3F9F] =	sst s0  }
0x9: {  	[smem:$0x3FA0] =	sst s1  }
0xa: {  	[smem:$0x3FA1] =	sst s2  }
0xb: {  	[smem:$0x3FA2] =	sst s3  }
0xc: {  	[smem:$0x3FA3] =	sst s4  }
0xd: {  	[smem:$0x3FA4] =	sst s5  }
0xe: {  	[smem:$0x3FA5] =	sst s6  }
0xf: {  	[smem:$0x3FA6] =	sst s7  }
0x10: {  	[smem:$0x3FA7] =	sst s8  }
0x11: {  	[smem:$0x3FA8] =	sst s9;
	s0 =	simm.s32 @!p0 $0x0  }
0x12: {  	s1 =	sld [smem:$0x3F8E];
	s0 =	simm.s32 @p0 $0x1  }
0x13: {  	[smem:$0x3FA9] =	sst s0;
	s0 =	simm.s32 @!p1 $0x0  }
0x14: {  	s2 =	sld [smem:$0x3F8D];
	s0 =	simm.s32 @p1 $0x1  }
0x15: {  	[smem:$0x3FAA] =	sst s0;
	s0 =	simm.s32 @!p2 $0x0  }
0x16: {  	s3 =	sld [smem:$0x3FDB];
	s0 =	simm.s32 @p2 $0x1  }
0x17: {  	s4 =	simm.s32 $0x1BF5;
	[smem:$0x3FAC] =	sst s0  }
0x18: {  	s0 =	sld [smem:$0x3F8F];
	_ =	swait.ge [sflag:s4], $0x0  }
0x19: {  	s7 =	sld [smem:$0x3F90]  }
0x1a: {  	s8 =	sadd.s32 $0xFFFFE003, lr  }
0x1b: {  	s9 =	sadd.s32 $0xFFFFFEF7, lr;
	s5 =	simm.s32 $0xFFFFFFFF;
	p2 =	slt.u32 s8, $0xFFFFF086  }
0x1c: {  	p1 =	slt.u32 s9, $0xF7A;
	s5 =	simm.s32 @!p2 $0x0  }
0x1d: {  	s5 =	simm.s32 @p1 $0x1;
	p0 =	seq.s32 s7, s2  }
0x1e: {  	s7 =	smul.u32 @!p0 $0xF7A, s2;
	p2 =	seq.s32 @!p0 s5, $0x0  }
0x1f: {  	s9 =	smul.u32 $0xF7A, s1;
	s8 =	simm.s32 @!p0 $0x1BF5;
	p2 =	por !p2, p0  }
0x20: {  	[sflag:s8] =	ssyncset.s32 @!p0 $0xFFFFF086;
	s6 =	sadd.s32 @!p0 s3, s7;
	s7 =	simm.s32 @!p0 $0x108  }
0x21: {  	s3 =	sadd.s32 s3, s9;
	s6 =	sadd.s32 @!p0 $0x88, s6;
	s7 =	simm.s32 @p2 $0x1082  }
0x22: {  	[simem:s7], [sflag:s8] =	dma.local @!p0 [hbm:s6], $0xF7A  }
0x23: {  	s9 =	sor.u32 $0xD0000000, s2;
	s6 =	simm.s32 $0x108;
	_ =	swait.ge @!p0 [sflag:s8], $0x0  }
0x24: {  	s3 =	sadd.s32 $0x88, s3;
	s6 =	simm.s32 @!p1 $0x1082;
	[sflag:s4] =	ssyncset.s32 $0xFFFFF086  }
0x25: {  	[simem:s6], [sflag:s4] =	dma.local [hbm:s3], $0xF7A  }
0x26: {  	[smem:$0x3F90] =	sst s1;
	(tag) =	ssettag s2;
	_ =	strace s9  }
0x27: {  	s1 =	sld [smem:$0x3FA0]  }
0x28: {  	s2 =	sld [smem:$0x3FA1]  }
0x29: {  	s4 =	sld [smem:$0x3FA3]  }
0x2a: {  	p0 =	seq.s32 s5, $0x0;
	s5 =	sld [smem:$0x3FA4]  }
0x2b: {  	s6 =	sld [smem:$0x3FA5]  }
0x2c: {  	s7 =	sld [smem:$0x3FA6]  }
0x2d: {  	s3 =	simm.s32 $0x108;
	s8 =	sld [smem:$0x3FA7]  }
0x2e: {  	s3 =	simm.s32 @!p0 $0x1082;
	s9 =	sld [smem:$0x3FA8]  }
0x2f: {  	lr =	sadd.s32 s0, s3;
	s0 =	sld [smem:$0x3F9F]  }
0x30: {  	s3 =	sld [smem:$0x3FA2]  }
0x31: {  	[smem:$0x3FAB] =	sst s10  }
0x32: {  	s10 =	sld [smem:$0x3FA9];
	_ =	sdelay $0x3  }
0x33: {  	p0 =	seq.s32 s10, $0x1;
	s10 =	sld [smem:$0x3FAB];
	_ =	sdelay $0x3  }
0x34: {  	[smem:$0x3FAB] =	sst s10  }
0x35: {  	s10 =	sld [smem:$0x3FAA];
	_ =	sdelay $0x3  }
0x36: {  	p1 =	seq.s32 s10, $0x1;
	s10 =	sld [smem:$0x3FAB];
	_ =	sdelay $0x3  }
0x37: {  	[smem:$0x3FAB] =	sst s10  }
0x38: {  	s10 =	sld [smem:$0x3FAC]  }
0x39: {  	_ = 	snop;
	(pc) =	sbr.ind lr, $3  }
0x3a: {  	_ = 	snop  }
0x3b: {  	_ = 	snop  }
0x3c: {  	p2 =	seq.s32 s10, $0x1;
	s10 =	sld [smem:$0x3FAB]  }
0x3d: {  	_ =	shalt  }
0x3e: {  	_ =	shalt  }
0x3f: {  	_ =	shalt  }
0x40: {  	_ =	shalt  }
0x41: {  	_ =	shalt  }
0x42: {  	_ =	shalt  }
0x43: {  	_ =	shalt  }
0x44: {  	_ =	shalt  }
0x45: {  	_ =	shalt  }
0x46: {  	_ =	shalt  }
0x47: {  	_ =	shalt  }
0x48: {  	_ =	shalt  }
0x49: {  	_ =	shalt  }
0x4a: {  	_ =	shalt  }
0x4b: {  	_ =	shalt  }
0x4c: {  	_ =	shalt  }
0x4d: {  	_ =	shalt  }
0x4e: {  	_ =	shalt  }
0x4f: {  	_ =	shalt  }
0x50: {  	_ =	shalt  }
0x51: {  	_ =	shalt  }
0x52: {  	_ =	shalt  }
0x53: {  	_ =	shalt  }
0x54: {  	_ =	shalt  }
0x55: {  	_ =	shalt  }
0x56: {  	_ =	shalt  }
0x57: {  	_ =	shalt  }
0x58: {  	_ =	shalt  }
0x59: {  	_ =	shalt  }
0x5a: {  	_ =	shalt  }
0x5b: {  	_ =	shalt  }
0x5c: {  	_ =	shalt  }
0x5d: {  	_ =	shalt  }
0x5e: {  	_ =	shalt  }
0x5f: {  	_ =	shalt  }
0x60: {  	_ =	shalt  }
0x61: {  	_ =	shalt  }
0x62: {  	_ =	shalt  }
0x63: {  	_ =	shalt  }
0x64: {  	_ =	shalt  }
0x65: {  	_ =	shalt  }
0x66: {  	_ =	shalt  }
0x67: {  	_ =	shalt  }
0x68: {  	_ =	shalt  }
0x69: {  	_ =	shalt  }
0x6a: {  	_ =	shalt  }
0x6b: {  	_ =	shalt  }
0x6c: {  	_ =	shalt  }
0x6d: {  	_ =	shalt  }
0x6e: {  	_ =	shalt  }
0x6f: {  	_ =	shalt  }
0x70: {  	_ =	shalt  }
0x71: {  	_ =	shalt  }
0x72: {  	_ =	shalt  }
0x73: {  	_ =	shalt  }
0x74: {  	_ =	shalt  }
0x75: {  	_ =	shalt  }
0x76: {  	_ =	shalt  }
0x77: {  	_ =	shalt  }
0x78: {  	_ =	shalt  }
0x79: {  	_ =	shalt  }
0x7a: {  	_ =	shalt  }
0x7b: {  	_ =	shalt  }
0x7c: {  	_ =	shalt  }
0x7d: {  	_ =	shalt  }
0x7e: {  	_ =	shalt  }
0x7f: {  	_ =	shalt  }
0x80: {  	_ =	shalt  }
0x81: {  	_ =	shalt  }
0x82: {  	_ =	shalt  }
0x83: {  	_ =	shalt  }
0x84: {  	_ =	shalt  }
0x85: {  	_ =	shalt  }
0x86: {  	_ =	shalt  }
0x87: {  	_ =	shalt  }
.Lfunc_end0:
.L_simem_size_0:
called_computation_lowered:
.L_overlay_start_0:
0x88: {  	s2 =	sld [smem:$0x3FD9]  }
0x89: {  	s3 =	sld [smem:$0x3FFE];
	_ =	sdelay $0x1  }
0x8a: {  	s1 =	srdreg.scid  }
0x8b: {  	s0 =	sand.u32 $0x1, s1  }
0x8c: {  	s16 =	sshll.u32 s0, $0xA;
	s2 =	sadd.s32 s3, s2  }
0x8d: {  	s2 =	sadd.s32 s2, s16  }
0x8e: {  	[smem:$0x3FB7] =	sst s2  }
0x8f: {  	_ = 	snop  }
0x90: {  	(tm) =	ssettm $0x1  }
0x91: {  	s17 =	sld [smem:$0x3FFB];
	_ =	sdelay $0x3  }
0x92: {  	_ =	strace s17  }
0x93: {  	s2 =	sld [smem:$0x3FFC];
	_ =	sdelay $0x3  }
0x94: {  	_ =	strace s2  }
0x95: {  	s2 =	sld [smem:$0x3FFD];
	_ =	sdelay $0x3  }
0x96: {  	_ =	strace s2  }
0x97: {  	_ =	strace $0x8FFFFFFF  }
0x98: {  	s18 =	sld [smem:$0x3FDB];
	_ =	sdelay $0x1  }
0x99: {  	s19 =	simm.s32 $_scs_section_size  }
0x9a: {  	s4 =	simm.s32 $_size__tile_overlayer_lowered;
	s5 =	simm.s32 $_tile_overlayer_lowered  }
0x9b: {  	s22 =	simm.s32 $0x1BFF;
	s21 =	sshll.u32 s5, $0x1;
	s2 =	sadd.s32 s19, s18  }
0x9c: {  	s6 =	simm.s32 $0x0;
	s20 =	sshll.u32 s4, $0x1;
	s4 =	sadd.s32 s21, s2  }
0x9d: {  	[timem:s6], [sflag:s22] =	dma.local [hbm:s4], s20  }
0x9e: {  	_ =	swait.ge [sflag:s22], s20  }
0x9f: {  	s3 =	ssub.s32 $0x0, s20;
	[sflag:s22] =	ssyncset.done $0x0  }
0xa0: {  	[sflag:s22] =	ssyncadd.s32 s3;
	_ =	sdelay $0x1  }
0xa1: {  	s23 =	simm.s32 $0x1B8B  }
0xa2: {  	_ =	swait.ge [sflag:s23], $0x1  }
0xa3: {  	[sflag:s23] =	ssyncset.done $0x0  }
0xa4: {  	s25 =	simm.s32 $0x1B8E;
	s24 =	sld [smem:$0x3FFE];
	[sflag:s23] =	ssyncadd.s32 $0xFFFFFFFF  }
0xa5: {  	s26 =	simm.s32 $execute0_lowered;
	[smem:$0x3FD2] =	sst s25  }
0xa6: {  	s4 =	sshll.u32 s26, $0x1;
	_ =	strace $0x80000046;
	[dreg:$0x1] =	wrdreg $0xFFFFFFFF  }
0xa7: {  	s28 =	simm.s32 $_size_execute0_lowered;
	s2 =	sadd.s32 s2, s4;
	[dreg:$0x0] =	wrdreg $0x0  }
0xa8: {  	s4 =	sshll.u32 s28, $0x1;
	[dreg:$0x2] =	wrdreg s2  }
0xa9: {  	[dreg:$0x3] =	wrdreg s4  }
0xaa: {  	[dreg:$0x4] =	wrdreg $0xC0  }
0xab: {  	_ =	task [dreg:s6], $0x5FFFF  }
0xac: {  	[dreg:$0x1] =	wrdreg $0xFFFFFFFF  }
0xad: {  	[dreg:$0x0] =	wrdreg $0x60  }
0xae: {  	[dreg:$0x2] =	wrdreg s24  }
0xaf: {  	[dreg:$0x3] =	wrdreg $0x82000  }
0xb0: {  	[dreg:$0x4] =	wrdreg $0x9  }
0xb1: {  	_ =	task.clear_ibuf [dreg:s6], $0x5FFFF;
	_ =	strace $0x90000046  }
0xb2: {  	s29 =	simm.s32 $0x9;
	_ =	strace $0x80000048  }
0xb3: {  	_ =	swait.ge [sflag:s29], $0x1  }
0xb4: {  	[sflag:s29] =	ssyncadd.s32 $0xFFFFFFFF  }
0xb5: {  	_ =	strace $0x90000048  }
0xb6: {  	_ =	sfence  }
0xb7: {  	s30 =	sld [smem:$0x0];
	_ =	sdelay $0x2  }
0xb8: {  	s31 =	sshll.u32 s1, $0xD;
	s1 =	sshrl.u32 s1, $0x2  }
0xb9: {  	s3 =	sand.u32 $0x4000, s31;
	s1 =	sadd.s32 s1, s30  }
0xba: {  	s0 =	sor.u32 s3, s0;
	s1 =	sshll.u32 s1, $0x11  }
0xbb: {  	s0 =	sor.u32 s1, s0  }
0xbc: {  	s0 =	sadd.s32 $0x8F2B, s0  }
0xbd: {  	[sflag:s0] =	ssyncadd.remote.s32 $0x1  }
0xbe: {  	_ =	sfence.sel $0xFFFF  }
0xbf: {  	[dreg:$0x0] =	wrdreg $0xFFFFFFFF;
	(pc) =	sbr.abs _section_cstart, $3  }
0xc0: {  	[dreg:$0x1] =	wrdreg $0xFFFFFFFF  }
0xc1: {  	_ =	task.clear_ibuf [dreg:s6], $0x2FFFF;
	_ =	strace $0x9FFFFFFF  }
0xc2: {  	(tm) =	ssettm $0x7FFFFFFF  }
0xc3: {  	_ =	shalt  }
tec
execute0_lowered:
.L_overlay_start_1:
0x0: {  	(tag) =	ssettag $0x1  }
0x1: {  	s6 =	rddreg [dreg:$0x0]  }
0x2: {  	s2 =	rddreg [dreg:$0x1]  }
0x3: {  	s0 =	rddreg [dreg:$0x2];
	s3 =	simm.s32 $0x0;
	s4 =	srdreg.scid  }
0x4: {  	s1 =	stileid.u32;
	s16 =	simm.s32 $0x1;
	s17 =	simm.s32 $0x80  }
0x5: {  	s18 =	simm.s32 $0x200;
	s19 =	simm.s32 $0x2;
	s5 =	smul.u32 $0x2780, s1  }
0x6: {  	s20 =	simm.s32 $0x4200;
	s21 =	simm.s32 $0x3;
	s12 =	smul.u32 $0x4F000, s1  }
0x7: {  	s22 =	simm.s32 $0x4;
	s23 =	simm.s32 $0x180;
	s14 =	smul.u32 $0x50, s1  }
0x8: {  	[smem:$0x7FF] =	sst s3;
	s8 =	sand.u32 $0x1, s4;
	s29 =	smul.u32 $0xA00, s1  }
0x9: {  	s4 =	sadd.s32 $0x5E00, s6;
	s10 =	sadd.s32 $0x54000, s6;
	s7 =	smul.u32 $0x27800, s8  }
0xa: {  	s13 =	sshll.u32 s1, $0x6;
	_ =	strace $0x80000047;
	s26 =	smul.u32 $0x500, s8  }
0xb: {  	s9 =	ssub.s32 $0x2, s8;
	s25 =	sshll.u32 s8, $0x4;
	s28 =	smul.u32 $0xA000, s8  }
0xc: {  	s11 =	sshrl.u32 s9, $0x1;
	s24 =	sshrl.u32 s12, $0x2;
	s7 =	sadd.s32 s5, s7  }
0xd: {  	s5 =	sadd.s32 $0x68000, s6;
	s9 =	ssub.s32 s9, s11;
	s11 =	sor.u32 s1, s25  }
0xe: {  	s15 =	sadd.s32 s24, s2;
	s12 =	sadd.s32 s14, s26;
	s31 =	sadd.s32 s28, s10  }
0xf: {  	s14 =	simm.s32 $0x7;
	s24 =	simm.s32 $0x5;
	s25 =	simm.s32 $0x6  }
0x10: {  	s26 =	simm.s32 $0x0;
	s7 =	sadd.s32 s7, s6;
	s6 =	sor.u32 $0x1C07, s13  }
0x11: {  	s11 =	smul.u32 $0xA00, s11;
	s8 =	smax.u32 s9, $0x1;
	s12 =	sshll.u32 s12, $0x5  }
0x12: {  	s13 =	sshrl.u32 s15, $0x3;
	s15 =	simm.s32 $0x100;
	s7 =	sadd.s32 $0x6A800, s7  }
0x13: {  	s30 =	sadd.s32 s12, s10;
	s12 =	sadd.s32 s29, s31;
	s9 =	sadd.s32 s10, s11  }
0x14: {  	s11 =	sadd.s32 $0x60, s30;
	s12 =	sadd.s32 $0x40, s12;
	s10 =	sadd.s32 $0x20, s9  }
.LBB2_1:
0x15: {  	[spmem:s13], [sflag:s6] =	dma.local [hbm:s5], $0x2780  }
0x16: {  	_ =	swait.ge [sflag:s14], $0x2780  }
0x17: {  	[sflag:s14] =	ssyncset.done $0x0  }
0x18: {  	[sflag:s14] =	ssyncadd.s32 $0xFFFFD880  }
0x19: {  	[bflag:$0x0] =	sbarrier.arrive $0xFFFF  }
0x1a: {  	[tilespmem:s3], [sflag:$0x1] =	stream.linear.gather [hbm4b:s9+s3], $0x100, $0x38;
	[tilespmem:$0x1BE00] =	vst v63  }
0x1b: {  	_ = 	snop  }
0x1c: {  	[tilespmem:s15], [sflag:$0x2] =	stream.linear.gather [hbm4b:s10+s3], $0x100, $0x38;
	[tilespmem:$0x1BE00] =	vst v63  }
0x1d: {  	_ =	swait.ge [sflag:s16], $0x100  }
0x1e: {  	[sflag:s16] =	ssyncset.done $0x0  }
0x1f: {  	[sflag:s16] =	ssyncadd.s32 $0xFFFFFF00  }
0x20: {  	[tilespmem:s18], [sflag:$0x3] =	stream.indirect.gather [hbm4b:s4+s17], $0x80, s3, s17, $0xb8;
	[tilespmem:$0x1BE00] =	vst v63  }
0x21: {  	_ =	swait.ge [sflag:s19], $0x100  }
0x22: {  	[sflag:s19] =	ssyncset.done $0x0  }
0x23: {  	[sflag:s19] =	ssyncadd.s32 $0xFFFFFF00  }
0x24: {  	[tilespmem:s20], [sflag:$0x4] =	stream.indirect.gather [hbm4b:s4+s17], $0x80, s15, s17, $0xb8;
	[tilespmem:$0x1BE00] =	vst v63  }
0x25: {  	_ =	swait.ge [sflag:s21], $0x4000  }
0x26: {  	[sflag:s21] =	ssyncset.done $0x0  }
0x27: {  	[sflag:s21] =	ssyncadd.s32 $0xFFFFC000  }
0x28: {  	[spmem:s2] =	stream.indirect.scatter.add.f32 [tilespmem:s18], [sflag:$0x5], $0x80, s17, s17, $0xb8;
	[tilespmem:$0x1BE00] =	vst v63  }
0x29: {  	_ =	swait.ge [sflag:s22], $0x4000  }
0x2a: {  	[sflag:s22] =	ssyncset.done $0x0  }
0x2b: {  	[sflag:s22] =	ssyncadd.s32 $0xFFFFC000  }
0x2c: {  	[spmem:s2] =	stream.indirect.scatter.add.f32 [tilespmem:s20], [sflag:$0x6], $0x80, s23, s17, $0xb8;
	[tilespmem:$0x1BE00] =	vst v63  }
0x2d: {  	_ =	swait.ge [sflag:s24], $0x4000  }
0x2e: {  	[sflag:s24] =	ssyncset.done $0x0  }
0x2f: {  	s28 =	sadd.s32 $0x0, s12;
	[sflag:s24] =	ssyncadd.s32 $0xFFFFC000  }
0x30: {  	[tilespmem:s3], [sflag:$0x1] =	stream.linear.gather [hbm4b:s28+s3], $0x100, $0x38;
	[tilespmem:$0x1BE00] =	vst v63  }
0x31: {  	_ =	swait.ge [sflag:s25], $0x4000  }
0x32: {  	[sflag:s25] =	ssyncset.done $0x0  }
0x33: {  	s28 =	sadd.s32 $0x0, s11;
	[sflag:s25] =	ssyncadd.s32 $0xFFFFC000  }
0x34: {  	[tilespmem:s15], [sflag:$0x2] =	stream.linear.gather [hbm4b:s28+s3], $0x100, $0x38;
	[tilespmem:$0x1BE00] =	vst v63  }
0x35: {  	_ =	swait.ge [sflag:s16], $0x100  }
0x36: {  	[sflag:s16] =	ssyncset.done $0x0  }
0x37: {  	[sflag:s16] =	ssyncadd.s32 $0xFFFFFF00  }
0x38: {  	[tilespmem:s18], [sflag:$0x3] =	stream.indirect.gather [hbm4b:s4+s17], $0x80, s3, s17, $0xb8;
	[tilespmem:$0x1BE00] =	vst v63  }
0x39: {  	_ =	swait.ge [sflag:s19], $0x100  }
0x3a: {  	[sflag:s19] =	ssyncset.done $0x0  }
0x3b: {  	[sflag:s19] =	ssyncadd.s32 $0xFFFFFF00  }
0x3c: {  	[tilespmem:s20], [sflag:$0x4] =	stream.indirect.gather [hbm4b:s4+s17], $0x80, s15, s17, $0xb8;
	[tilespmem:$0x1BE00] =	vst v63  }
0x3d: {  	_ =	swait.ge [sflag:s21], $0x4000  }
0x3e: {  	[sflag:s21] =	ssyncset.done $0x0  }
0x3f: {  	[sflag:s21] =	ssyncadd.s32 $0xFFFFC000  }
0x40: {  	[spmem:s2] =	stream.indirect.scatter.add.f32 [tilespmem:s18], [sflag:$0x5], $0x80, s17, s17, $0xb8;
	[tilespmem:$0x1BE00] =	vst v63  }
0x41: {  	_ =	swait.ge [sflag:s22], $0x4000  }
0x42: {  	[sflag:s22] =	ssyncset.done $0x0  }
0x43: {  	s28 =	simm.s32 $0x40;
	[sflag:s22] =	ssyncadd.s32 $0xFFFFC000  }
.LBB2_2:
0x44: {  	[spmem:s2] =	stream.indirect.scatter.add.f32 [tilespmem:s20], [sflag:$0x6], $0x80, s23, s17, $0xb8;
	[tilespmem:$0x1BE00] =	vst v63  }
0x45: {  	s29 =	smov.u32 s28  }
0x46: {  	p0 =	sne.s32 s28, $0x980;
	s28 =	sadd.s32 $0x40, s28;
	_ =	swait.ge [sflag:s24], $0x4000  }
0x47: {  	[sflag:s24] =	ssyncset.done $0x0  }
0x48: {  	s30 =	sadd.s32 s29, s12;
	[sflag:s24] =	ssyncadd.s32 $0xFFFFC000  }
0x49: {  	[tilespmem:s3], [sflag:$0x1] =	stream.linear.gather [hbm4b:s30+s3], $0x100, $0x38;
	[tilespmem:$0x1BE00] =	vst v63  }
0x4a: {  	_ =	swait.ge [sflag:s25], $0x4000  }
0x4b: {  	[sflag:s25] =	ssyncset.done $0x0  }
0x4c: {  	s29 =	sadd.s32 s29, s11;
	[sflag:s25] =	ssyncadd.s32 $0xFFFFC000  }
0x4d: {  	[tilespmem:s15], [sflag:$0x2] =	stream.linear.gather [hbm4b:s29+s3], $0x100, $0x38;
	[tilespmem:$0x1BE00] =	vst v63  }
0x4e: {  	_ =	swait.ge [sflag:s16], $0x100  }
0x4f: {  	[sflag:s16] =	ssyncset.done $0x0  }
0x50: {  	[sflag:s16] =	ssyncadd.s32 $0xFFFFFF00  }
0x51: {  	[tilespmem:s18], [sflag:$0x3] =	stream.indirect.gather [hbm4b:s4+s17], $0x80, s3, s17, $0xb8;
	[tilespmem:$0x1BE00] =	vst v63  }
0x52: {  	_ =	swait.ge [sflag:s19], $0x100  }
0x53: {  	[sflag:s19] =	ssyncset.done $0x0  }
0x54: {  	[sflag:s19] =	ssyncadd.s32 $0xFFFFFF00  }
0x55: {  	[tilespmem:s20], [sflag:$0x4] =	stream.indirect.gather [hbm4b:s4+s17], $0x80, s15, s17, $0xb8;
	[tilespmem:$0x1BE00] =	vst v63  }
0x56: {  	_ =	swait.ge [sflag:s21], $0x4000  }
0x57: {  	[sflag:s21] =	ssyncset.done $0x0  }
.Ltmp0:
0x58: {  	[sflag:s21] =	ssyncadd.s32 $0xFFFFC000;
	(pc) =	sbr.rel @p0 .LBB2_2-.Ltmp0, $4  }
0x59: {  	[spmem:s2] =	stream.indirect.scatter.add.f32 [tilespmem:s18], [sflag:$0x5], $0x80, s17, s17, $0xb8;
	[tilespmem:$0x1BE00] =	vst v63  }
0x5a: {  	_ =	swait.ge [sflag:s22], $0x4000  }
0x5b: {  	[sflag:s22] =	ssyncset.done $0x0  }
0x5c: {  	[sflag:s22] =	ssyncadd.s32 $0xFFFFC000  }
0x5d: {  	[spmem:s2] =	stream.indirect.scatter.add.f32 [tilespmem:s20], [sflag:$0x6], $0x80, s23, s17, $0xb8;
	[tilespmem:$0x1BE00] =	vst v63  }
0x5e: {  	_ =	swait.ge [sflag:s24], $0x4000  }
0x5f: {  	[sflag:s24] =	ssyncset.done $0x0  }
0x60: {  	[sflag:s24] =	ssyncadd.s32 $0xFFFFC000  }
0x61: {  	_ =	swait.ge [sflag:s25], $0x4000  }
0x62: {  	s26 =	sadd.s32 $0x1, s26;
	[sflag:s25] =	ssyncset.done $0x0  }
0x63: {  	p0 =	sne.s32 s26, s8;
	[sflag:s25] =	ssyncadd.s32 $0xFFFFC000  }
.Ltmp1:
0x64: {  	[bflag:$0x0] =	sbarrier.arrive $0xFFFF;
	(pc) =	sbr.rel @p0 .LBB2_1-.Ltmp1, $4  }
0x65: {  	[hbm:s7], [sflag:s6] =	dma.local [spmem:s13], $0x2780  }
0x66: {  	_ =	swait.ge [sflag:s14], $0x2780  }
0x67: {  	[sflag:s14] =	ssyncset.done $0x0  }
0x68: {  	[sflag:s14] =	ssyncadd.s32 $0xFFFFD880  }
0x69: {  	_ =	sfence.sel $0x180000  }
0x6a: {  	[bflag:$0x0] =	sbarrier.arrive $0xFFFF  }
0x6b: {  	p0 =	sne.s32 s1, $0x0;
	_ =	strace $0x90000047  }
0x6c: {  	s0 =	sadd.s32 @!p0 $0x100000, s0;
	[bflag:$0x2] =	sbarrier.arrive $0xFFFF  }
0x6d: {  	[sflag:s0] =	ssyncadd.tile.s32 @!p0 $0x1;
	_ =	shalt  }
.Lfunc_end2:
_tile_overlayer_lowered:
.L_overlay_start_2:
0x6e: {  	(tag) =	ssettag $0x2  }
0x6f: {  	s0 =	rddreg [dreg:$0x0];
	s2 =	stileid.u32  }
0x70: {  	s1 =	rddreg [dreg:$0x1];
	p0 =	sne.s32 s2, $0x0  }
0x71: {  	s3 =	rddreg [dreg:$0x2];
	[bflag:$0x3] =	sbarrier.arrive $0xFFFF;
	s2 =	simm.s32 @!p0 $0x1C07  }
0x72: {  	[timem:s3], [sflag:s2] =	dma.local @!p0 [hbm:s0], s1  }
0x73: {  	s0 =	simm.s32 @!p0 $0x7  }
0x74: {  	_ =	swait.ge @!p0 [sflag:s0], s1  }
0x75: {  	s1 =	ssub.s32 @!p0 $0x0, s1;
	[sflag:s0] =	ssyncset.done @!p0 $0x0  }
0x76: {  	[sflag:s0] =	ssyncadd.s32 @!p0 s1  }
0x77: {  	[bflag:$0x3] =	sbarrier.arrive $0xFFFF  }
0x78: {  	_ =	shalt  }

// kernel: kernel.23.cloned.1.call-start
scs
__scs_entry_jumppad:
0x0: {  	(pc) =	sbr.rel $0x88, $3  }
0x1: {  	(tag) =	ssettag $0x0;
	lr =	simm.s32 $0x1  }
0x2: {  	[smem:$0x3F90] =	sst lr;
	_ =	strace $0xD0000000  }
0x3: {  	_ = 	snop  }
0x4: {  	_ = 	snop  }
0x5: {  	_ = 	snop  }
0x6: {  	_ = 	snop  }
0x7: {  	_ = 	snop  }
__scs_overlays_trampoline_lowered:
0x8: {  	[smem:$0x3F9F] =	sst s0  }
0x9: {  	[smem:$0x3FA0] =	sst s1  }
0xa: {  	[smem:$0x3FA1] =	sst s2  }
0xb: {  	[smem:$0x3FA2] =	sst s3  }
0xc: {  	[smem:$0x3FA3] =	sst s4  }
0xd: {  	[smem:$0x3FA4] =	sst s5  }
0xe: {  	[smem:$0x3FA5] =	sst s6  }
0xf: {  	[smem:$0x3FA6] =	sst s7  }
0x10: {  	[smem:$0x3FA7] =	sst s8  }
0x11: {  	[smem:$0x3FA8] =	sst s9;
	s0 =	simm.s32 @!p0 $0x0  }
0x12: {  	s1 =	sld [smem:$0x3F8E];
	s0 =	simm.s32 @p0 $0x1  }
0x13: {  	[smem:$0x3FA9] =	sst s0;
	s0 =	simm.s32 @!p1 $0x0  }
0x14: {  	s2 =	sld [smem:$0x3F8D];
	s0 =	simm.s32 @p1 $0x1  }
0x15: {  	[smem:$0x3FAA] =	sst s0;
	s0 =	simm.s32 @!p2 $0x0  }
0x16: {  	s3 =	sld [smem:$0x3FDB];
	s0 =	simm.s32 @p2 $0x1  }
0x17: {  	s4 =	simm.s32 $0x1BF5;
	[smem:$0x3FAC] =	sst s0  }
0x18: {  	s0 =	sld [smem:$0x3F8F];
	_ =	swait.ge [sflag:s4], $0x0  }
0x19: {  	s7 =	sld [smem:$0x3F90]  }
0x1a: {  	s8 =	sadd.s32 $0xFFFFE003, lr  }
0x1b: {  	s9 =	sadd.s32 $0xFFFFFEF7, lr;
	s5 =	simm.s32 $0xFFFFFFFF;
	p2 =	slt.u32 s8, $0xFFFFF086  }
0x1c: {  	p1 =	slt.u32 s9, $0xF7A;
	s5 =	simm.s32 @!p2 $0x0  }
0x1d: {  	s5 =	simm.s32 @p1 $0x1;
	p0 =	seq.s32 s7, s2  }
0x1e: {  	s7 =	smul.u32 @!p0 $0xF7A, s2;
	p2 =	seq.s32 @!p0 s5, $0x0  }
0x1f: {  	s9 =	smul.u32 $0xF7A, s1;
	s8 =	simm.s32 @!p0 $0x1BF5;
	p2 =	por !p2, p0  }
0x20: {  	[sflag:s8] =	ssyncset.s32 @!p0 $0xFFFFF086;
	s6 =	sadd.s32 @!p0 s3, s7;
	s7 =	simm.s32 @!p0 $0x108  }
0x21: {  	s3 =	sadd.s32 s3, s9;
	s6 =	sadd.s32 @!p0 $0x88, s6;
	s7 =	simm.s32 @p2 $0x1082  }
0x22: {  	[simem:s7], [sflag:s8] =	dma.local @!p0 [hbm:s6], $0xF7A  }
0x23: {  	s9 =	sor.u32 $0xD0000000, s2;
	s6 =	simm.s32 $0x108;
	_ =	swait.ge @!p0 [sflag:s8], $0x0  }
0x24: {  	s3 =	sadd.s32 $0x88, s3;
	s6 =	simm.s32 @!p1 $0x1082;
	[sflag:s4] =	ssyncset.s32 $0xFFFFF086  }
0x25: {  	[simem:s6], [sflag:s4] =	dma.local [hbm:s3], $0xF7A  }
0x26: {  	[smem:$0x3F90] =	sst s1;
	(tag) =	ssettag s2;
	_ =	strace s9  }
0x27: {  	s1 =	sld [smem:$0x3FA0]  }
0x28: {  	s2 =	sld [smem:$0x3FA1]  }
0x29: {  	s4 =	sld [smem:$0x3FA3]  }
0x2a: {  	p0 =	seq.s32 s5, $0x0;
	s5 =	sld [smem:$0x3FA4]  }
0x2b: {  	s6 =	sld [smem:$0x3FA5]  }
0x2c: {  	s7 =	sld [smem:$0x3FA6]  }
0x2d: {  	s3 =	simm.s32 $0x108;
	s8 =	sld [smem:$0x3FA7]  }
0x2e: {  	s3 =	simm.s32 @!p0 $0x1082;
	s9 =	sld [smem:$0x3FA8]  }
0x2f: {  	lr =	sadd.s32 s0, s3;
	s0 =	sld [smem:$0x3F9F]  }
0x30: {  	s3 =	sld [smem:$0x3FA2]  }
0x31: {  	[smem:$0x3FAB] =	sst s10  }
0x32: {  	s10 =	sld [smem:$0x3FA9];
	_ =	sdelay $0x3  }
0x33: {  	p0 =	seq.s32 s10, $0x1;
	s10 =	sld [smem:$0x3FAB];
	_ =	sdelay $0x3  }
0x34: {  	[smem:$0x3FAB] =	sst s10  }
0x35: {  	s10 =	sld [smem:$0x3FAA];
	_ =	sdelay $0x3  }
0x36: {  	p1 =	seq.s32 s10, $0x1;
	s10 =	sld [smem:$0x3FAB];
	_ =	sdelay $0x3  }
0x37: {  	[smem:$0x3FAB] =	sst s10  }
0x38: {  	s10 =	sld [smem:$0x3FAC]  }
0x39: {  	_ = 	snop;
	(pc) =	sbr.ind lr, $3  }
0x3a: {  	_ = 	snop  }
0x3b: {  	_ = 	snop  }
0x3c: {  	p2 =	seq.s32 s10, $0x1;
	s10 =	sld [smem:$0x3FAB]  }
0x3d: {  	_ =	shalt  }
0x3e: {  	_ =	shalt  }
0x3f: {  	_ =	shalt  }
0x40: {  	_ =	shalt  }
0x41: {  	_ =	shalt  }
0x42: {  	_ =	shalt  }
0x43: {  	_ =	shalt  }
0x44: {  	_ =	shalt  }
0x45: {  	_ =	shalt  }
0x46: {  	_ =	shalt  }
0x47: {  	_ =	shalt  }
0x48: {  	_ =	shalt  }
0x49: {  	_ =	shalt  }
0x4a: {  	_ =	shalt  }
0x4b: {  	_ =	shalt  }
0x4c: {  	_ =	shalt  }
0x4d: {  	_ =	shalt  }
0x4e: {  	_ =	shalt  }
0x4f: {  	_ =	shalt  }
0x50: {  	_ =	shalt  }
0x51: {  	_ =	shalt  }
0x52: {  	_ =	shalt  }
0x53: {  	_ =	shalt  }
0x54: {  	_ =	shalt  }
0x55: {  	_ =	shalt  }
0x56: {  	_ =	shalt  }
0x57: {  	_ =	shalt  }
0x58: {  	_ =	shalt  }
0x59: {  	_ =	shalt  }
0x5a: {  	_ =	shalt  }
0x5b: {  	_ =	shalt  }
0x5c: {  	_ =	shalt  }
0x5d: {  	_ =	shalt  }
0x5e: {  	_ =	shalt  }
0x5f: {  	_ =	shalt  }
0x60: {  	_ =	shalt  }
0x61: {  	_ =	shalt  }
0x62: {  	_ =	shalt  }
0x63: {  	_ =	shalt  }
0x64: {  	_ =	shalt  }
0x65: {  	_ =	shalt  }
0x66: {  	_ =	shalt  }
0x67: {  	_ =	shalt  }
0x68: {  	_ =	shalt  }
0x69: {  	_ =	shalt  }
0x6a: {  	_ =	shalt  }
0x6b: {  	_ =	shalt  }
0x6c: {  	_ =	shalt  }
0x6d: {  	_ =	shalt  }
0x6e: {  	_ =	shalt  }
0x6f: {  	_ =	shalt  }
0x70: {  	_ =	shalt  }
0x71: {  	_ =	shalt  }
0x72: {  	_ =	shalt  }
0x73: {  	_ =	shalt  }
0x74: {  	_ =	shalt  }
0x75: {  	_ =	shalt  }
0x76: {  	_ =	shalt  }
0x77: {  	_ =	shalt  }
0x78: {  	_ =	shalt  }
0x79: {  	_ =	shalt  }
0x7a: {  	_ =	shalt  }
0x7b: {  	_ =	shalt  }
0x7c: {  	_ =	shalt  }
0x7d: {  	_ =	shalt  }
0x7e: {  	_ =	shalt  }
0x7f: {  	_ =	shalt  }
0x80: {  	_ =	shalt  }
0x81: {  	_ =	shalt  }
0x82: {  	_ =	shalt  }
0x83: {  	_ =	shalt  }
0x84: {  	_ =	shalt  }
0x85: {  	_ =	shalt  }
0x86: {  	_ =	shalt  }
0x87: {  	_ =	shalt  }
.Lfunc_end0:
.L_simem_size_0:
called_computation.1_lowered:
.L_overlay_start_0:
0x88: {  	s2 =	sld [smem:$0x3FD9]  }
0x89: {  	s3 =	sld [smem:$0x3FFE];
	_ =	sdelay $0x1  }
0x8a: {  	s1 =	srdreg.scid  }
0x8b: {  	s0 =	sand.u32 $0x1, s1  }
0x8c: {  	s16 =	sshll.u32 s0, $0xA;
	s2 =	sadd.s32 s3, s2  }
0x8d: {  	s2 =	sadd.s32 s2, s16  }
0x8e: {  	[smem:$0x3FB7] =	sst s2  }
0x8f: {  	_ = 	snop  }
0x90: {  	(tm) =	ssettm $0x1  }
0x91: {  	s17 =	sld [smem:$0x3FFB];
	_ =	sdelay $0x3  }
0x92: {  	_ =	strace s17  }
0x93: {  	s2 =	sld [smem:$0x3FFC];
	_ =	sdelay $0x3  }
0x94: {  	_ =	strace s2  }
0x95: {  	s2 =	sld [smem:$0x3FFD];
	_ =	sdelay $0x3  }
0x96: {  	_ =	strace s2  }
0x97: {  	_ =	strace $0x8FFFFFFF  }
0x98: {  	s18 =	sld [smem:$0x3FDB];
	_ =	sdelay $0x1  }
0x99: {  	s19 =	simm.s32 $_scs_section_size  }
0x9a: {  	s4 =	simm.s32 $_size__tile_overlayer_lowered;
	s5 =	simm.s32 $_tile_overlayer_lowered  }
0x9b: {  	s22 =	simm.s32 $0x1BFF;
	s21 =	sshll.u32 s5, $0x1;
	s2 =	sadd.s32 s19, s18  }
0x9c: {  	s6 =	simm.s32 $0x0;
	s20 =	sshll.u32 s4, $0x1;
	s4 =	sadd.s32 s21, s2  }
0x9d: {  	[timem:s6], [sflag:s22] =	dma.local [hbm:s4], s20  }
0x9e: {  	_ =	swait.ge [sflag:s22], s20  }
0x9f: {  	s3 =	ssub.s32 $0x0, s20;
	[sflag:s22] =	ssyncset.done $0x0  }
0xa0: {  	[sflag:s22] =	ssyncadd.s32 s3;
	_ =	sdelay $0x1  }
0xa1: {  	s23 =	simm.s32 $0x1B8B  }
0xa2: {  	_ =	swait.ge [sflag:s23], $0x1  }
0xa3: {  	[sflag:s23] =	ssyncset.done $0x0  }
0xa4: {  	s25 =	simm.s32 $0x1B8E;
	s24 =	sld [smem:$0x3FFE];
	[sflag:s23] =	ssyncadd.s32 $0xFFFFFFFF  }
0xa5: {  	s26 =	simm.s32 $execute0_lowered;
	[smem:$0x3FD2] =	sst s25  }
0xa6: {  	s4 =	sshll.u32 s26, $0x1;
	_ =	strace $0x80000049;
	[dreg:$0x1] =	wrdreg $0xFFFFFFFF  }
0xa7: {  	s28 =	simm.s32 $_size_execute0_lowered;
	s2 =	sadd.s32 s2, s4;
	[dreg:$0x0] =	wrdreg $0x0  }
0xa8: {  	s4 =	sshll.u32 s28, $0x1;
	[dreg:$0x2] =	wrdreg s2  }
0xa9: {  	[dreg:$0x3] =	wrdreg s4  }
0xaa: {  	[dreg:$0x4] =	wrdreg $0xC0  }
0xab: {  	_ =	task [dreg:s6], $0x5FFFF  }
0xac: {  	[dreg:$0x1] =	wrdreg $0xFFFFFFFF  }
0xad: {  	[dreg:$0x0] =	wrdreg $0x60  }
0xae: {  	[dreg:$0x2] =	wrdreg s24  }
0xaf: {  	[dreg:$0x3] =	wrdreg $0x82000  }
0xb0: {  	[dreg:$0x4] =	wrdreg $0x9  }
0xb1: {  	_ =	task.clear_ibuf [dreg:s6], $0x5FFFF;
	_ =	strace $0x90000049  }
0xb2: {  	s29 =	simm.s32 $0x9;
	_ =	strace $0x8000004B  }
0xb3: {  	_ =	swait.ge [sflag:s29], $0x1  }
0xb4: {  	[sflag:s29] =	ssyncadd.s32 $0xFFFFFFFF  }
0xb5: {  	_ =	strace $0x9000004B  }
0xb6: {  	_ =	sfence  }
0xb7: {  	s30 =	sld [smem:$0x0];
	_ =	sdelay $0x2  }
0xb8: {  	s31 =	sshll.u32 s1, $0xD;
	s1 =	sshrl.u32 s1, $0x2  }
0xb9: {  	s3 =	sand.u32 $0x4000, s31;
	s1 =	sadd.s32 s1, s30  }
0xba: {  	s0 =	sor.u32 s3, s0;
	s1 =	sshll.u32 s1, $0x11  }
0xbb: {  	s0 =	sor.u32 s1, s0  }
0xbc: {  	s0 =	sadd.s32 $0x8F2B, s0  }
0xbd: {  	[sflag:s0] =	ssyncadd.remote.s32 $0x1  }
0xbe: {  	_ =	sfence.sel $0xFFFF  }
0xbf: {  	[dreg:$0x0] =	wrdreg $0xFFFFFFFF;
	(pc) =	sbr.abs _section_cstart, $3  }
0xc0: {  	[dreg:$0x1] =	wrdreg $0xFFFFFFFF  }
0xc1: {  	_ =	task.clear_ibuf [dreg:s6], $0x2FFFF;
	_ =	strace $0x9FFFFFFF  }
0xc2: {  	(tm) =	ssettm $0x7FFFFFFF  }
0xc3: {  	_ =	shalt  }
tec
execute0_lowered:
.L_overlay_start_1:
0x0: {  	(tag) =	ssettag $0x1  }
0x1: {  	s6 =	rddreg [dreg:$0x0]  }
0x2: {  	s2 =	rddreg [dreg:$0x1]  }
0x3: {  	s0 =	rddreg [dreg:$0x2];
	s3 =	simm.s32 $0x0;
	s4 =	srdreg.scid  }
0x4: {  	s1 =	stileid.u32;
	s16 =	simm.s32 $0x1;
	s17 =	simm.s32 $0x80  }
0x5: {  	s18 =	simm.s32 $0x200;
	s19 =	simm.s32 $0x2;
	s5 =	smul.u32 $0x2780, s1  }
0x6: {  	s20 =	simm.s32 $0x4200;
	s21 =	simm.s32 $0x3;
	s12 =	smul.u32 $0x4F000, s1  }
0x7: {  	s22 =	simm.s32 $0x4;
	s23 =	simm.s32 $0x180;
	s14 =	smul.u32 $0x50, s1  }
0x8: {  	[smem:$0x7FF] =	sst s3;
	s8 =	sand.u32 $0x1, s4;
	s29 =	smul.u32 $0xA00, s1  }
0x9: {  	s4 =	sadd.s32 $0x5E00, s6;
	s10 =	sadd.s32 $0x54000, s6;
	s7 =	smul.u32 $0x27800, s8  }
0xa: {  	s13 =	sshll.u32 s1, $0x6;
	_ =	strace $0x8000004A;
	s26 =	smul.u32 $0x500, s8  }
0xb: {  	s9 =	ssub.s32 $0x2, s8;
	s25 =	sshll.u32 s8, $0x4;
	s28 =	smul.u32 $0xA000, s8  }
0xc: {  	s11 =	sshrl.u32 s9, $0x1;
	s24 =	sshrl.u32 s12, $0x2;
	s7 =	sadd.s32 s5, s7  }
0xd: {  	s5 =	sadd.s32 $0x68000, s6;
	s9 =	ssub.s32 s9, s11;
	s11 =	sor.u32 s1, s25  }
0xe: {  	s15 =	sadd.s32 s24, s2;
	s12 =	sadd.s32 s14, s26;
	s31 =	sadd.s32 s28, s10  }
0xf: {  	s14 =	simm.s32 $0x7;
	s24 =	simm.s32 $0x5;
	s25 =	simm.s32 $0x6  }
0x10: {  	s26 =	simm.s32 $0x0;
	s7 =	sadd.s32 s7, s6;
	s6 =	sor.u32 $0x1C07, s13  }
0x11: {  	s11 =	smul.u32 $0xA00, s11;
	s8 =	smax.u32 s9, $0x1;
	s12 =	sshll.u32 s12, $0x5  }
0x12: {  	s13 =	sshrl.u32 s15, $0x3;
	s15 =	simm.s32 $0x100;
	s7 =	sadd.s32 $0x6A800, s7  }
0x13: {  	s30 =	sadd.s32 s12, s10;
	s12 =	sadd.s32 s29, s31;
	s9 =	sadd.s32 s10, s11  }
0x14: {  	s11 =	sadd.s32 $0x60, s30;
	s12 =	sadd.s32 $0x40, s12;
	s10 =	sadd.s32 $0x20, s9  }
.LBB2_1:
0x15: {  	[spmem:s13], [sflag:s6] =	dma.local [hbm:s5], $0x2780  }
0x16: {  	_ =	swait.ge [sflag:s14], $0x2780  }
0x17: {  	[sflag:s14] =	ssyncset.done $0x0  }
0x18: {  	[sflag:s14] =	ssyncadd.s32 $0xFFFFD880  }
0x19: {  	[bflag:$0x0] =	sbarrier.arrive $0xFFFF  }
0x1a: {  	[tilespmem:s3], [sflag:$0x1] =	stream.linear.gather [hbm4b:s9+s3], $0x100, $0x38;
	[tilespmem:$0x1BE00] =	vst v63  }
0x1b: {  	_ = 	snop  }
0x1c: {  	[tilespmem:s15], [sflag:$0x2] =	stream.linear.gather [hbm4b:s10+s3], $0x100, $0x38;
	[tilespmem:$0x1BE00] =	vst v63  }
0x1d: {  	_ =	swait.ge [sflag:s16], $0x100  }
0x1e: {  	[sflag:s16] =	ssyncset.done $0x0  }
0x1f: {  	[sflag:s16] =	ssyncadd.s32 $0xFFFFFF00  }
0x20: {  	[tilespmem:s18], [sflag:$0x3] =	stream.indirect.gather [hbm4b:s4+s17], $0x80, s3, s17, $0xb8;
	[tilespmem:$0x1BE00] =	vst v63  }
0x21: {  	_ =	swait.ge [sflag:s19], $0x100  }
0x22: {  	[sflag:s19] =	ssyncset.done $0x0  }
0x23: {  	[sflag:s19] =	ssyncadd.s32 $0xFFFFFF00  }
0x24: {  	[tilespmem:s20], [sflag:$0x4] =	stream.indirect.gather [hbm4b:s4+s17], $0x80, s15, s17, $0xb8;
	[tilespmem:$0x1BE00] =	vst v63  }
0x25: {  	_ =	swait.ge [sflag:s21], $0x4000  }
0x26: {  	[sflag:s21] =	ssyncset.done $0x0  }
0x27: {  	[sflag:s21] =	ssyncadd.s32 $0xFFFFC000  }
0x28: {  	[spmem:s2] =	stream.indirect.scatter.add.f32 [tilespmem:s18], [sflag:$0x5], $0x80, s17, s17, $0xb8;
	[tilespmem:$0x1BE00] =	vst v63  }
0x29: {  	_ =	swait.ge [sflag:s22], $0x4000  }
0x2a: {  	[sflag:s22] =	ssyncset.done $0x0  }
0x2b: {  	[sflag:s22] =	ssyncadd.s32 $0xFFFFC000  }
0x2c: {  	[spmem:s2] =	stream.indirect.scatter.add.f32 [tilespmem:s20], [sflag:$0x6], $0x80, s23, s17, $0xb8;
	[tilespmem:$0x1BE00] =	vst v63  }
0x2d: {  	_ =	swait.ge [sflag:s24], $0x4000  }
0x2e: {  	[sflag:s24] =	ssyncset.done $0x0  }
0x2f: {  	s28 =	sadd.s32 $0x0, s12;
	[sflag:s24] =	ssyncadd.s32 $0xFFFFC000  }
0x30: {  	[tilespmem:s3], [sflag:$0x1] =	stream.linear.gather [hbm4b:s28+s3], $0x100, $0x38;
	[tilespmem:$0x1BE00] =	vst v63  }
0x31: {  	_ =	swait.ge [sflag:s25], $0x4000  }
0x32: {  	[sflag:s25] =	ssyncset.done $0x0  }
0x33: {  	s28 =	sadd.s32 $0x0, s11;
	[sflag:s25] =	ssyncadd.s32 $0xFFFFC000  }
0x34: {  	[tilespmem:s15], [sflag:$0x2] =	stream.linear.gather [hbm4b:s28+s3], $0x100, $0x38;
	[tilespmem:$0x1BE00] =	vst v63  }
0x35: {  	_ =	swait.ge [sflag:s16], $0x100  }
0x36: {  	[sflag:s16] =	ssyncset.done $0x0  }
0x37: {  	[sflag:s16] =	ssyncadd.s32 $0xFFFFFF00  }
0x38: {  	[tilespmem:s18], [sflag:$0x3] =	stream.indirect.gather [hbm4b:s4+s17], $0x80, s3, s17, $0xb8;
	[tilespmem:$0x1BE00] =	vst v63  }
0x39: {  	_ =	swait.ge [sflag:s19], $0x100  }
0x3a: {  	[sflag:s19] =	ssyncset.done $0x0  }
0x3b: {  	[sflag:s19] =	ssyncadd.s32 $0xFFFFFF00  }
0x3c: {  	[tilespmem:s20], [sflag:$0x4] =	stream.indirect.gather [hbm4b:s4+s17], $0x80, s15, s17, $0xb8;
	[tilespmem:$0x1BE00] =	vst v63  }
0x3d: {  	_ =	swait.ge [sflag:s21], $0x4000  }
0x3e: {  	[sflag:s21] =	ssyncset.done $0x0  }
0x3f: {  	[sflag:s21] =	ssyncadd.s32 $0xFFFFC000  }
0x40: {  	[spmem:s2] =	stream.indirect.scatter.add.f32 [tilespmem:s18], [sflag:$0x5], $0x80, s17, s17, $0xb8;
	[tilespmem:$0x1BE00] =	vst v63  }
0x41: {  	_ =	swait.ge [sflag:s22], $0x4000  }
0x42: {  	[sflag:s22] =	ssyncset.done $0x0  }
0x43: {  	s28 =	simm.s32 $0x40;
	[sflag:s22] =	ssyncadd.s32 $0xFFFFC000  }
.LBB2_2:
0x44: {  	[spmem:s2] =	stream.indirect.scatter.add.f32 [tilespmem:s20], [sflag:$0x6], $0x80, s23, s17, $0xb8;
	[tilespmem:$0x1BE00] =	vst v63  }
0x45: {  	s29 =	smov.u32 s28  }
0x46: {  	p0 =	sne.s32 s28, $0x980;
	s28 =	sadd.s32 $0x40, s28;
	_ =	swait.ge [sflag:s24], $0x4000  }
0x47: {  	[sflag:s24] =	ssyncset.done $0x0  }
0x48: {  	s30 =	sadd.s32 s29, s12;
	[sflag:s24] =	ssyncadd.s32 $0xFFFFC000  }
0x49: {  	[tilespmem:s3], [sflag:$0x1] =	stream.linear.gather [hbm4b:s30+s3], $0x100, $0x38;
	[tilespmem:$0x1BE00] =	vst v63  }
0x4a: {  	_ =	swait.ge [sflag:s25], $0x4000  }
0x4b: {  	[sflag:s25] =	ssyncset.done $0x0  }
0x4c: {  	s29 =	sadd.s32 s29, s11;
	[sflag:s25] =	ssyncadd.s32 $0xFFFFC000  }
0x4d: {  	[tilespmem:s15], [sflag:$0x2] =	stream.linear.gather [hbm4b:s29+s3], $0x100, $0x38;
	[tilespmem:$0x1BE00] =	vst v63  }
0x4e: {  	_ =	swait.ge [sflag:s16], $0x100  }
0x4f: {  	[sflag:s16] =	ssyncset.done $0x0  }
0x50: {  	[sflag:s16] =	ssyncadd.s32 $0xFFFFFF00  }
0x51: {  	[tilespmem:s18], [sflag:$0x3] =	stream.indirect.gather [hbm4b:s4+s17], $0x80, s3, s17, $0xb8;
	[tilespmem:$0x1BE00] =	vst v63  }
0x52: {  	_ =	swait.ge [sflag:s19], $0x100  }
0x53: {  	[sflag:s19] =	ssyncset.done $0x0  }
0x54: {  	[sflag:s19] =	ssyncadd.s32 $0xFFFFFF00  }
0x55: {  	[tilespmem:s20], [sflag:$0x4] =	stream.indirect.gather [hbm4b:s4+s17], $0x80, s15, s17, $0xb8;
	[tilespmem:$0x1BE00] =	vst v63  }
0x56: {  	_ =	swait.ge [sflag:s21], $0x4000  }
0x57: {  	[sflag:s21] =	ssyncset.done $0x0  }
.Ltmp0:
0x58: {  	[sflag:s21] =	ssyncadd.s32 $0xFFFFC000;
	(pc) =	sbr.rel @p0 .LBB2_2-.Ltmp0, $4  }
0x59: {  	[spmem:s2] =	stream.indirect.scatter.add.f32 [tilespmem:s18], [sflag:$0x5], $0x80, s17, s17, $0xb8;
	[tilespmem:$0x1BE00] =	vst v63  }
0x5a: {  	_ =	swait.ge [sflag:s22], $0x4000  }
0x5b: {  	[sflag:s22] =	ssyncset.done $0x0  }
0x5c: {  	[sflag:s22] =	ssyncadd.s32 $0xFFFFC000  }
0x5d: {  	[spmem:s2] =	stream.indirect.scatter.add.f32 [tilespmem:s20], [sflag:$0x6], $0x80, s23, s17, $0xb8;
	[tilespmem:$0x1BE00] =	vst v63  }
0x5e: {  	_ =	swait.ge [sflag:s24], $0x4000  }
0x5f: {  	[sflag:s24] =	ssyncset.done $0x0  }
0x60: {  	[sflag:s24] =	ssyncadd.s32 $0xFFFFC000  }
0x61: {  	_ =	swait.ge [sflag:s25], $0x4000  }
0x62: {  	s26 =	sadd.s32 $0x1, s26;
	[sflag:s25] =	ssyncset.done $0x0  }
0x63: {  	p0 =	sne.s32 s26, s8;
	[sflag:s25] =	ssyncadd.s32 $0xFFFFC000  }
.Ltmp1:
0x64: {  	[bflag:$0x0] =	sbarrier.arrive $0xFFFF;
	(pc) =	sbr.rel @p0 .LBB2_1-.Ltmp1, $4  }
0x65: {  	[hbm:s7], [sflag:s6] =	dma.local [spmem:s13], $0x2780  }
0x66: {  	_ =	swait.ge [sflag:s14], $0x2780  }
0x67: {  	[sflag:s14] =	ssyncset.done $0x0  }
0x68: {  	[sflag:s14] =	ssyncadd.s32 $0xFFFFD880  }
0x69: {  	_ =	sfence.sel $0x180000  }
0x6a: {  	[bflag:$0x0] =	sbarrier.arrive $0xFFFF  }
0x6b: {  	p0 =	sne.s32 s1, $0x0;
	_ =	strace $0x9000004A  }
0x6c: {  	s0 =	sadd.s32 @!p0 $0x100000, s0;
	[bflag:$0x2] =	sbarrier.arrive $0xFFFF  }
0x6d: {  	[sflag:s0] =	ssyncadd.tile.s32 @!p0 $0x1;
	_ =	shalt  }
.Lfunc_end2:
_tile_overlayer_lowered:
.L_overlay_start_2:
0x6e: {  	(tag) =	ssettag $0x2  }
0x6f: {  	s0 =	rddreg [dreg:$0x0];
	s2 =	stileid.u32  }
0x70: {  	s1 =	rddreg [dreg:$0x1];
	p0 =	sne.s32 s2, $0x0  }
0x71: {  	s3 =	rddreg [dreg:$0x2];
	[bflag:$0x3] =	sbarrier.arrive $0xFFFF;
	s2 =	simm.s32 @!p0 $0x1C07  }
0x72: {  	[timem:s3], [sflag:s2] =	dma.local @!p0 [hbm:s0], s1  }
0x73: {  	s0 =	simm.s32 @!p0 $0x7  }
0x74: {  	_ =	swait.ge @!p0 [sflag:s0], s1  }
0x75: {  	s1 =	ssub.s32 @!p0 $0x0, s1;
	[sflag:s0] =	ssyncset.done @!p0 $0x0  }
0x76: {  	[sflag:s0] =	ssyncadd.s32 @!p0 s1  }
0x77: {  	[bflag:$0x3] =	sbarrier.arrive $0xFFFF  }
0x78: {  	_ =	shalt  }

// kernel: kernel.26.cloned.1.call-start
scs
__scs_entry_jumppad:
0x0: {  	(pc) =	sbr.rel $0x88, $3  }
0x1: {  	(tag) =	ssettag $0x0;
	lr =	simm.s32 $0x1  }
0x2: {  	[smem:$0x3F90] =	sst lr;
	_ =	strace $0xD0000000  }
0x3: {  	_ = 	snop  }
0x4: {  	_ = 	snop  }
0x5: {  	_ = 	snop  }
0x6: {  	_ = 	snop  }
0x7: {  	_ = 	snop  }
__scs_overlays_trampoline_lowered:
0x8: {  	[smem:$0x3F9F] =	sst s0  }
0x9: {  	[smem:$0x3FA0] =	sst s1  }
0xa: {  	[smem:$0x3FA1] =	sst s2  }
0xb: {  	[smem:$0x3FA2] =	sst s3  }
0xc: {  	[smem:$0x3FA3] =	sst s4  }
0xd: {  	[smem:$0x3FA4] =	sst s5  }
0xe: {  	[smem:$0x3FA5] =	sst s6  }
0xf: {  	[smem:$0x3FA6] =	sst s7  }
0x10: {  	[smem:$0x3FA7] =	sst s8  }
0x11: {  	[smem:$0x3FA8] =	sst s9;
	s0 =	simm.s32 @!p0 $0x0  }
0x12: {  	s1 =	sld [smem:$0x3F8E];
	s0 =	simm.s32 @p0 $0x1  }
0x13: {  	[smem:$0x3FA9] =	sst s0;
	s0 =	simm.s32 @!p1 $0x0  }
0x14: {  	s2 =	sld [smem:$0x3F8D];
	s0 =	simm.s32 @p1 $0x1  }
0x15: {  	[smem:$0x3FAA] =	sst s0;
	s0 =	simm.s32 @!p2 $0x0  }
0x16: {  	s3 =	sld [smem:$0x3FDB];
	s0 =	simm.s32 @p2 $0x1  }
0x17: {  	s4 =	simm.s32 $0x1BF5;
	[smem:$0x3FAC] =	sst s0  }
0x18: {  	s0 =	sld [smem:$0x3F8F];
	_ =	swait.ge [sflag:s4], $0x0  }
0x19: {  	s7 =	sld [smem:$0x3F90]  }
0x1a: {  	s8 =	sadd.s32 $0xFFFFE003, lr  }
0x1b: {  	s9 =	sadd.s32 $0xFFFFFEF7, lr;
	s5 =	simm.s32 $0xFFFFFFFF;
	p2 =	slt.u32 s8, $0xFFFFF086  }
0x1c: {  	p1 =	slt.u32 s9, $0xF7A;
	s5 =	simm.s32 @!p2 $0x0  }
0x1d: {  	s5 =	simm.s32 @p1 $0x1;
	p0 =	seq.s32 s7, s2  }
0x1e: {  	s7 =	smul.u32 @!p0 $0xF7A, s2;
	p2 =	seq.s32 @!p0 s5, $0x0  }
0x1f: {  	s9 =	smul.u32 $0xF7A, s1;
	s8 =	simm.s32 @!p0 $0x1BF5;
	p2 =	por !p2, p0  }
0x20: {  	[sflag:s8] =	ssyncset.s32 @!p0 $0xFFFFF086;
	s6 =	sadd.s32 @!p0 s3, s7;
	s7 =	simm.s32 @!p0 $0x108  }
0x21: {  	s3 =	sadd.s32 s3, s9;
	s6 =	sadd.s32 @!p0 $0x88, s6;
	s7 =	simm.s32 @p2 $0x1082  }
0x22: {  	[simem:s7], [sflag:s8] =	dma.local @!p0 [hbm:s6], $0xF7A  }
0x23: {  	s9 =	sor.u32 $0xD0000000, s2;
	s6 =	simm.s32 $0x108;
	_ =	swait.ge @!p0 [sflag:s8], $0x0  }
0x24: {  	s3 =	sadd.s32 $0x88, s3;
	s6 =	simm.s32 @!p1 $0x1082;
	[sflag:s4] =	ssyncset.s32 $0xFFFFF086  }
0x25: {  	[simem:s6], [sflag:s4] =	dma.local [hbm:s3], $0xF7A  }
0x26: {  	[smem:$0x3F90] =	sst s1;
	(tag) =	ssettag s2;
	_ =	strace s9  }
0x27: {  	s1 =	sld [smem:$0x3FA0]  }
0x28: {  	s2 =	sld [smem:$0x3FA1]  }
0x29: {  	s4 =	sld [smem:$0x3FA3]  }
0x2a: {  	p0 =	seq.s32 s5, $0x0;
	s5 =	sld [smem:$0x3FA4]  }
0x2b: {  	s6 =	sld [smem:$0x3FA5]  }
0x2c: {  	s7 =	sld [smem:$0x3FA6]  }
0x2d: {  	s3 =	simm.s32 $0x108;
	s8 =	sld [smem:$0x3FA7]  }
0x2e: {  	s3 =	simm.s32 @!p0 $0x1082;
	s9 =	sld [smem:$0x3FA8]  }
0x2f: {  	lr =	sadd.s32 s0, s3;
	s0 =	sld [smem:$0x3F9F]  }
0x30: {  	s3 =	sld [smem:$0x3FA2]  }
0x31: {  	[smem:$0x3FAB] =	sst s10  }
0x32: {  	s10 =	sld [smem:$0x3FA9];
	_ =	sdelay $0x3  }
0x33: {  	p0 =	seq.s32 s10, $0x1;
	s10 =	sld [smem:$0x3FAB];
	_ =	sdelay $0x3  }
0x34: {  	[smem:$0x3FAB] =	sst s10  }
0x35: {  	s10 =	sld [smem:$0x3FAA];
	_ =	sdelay $0x3  }
0x36: {  	p1 =	seq.s32 s10, $0x1;
	s10 =	sld [smem:$0x3FAB];
	_ =	sdelay $0x3  }
0x37: {  	[smem:$0x3FAB] =	sst s10  }
0x38: {  	s10 =	sld [smem:$0x3FAC]  }
0x39: {  	_ = 	snop;
	(pc) =	sbr.ind lr, $3  }
0x3a: {  	_ = 	snop  }
0x3b: {  	_ = 	snop  }
0x3c: {  	p2 =	seq.s32 s10, $0x1;
	s10 =	sld [smem:$0x3FAB]  }
0x3d: {  	_ =	shalt  }
0x3e: {  	_ =	shalt  }
0x3f: {  	_ =	shalt  }
0x40: {  	_ =	shalt  }
0x41: {  	_ =	shalt  }
0x42: {  	_ =	shalt  }
0x43: {  	_ =	shalt  }
0x44: {  	_ =	shalt  }
0x45: {  	_ =	shalt  }
0x46: {  	_ =	shalt  }
0x47: {  	_ =	shalt  }
0x48: {  	_ =	shalt  }
0x49: {  	_ =	shalt  }
0x4a: {  	_ =	shalt  }
0x4b: {  	_ =	shalt  }
0x4c: {  	_ =	shalt  }
0x4d: {  	_ =	shalt  }
0x4e: {  	_ =	shalt  }
0x4f: {  	_ =	shalt  }
0x50: {  	_ =	shalt  }
0x51: {  	_ =	shalt  }
0x52: {  	_ =	shalt  }
0x53: {  	_ =	shalt  }
0x54: {  	_ =	shalt  }
0x55: {  	_ =	shalt  }
0x56: {  	_ =	shalt  }
0x57: {  	_ =	shalt  }
0x58: {  	_ =	shalt  }
0x59: {  	_ =	shalt  }
0x5a: {  	_ =	shalt  }
0x5b: {  	_ =	shalt  }
0x5c: {  	_ =	shalt  }
0x5d: {  	_ =	shalt  }
0x5e: {  	_ =	shalt  }
0x5f: {  	_ =	shalt  }
0x60: {  	_ =	shalt  }
0x61: {  	_ =	shalt  }
0x62: {  	_ =	shalt  }
0x63: {  	_ =	shalt  }
0x64: {  	_ =	shalt  }
0x65: {  	_ =	shalt  }
0x66: {  	_ =	shalt  }
0x67: {  	_ =	shalt  }
0x68: {  	_ =	shalt  }
0x69: {  	_ =	shalt  }
0x6a: {  	_ =	shalt  }
0x6b: {  	_ =	shalt  }
0x6c: {  	_ =	shalt  }
0x6d: {  	_ =	shalt  }
0x6e: {  	_ =	shalt  }
0x6f: {  	_ =	shalt  }
0x70: {  	_ =	shalt  }
0x71: {  	_ =	shalt  }
0x72: {  	_ =	shalt  }
0x73: {  	_ =	shalt  }
0x74: {  	_ =	shalt  }
0x75: {  	_ =	shalt  }
0x76: {  	_ =	shalt  }
0x77: {  	_ =	shalt  }
0x78: {  	_ =	shalt  }
0x79: {  	_ =	shalt  }
0x7a: {  	_ =	shalt  }
0x7b: {  	_ =	shalt  }
0x7c: {  	_ =	shalt  }
0x7d: {  	_ =	shalt  }
0x7e: {  	_ =	shalt  }
0x7f: {  	_ =	shalt  }
0x80: {  	_ =	shalt  }
0x81: {  	_ =	shalt  }
0x82: {  	_ =	shalt  }
0x83: {  	_ =	shalt  }
0x84: {  	_ =	shalt  }
0x85: {  	_ =	shalt  }
0x86: {  	_ =	shalt  }
0x87: {  	_ =	shalt  }
.Lfunc_end0:
.L_simem_size_0:
called_computation.2_lowered:
.L_overlay_start_0:
0x88: {  	s2 =	sld [smem:$0x3FD9]  }
0x89: {  	s3 =	sld [smem:$0x3FFE];
	_ =	sdelay $0x1  }
0x8a: {  	s1 =	srdreg.scid  }
0x8b: {  	s0 =	sand.u32 $0x1, s1  }
0x8c: {  	s16 =	sshll.u32 s0, $0xA;
	s2 =	sadd.s32 s3, s2  }
0x8d: {  	s2 =	sadd.s32 s2, s16  }
0x8e: {  	[smem:$0x3FB7] =	sst s2  }
0x8f: {  	_ = 	snop  }
0x90: {  	(tm) =	ssettm $0x1  }
0x91: {  	s17 =	sld [smem:$0x3FFB];
	_ =	sdelay $0x3  }
0x92: {  	_ =	strace s17  }
0x93: {  	s2 =	sld [smem:$0x3FFC];
	_ =	sdelay $0x3  }
0x94: {  	_ =	strace s2  }
0x95: {  	s2 =	sld [smem:$0x3FFD];
	_ =	sdelay $0x3  }
0x96: {  	_ =	strace s2  }
0x97: {  	_ =	strace $0x8FFFFFFF  }
0x98: {  	s18 =	sld [smem:$0x3FDB];
	_ =	sdelay $0x1  }
0x99: {  	s19 =	simm.s32 $_scs_section_size  }
0x9a: {  	s4 =	simm.s32 $_size__tile_overlayer_lowered;
	s5 =	simm.s32 $_tile_overlayer_lowered  }
0x9b: {  	s22 =	simm.s32 $0x1BFF;
	s21 =	sshll.u32 s5, $0x1;
	s2 =	sadd.s32 s19, s18  }
0x9c: {  	s6 =	simm.s32 $0x0;
	s20 =	sshll.u32 s4, $0x1;
	s4 =	sadd.s32 s21, s2  }
0x9d: {  	[timem:s6], [sflag:s22] =	dma.local [hbm:s4], s20  }
0x9e: {  	_ =	swait.ge [sflag:s22], s20  }
0x9f: {  	s3 =	ssub.s32 $0x0, s20;
	[sflag:s22] =	ssyncset.done $0x0  }
0xa0: {  	[sflag:s22] =	ssyncadd.s32 s3;
	_ =	sdelay $0x1  }
0xa1: {  	s23 =	simm.s32 $0x1B8B  }
0xa2: {  	_ =	swait.ge [sflag:s23], $0x1  }
0xa3: {  	[sflag:s23] =	ssyncset.done $0x0  }
0xa4: {  	s25 =	simm.s32 $0x1B8E;
	s24 =	sld [smem:$0x3FFE];
	[sflag:s23] =	ssyncadd.s32 $0xFFFFFFFF  }
0xa5: {  	s26 =	simm.s32 $execute0_lowered;
	[smem:$0x3FD2] =	sst s25  }
0xa6: {  	s4 =	sshll.u32 s26, $0x1;
	_ =	strace $0x8000004C;
	[dreg:$0x1] =	wrdreg $0xFFFFFFFF  }
0xa7: {  	s28 =	simm.s32 $_size_execute0_lowered;
	s2 =	sadd.s32 s2, s4;
	[dreg:$0x0] =	wrdreg $0x0  }
0xa8: {  	s4 =	sshll.u32 s28, $0x1;
	[dreg:$0x2] =	wrdreg s2  }
0xa9: {  	[dreg:$0x3] =	wrdreg s4  }
0xaa: {  	[dreg:$0x4] =	wrdreg $0xC0  }
0xab: {  	_ =	task [dreg:s6], $0x5FFFF  }
0xac: {  	[dreg:$0x1] =	wrdreg $0xFFFFFFFF  }
0xad: {  	[dreg:$0x0] =	wrdreg $0x60  }
0xae: {  	[dreg:$0x2] =	wrdreg s24  }
0xaf: {  	[dreg:$0x3] =	wrdreg $0x82000  }
0xb0: {  	[dreg:$0x4] =	wrdreg $0x9  }
0xb1: {  	_ =	task.clear_ibuf [dreg:s6], $0x5FFFF;
	_ =	strace $0x9000004C  }
0xb2: {  	s29 =	simm.s32 $0x9;
	_ =	strace $0x8000004E  }
0xb3: {  	_ =	swait.ge [sflag:s29], $0x1  }
0xb4: {  	[sflag:s29] =	ssyncadd.s32 $0xFFFFFFFF  }
0xb5: {  	_ =	strace $0x9000004E  }
0xb6: {  	_ =	sfence  }
0xb7: {  	s30 =	sld [smem:$0x0];
	_ =	sdelay $0x2  }
0xb8: {  	s31 =	sshll.u32 s1, $0xD;
	s1 =	sshrl.u32 s1, $0x2  }
0xb9: {  	s3 =	sand.u32 $0x4000, s31;
	s1 =	sadd.s32 s1, s30  }
0xba: {  	s0 =	sor.u32 s3, s0;
	s1 =	sshll.u32 s1, $0x11  }
0xbb: {  	s0 =	sor.u32 s1, s0  }
0xbc: {  	s0 =	sadd.s32 $0x8F2B, s0  }
0xbd: {  	[sflag:s0] =	ssyncadd.remote.s32 $0x1  }
0xbe: {  	_ =	sfence.sel $0xFFFF  }
0xbf: {  	[dreg:$0x0] =	wrdreg $0xFFFFFFFF;
	(pc) =	sbr.abs _section_cstart, $3  }
0xc0: {  	[dreg:$0x1] =	wrdreg $0xFFFFFFFF  }
0xc1: {  	_ =	task.clear_ibuf [dreg:s6], $0x2FFFF;
	_ =	strace $0x9FFFFFFF  }
0xc2: {  	(tm) =	ssettm $0x7FFFFFFF  }
0xc3: {  	_ =	shalt  }
tec
execute0_lowered:
.L_overlay_start_1:
0x0: {  	(tag) =	ssettag $0x1  }
0x1: {  	s6 =	rddreg [dreg:$0x0]  }
0x2: {  	s2 =	rddreg [dreg:$0x1]  }
0x3: {  	s0 =	rddreg [dreg:$0x2];
	s3 =	simm.s32 $0x0;
	s4 =	srdreg.scid  }
0x4: {  	s1 =	stileid.u32;
	s16 =	simm.s32 $0x1;
	s17 =	simm.s32 $0x80  }
0x5: {  	s18 =	simm.s32 $0x200;
	s19 =	simm.s32 $0x2;
	s5 =	smul.u32 $0x2780, s1  }
0x6: {  	s20 =	simm.s32 $0x4200;
	s21 =	simm.s32 $0x3;
	s12 =	smul.u32 $0x4F000, s1  }
0x7: {  	s22 =	simm.s32 $0x4;
	s23 =	simm.s32 $0x180;
	s14 =	smul.u32 $0x50, s1  }
0x8: {  	[smem:$0x7FF] =	sst s3;
	s8 =	sand.u32 $0x1, s4;
	s29 =	smul.u32 $0xA00, s1  }
0x9: {  	s4 =	sadd.s32 $0x5E00, s6;
	s10 =	sadd.s32 $0x54000, s6;
	s7 =	smul.u32 $0x27800, s8  }
0xa: {  	s13 =	sshll.u32 s1, $0x6;
	_ =	strace $0x8000004D;
	s26 =	smul.u32 $0x500, s8  }
0xb: {  	s9 =	ssub.s32 $0x2, s8;
	s25 =	sshll.u32 s8, $0x4;
	s28 =	smul.u32 $0xA000, s8  }
0xc: {  	s11 =	sshrl.u32 s9, $0x1;
	s24 =	sshrl.u32 s12, $0x2;
	s7 =	sadd.s32 s5, s7  }
0xd: {  	s5 =	sadd.s32 $0x68000, s6;
	s9 =	ssub.s32 s9, s11;
	s11 =	sor.u32 s1, s25  }
0xe: {  	s15 =	sadd.s32 s24, s2;
	s12 =	sadd.s32 s14, s26;
	s31 =	sadd.s32 s28, s10  }
0xf: {  	s14 =	simm.s32 $0x7;
	s24 =	simm.s32 $0x5;
	s25 =	simm.s32 $0x6  }
0x10: {  	s26 =	simm.s32 $0x0;
	s7 =	sadd.s32 s7, s6;
	s6 =	sor.u32 $0x1C07, s13  }
0x11: {  	s11 =	smul.u32 $0xA00, s11;
	s8 =	smax.u32 s9, $0x1;
	s12 =	sshll.u32 s12, $0x5  }
0x12: {  	s13 =	sshrl.u32 s15, $0x3;
	s15 =	simm.s32 $0x100;
	s7 =	sadd.s32 $0x6A800, s7  }
0x13: {  	s30 =	sadd.s32 s12, s10;
	s12 =	sadd.s32 s29, s31;
	s9 =	sadd.s32 s10, s11  }
0x14: {  	s11 =	sadd.s32 $0x60, s30;
	s12 =	sadd.s32 $0x40, s12;
	s10 =	sadd.s32 $0x20, s9  }
.LBB2_1:
0x15: {  	[spmem:s13], [sflag:s6] =	dma.local [hbm:s5], $0x2780  }
0x16: {  	_ =	swait.ge [sflag:s14], $0x2780  }
0x17: {  	[sflag:s14] =	ssyncset.done $0x0  }
0x18: {  	[sflag:s14] =	ssyncadd.s32 $0xFFFFD880  }
0x19: {  	[bflag:$0x0] =	sbarrier.arrive $0xFFFF  }
0x1a: {  	[tilespmem:s3], [sflag:$0x1] =	stream.linear.gather [hbm4b:s9+s3], $0x100, $0x38;
	[tilespmem:$0x1BE00] =	vst v63  }
0x1b: {  	_ = 	snop  }
0x1c: {  	[tilespmem:s15], [sflag:$0x2] =	stream.linear.gather [hbm4b:s10+s3], $0x100, $0x38;
	[tilespmem:$0x1BE00] =	vst v63  }
0x1d: {  	_ =	swait.ge [sflag:s16], $0x100  }
0x1e: {  	[sflag:s16] =	ssyncset.done $0x0  }
0x1f: {  	[sflag:s16] =	ssyncadd.s32 $0xFFFFFF00  }
0x20: {  	[tilespmem:s18], [sflag:$0x3] =	stream.indirect.gather [hbm4b:s4+s17], $0x80, s3, s17, $0xb8;
	[tilespmem:$0x1BE00] =	vst v63  }
0x21: {  	_ =	swait.ge [sflag:s19], $0x100  }
0x22: {  	[sflag:s19] =	ssyncset.done $0x0  }
0x23: {  	[sflag:s19] =	ssyncadd.s32 $0xFFFFFF00  }
0x24: {  	[tilespmem:s20], [sflag:$0x4] =	stream.indirect.gather [hbm4b:s4+s17], $0x80, s15, s17, $0xb8;
	[tilespmem:$0x1BE00] =	vst v63  }
0x25: {  	_ =	swait.ge [sflag:s21], $0x4000  }
0x26: {  	[sflag:s21] =	ssyncset.done $0x0  }
0x27: {  	[sflag:s21] =	ssyncadd.s32 $0xFFFFC000  }
0x28: {  	[spmem:s2] =	stream.indirect.scatter.add.f32 [tilespmem:s18], [sflag:$0x5], $0x80, s17, s17, $0xb8;
	[tilespmem:$0x1BE00] =	vst v63  }
0x29: {  	_ =	swait.ge [sflag:s22], $0x4000  }
0x2a: {  	[sflag:s22] =	ssyncset.done $0x0  }
0x2b: {  	[sflag:s22] =	ssyncadd.s32 $0xFFFFC000  }
0x2c: {  	[spmem:s2] =	stream.indirect.scatter.add.f32 [tilespmem:s20], [sflag:$0x6], $0x80, s23, s17, $0xb8;
	[tilespmem:$0x1BE00] =	vst v63  }
0x2d: {  	_ =	swait.ge [sflag:s24], $0x4000  }
0x2e: {  	[sflag:s24] =	ssyncset.done $0x0  }
0x2f: {  	s28 =	sadd.s32 $0x0, s12;
	[sflag:s24] =	ssyncadd.s32 $0xFFFFC000  }
0x30: {  	[tilespmem:s3], [sflag:$0x1] =	stream.linear.gather [hbm4b:s28+s3], $0x100, $0x38;
	[tilespmem:$0x1BE00] =	vst v63  }
0x31: {  	_ =	swait.ge [sflag:s25], $0x4000  }
0x32: {  	[sflag:s25] =	ssyncset.done $0x0  }
0x33: {  	s28 =	sadd.s32 $0x0, s11;
	[sflag:s25] =	ssyncadd.s32 $0xFFFFC000  }
0x34: {  	[tilespmem:s15], [sflag:$0x2] =	stream.linear.gather [hbm4b:s28+s3], $0x100, $0x38;
	[tilespmem:$0x1BE00] =	vst v63  }
0x35: {  	_ =	swait.ge [sflag:s16], $0x100  }
0x36: {  	[sflag:s16] =	ssyncset.done $0x0  }
0x37: {  	[sflag:s16] =	ssyncadd.s32 $0xFFFFFF00  }
0x38: {  	[tilespmem:s18], [sflag:$0x3] =	stream.indirect.gather [hbm4b:s4+s17], $0x80, s3, s17, $0xb8;
	[tilespmem:$0x1BE00] =	vst v63  }
0x39: {  	_ =	swait.ge [sflag:s19], $0x100  }
0x3a: {  	[sflag:s19] =	ssyncset.done $0x0  }
0x3b: {  	[sflag:s19] =	ssyncadd.s32 $0xFFFFFF00  }
0x3c: {  	[tilespmem:s20], [sflag:$0x4] =	stream.indirect.gather [hbm4b:s4+s17], $0x80, s15, s17, $0xb8;
	[tilespmem:$0x1BE00] =	vst v63  }
0x3d: {  	_ =	swait.ge [sflag:s21], $0x4000  }
0x3e: {  	[sflag:s21] =	ssyncset.done $0x0  }
0x3f: {  	[sflag:s21] =	ssyncadd.s32 $0xFFFFC000  }
0x40: {  	[spmem:s2] =	stream.indirect.scatter.add.f32 [tilespmem:s18], [sflag:$0x5], $0x80, s17, s17, $0xb8;
	[tilespmem:$0x1BE00] =	vst v63  }
0x41: {  	_ =	swait.ge [sflag:s22], $0x4000  }
0x42: {  	[sflag:s22] =	ssyncset.done $0x0  }
0x43: {  	s28 =	simm.s32 $0x40;
	[sflag:s22] =	ssyncadd.s32 $0xFFFFC000  }
.LBB2_2:
0x44: {  	[spmem:s2] =	stream.indirect.scatter.add.f32 [tilespmem:s20], [sflag:$0x6], $0x80, s23, s17, $0xb8;
	[tilespmem:$0x1BE00] =	vst v63  }
0x45: {  	s29 =	smov.u32 s28  }
0x46: {  	p0 =	sne.s32 s28, $0x980;
	s28 =	sadd.s32 $0x40, s28;
	_ =	swait.ge [sflag:s24], $0x4000  }
0x47: {  	[sflag:s24] =	ssyncset.done $0x0  }
0x48: {  	s30 =	sadd.s32 s29, s12;
	[sflag:s24] =	ssyncadd.s32 $0xFFFFC000  }
0x49: {  	[tilespmem:s3], [sflag:$0x1] =	stream.linear.gather [hbm4b:s30+s3], $0x100, $0x38;
	[tilespmem:$0x1BE00] =	vst v63  }
0x4a: {  	_ =	swait.ge [sflag:s25], $0x4000  }
0x4b: {  	[sflag:s25] =	ssyncset.done $0x0  }
0x4c: {  	s29 =	sadd.s32 s29, s11;
	[sflag:s25] =	ssyncadd.s32 $0xFFFFC000  }
0x4d: {  	[tilespmem:s15], [sflag:$0x2] =	stream.linear.gather [hbm4b:s29+s3], $0x100, $0x38;
	[tilespmem:$0x1BE00] =	vst v63  }
0x4e: {  	_ =	swait.ge [sflag:s16], $0x100  }
0x4f: {  	[sflag:s16] =	ssyncset.done $0x0  }
0x50: {  	[sflag:s16] =	ssyncadd.s32 $0xFFFFFF00  }
0x51: {  	[tilespmem:s18], [sflag:$0x3] =	stream.indirect.gather [hbm4b:s4+s17], $0x80, s3, s17, $0xb8;
	[tilespmem:$0x1BE00] =	vst v63  }
0x52: {  	_ =	swait.ge [sflag:s19], $0x100  }
0x53: {  	[sflag:s19] =	ssyncset.done $0x0  }
0x54: {  	[sflag:s19] =	ssyncadd.s32 $0xFFFFFF00  }
0x55: {  	[tilespmem:s20], [sflag:$0x4] =	stream.indirect.gather [hbm4b:s4+s17], $0x80, s15, s17, $0xb8;
	[tilespmem:$0x1BE00] =	vst v63  }
0x56: {  	_ =	swait.ge [sflag:s21], $0x4000  }
0x57: {  	[sflag:s21] =	ssyncset.done $0x0  }
.Ltmp0:
0x58: {  	[sflag:s21] =	ssyncadd.s32 $0xFFFFC000;
	(pc) =	sbr.rel @p0 .LBB2_2-.Ltmp0, $4  }
0x59: {  	[spmem:s2] =	stream.indirect.scatter.add.f32 [tilespmem:s18], [sflag:$0x5], $0x80, s17, s17, $0xb8;
	[tilespmem:$0x1BE00] =	vst v63  }
0x5a: {  	_ =	swait.ge [sflag:s22], $0x4000  }
0x5b: {  	[sflag:s22] =	ssyncset.done $0x0  }
0x5c: {  	[sflag:s22] =	ssyncadd.s32 $0xFFFFC000  }
0x5d: {  	[spmem:s2] =	stream.indirect.scatter.add.f32 [tilespmem:s20], [sflag:$0x6], $0x80, s23, s17, $0xb8;
	[tilespmem:$0x1BE00] =	vst v63  }
0x5e: {  	_ =	swait.ge [sflag:s24], $0x4000  }
0x5f: {  	[sflag:s24] =	ssyncset.done $0x0  }
0x60: {  	[sflag:s24] =	ssyncadd.s32 $0xFFFFC000  }
0x61: {  	_ =	swait.ge [sflag:s25], $0x4000  }
0x62: {  	s26 =	sadd.s32 $0x1, s26;
	[sflag:s25] =	ssyncset.done $0x0  }
0x63: {  	p0 =	sne.s32 s26, s8;
	[sflag:s25] =	ssyncadd.s32 $0xFFFFC000  }
.Ltmp1:
0x64: {  	[bflag:$0x0] =	sbarrier.arrive $0xFFFF;
	(pc) =	sbr.rel @p0 .LBB2_1-.Ltmp1, $4  }
0x65: {  	[hbm:s7], [sflag:s6] =	dma.local [spmem:s13], $0x2780  }
0x66: {  	_ =	swait.ge [sflag:s14], $0x2780  }
0x67: {  	[sflag:s14] =	ssyncset.done $0x0  }
0x68: {  	[sflag:s14] =	ssyncadd.s32 $0xFFFFD880  }
0x69: {  	_ =	sfence.sel $0x180000  }
0x6a: {  	[bflag:$0x0] =	sbarrier.arrive $0xFFFF  }
0x6b: {  	p0 =	sne.s32 s1, $0x0;
	_ =	strace $0x9000004D  }
0x6c: {  	s0 =	sadd.s32 @!p0 $0x100000, s0;
	[bflag:$0x2] =	sbarrier.arrive $0xFFFF  }
0x6d: {  	[sflag:s0] =	ssyncadd.tile.s32 @!p0 $0x1;
	_ =	shalt  }
.Lfunc_end2:
_tile_overlayer_lowered:
.L_overlay_start_2:
0x6e: {  	(tag) =	ssettag $0x2  }
0x6f: {  	s0 =	rddreg [dreg:$0x0];
	s2 =	stileid.u32  }
0x70: {  	s1 =	rddreg [dreg:$0x1];
	p0 =	sne.s32 s2, $0x0  }
0x71: {  	s3 =	rddreg [dreg:$0x2];
	[bflag:$0x3] =	sbarrier.arrive $0xFFFF;
	s2 =	simm.s32 @!p0 $0x1C07  }
0x72: {  	[timem:s3], [sflag:s2] =	dma.local @!p0 [hbm:s0], s1  }
0x73: {  	s0 =	simm.s32 @!p0 $0x7  }
0x74: {  	_ =	swait.ge @!p0 [sflag:s0], s1  }
0x75: {  	s1 =	ssub.s32 @!p0 $0x0, s1;
	[sflag:s0] =	ssyncset.done @!p0 $0x0  }
0x76: {  	[sflag:s0] =	ssyncadd.s32 @!p0 s1  }
0x77: {  	[bflag:$0x3] =	sbarrier.arrive $0xFFFF  }
0x78: {  	_ =	shalt  }

// kernel: kernel.29.cloned.1.call-start
scs
__scs_entry_jumppad:
0x0: {  	(pc) =	sbr.rel $0x88, $3  }
0x1: {  	(tag) =	ssettag $0x0;
	lr =	simm.s32 $0x1  }
0x2: {  	[smem:$0x3F90] =	sst lr;
	_ =	strace $0xD0000000  }
0x3: {  	_ = 	snop  }
0x4: {  	_ = 	snop  }
0x5: {  	_ = 	snop  }
0x6: {  	_ = 	snop  }
0x7: {  	_ = 	snop  }
__scs_overlays_trampoline_lowered:
0x8: {  	[smem:$0x3F9F] =	sst s0  }
0x9: {  	[smem:$0x3FA0] =	sst s1  }
0xa: {  	[smem:$0x3FA1] =	sst s2  }
0xb: {  	[smem:$0x3FA2] =	sst s3  }
0xc: {  	[smem:$0x3FA3] =	sst s4  }
0xd: {  	[smem:$0x3FA4] =	sst s5  }
0xe: {  	[smem:$0x3FA5] =	sst s6  }
0xf: {  	[smem:$0x3FA6] =	sst s7  }
0x10: {  	[smem:$0x3FA7] =	sst s8  }
0x11: {  	[smem:$0x3FA8] =	sst s9;
	s0 =	simm.s32 @!p0 $0x0  }
0x12: {  	s1 =	sld [smem:$0x3F8E];
	s0 =	simm.s32 @p0 $0x1  }
0x13: {  	[smem:$0x3FA9] =	sst s0;
	s0 =	simm.s32 @!p1 $0x0  }
0x14: {  	s2 =	sld [smem:$0x3F8D];
	s0 =	simm.s32 @p1 $0x1  }
0x15: {  	[smem:$0x3FAA] =	sst s0;
	s0 =	simm.s32 @!p2 $0x0  }
0x16: {  	s3 =	sld [smem:$0x3FDB];
	s0 =	simm.s32 @p2 $0x1  }
0x17: {  	s4 =	simm.s32 $0x1BF5;
	[smem:$0x3FAC] =	sst s0  }
0x18: {  	s0 =	sld [smem:$0x3F8F];
	_ =	swait.ge [sflag:s4], $0x0  }
0x19: {  	s7 =	sld [smem:$0x3F90]  }
0x1a: {  	s8 =	sadd.s32 $0xFFFFE003, lr  }
0x1b: {  	s9 =	sadd.s32 $0xFFFFFEF7, lr;
	s5 =	simm.s32 $0xFFFFFFFF;
	p2 =	slt.u32 s8, $0xFFFFF086  }
0x1c: {  	p1 =	slt.u32 s9, $0xF7A;
	s5 =	simm.s32 @!p2 $0x0  }
0x1d: {  	s5 =	simm.s32 @p1 $0x1;
	p0 =	seq.s32 s7, s2  }
0x1e: {  	s7 =	smul.u32 @!p0 $0xF7A, s2;
	p2 =	seq.s32 @!p0 s5, $0x0  }
0x1f: {  	s9 =	smul.u32 $0xF7A, s1;
	s8 =	simm.s32 @!p0 $0x1BF5;
	p2 =	por !p2, p0  }
0x20: {  	[sflag:s8] =	ssyncset.s32 @!p0 $0xFFFFF086;
	s6 =	sadd.s32 @!p0 s3, s7;
	s7 =	simm.s32 @!p0 $0x108  }
0x21: {  	s3 =	sadd.s32 s3, s9;
	s6 =	sadd.s32 @!p0 $0x88, s6;
	s7 =	simm.s32 @p2 $0x1082  }
0x22: {  	[simem:s7], [sflag:s8] =	dma.local @!p0 [hbm:s6], $0xF7A  }
0x23: {  	s9 =	sor.u32 $0xD0000000, s2;
	s6 =	simm.s32 $0x108;
	_ =	swait.ge @!p0 [sflag:s8], $0x0  }
0x24: {  	s3 =	sadd.s32 $0x88, s3;
	s6 =	simm.s32 @!p1 $0x1082;
	[sflag:s4] =	ssyncset.s32 $0xFFFFF086  }
0x25: {  	[simem:s6], [sflag:s4] =	dma.local [hbm:s3], $0xF7A  }
0x26: {  	[smem:$0x3F90] =	sst s1;
	(tag) =	ssettag s2;
	_ =	strace s9  }
0x27: {  	s1 =	sld [smem:$0x3FA0]  }
0x28: {  	s2 =	sld [smem:$0x3FA1]  }
0x29: {  	s4 =	sld [smem:$0x3FA3]  }
0x2a: {  	p0 =	seq.s32 s5, $0x0;
	s5 =	sld [smem:$0x3FA4]  }
0x2b: {  	s6 =	sld [smem:$0x3FA5]  }
0x2c: {  	s7 =	sld [smem:$0x3FA6]  }
0x2d: {  	s3 =	simm.s32 $0x108;
	s8 =	sld [smem:$0x3FA7]  }
0x2e: {  	s3 =	simm.s32 @!p0 $0x1082;
	s9 =	sld [smem:$0x3FA8]  }
0x2f: {  	lr =	sadd.s32 s0, s3;
	s0 =	sld [smem:$0x3F9F]  }
0x30: {  	s3 =	sld [smem:$0x3FA2]  }
0x31: {  	[smem:$0x3FAB] =	sst s10  }
0x32: {  	s10 =	sld [smem:$0x3FA9];
	_ =	sdelay $0x3  }
0x33: {  	p0 =	seq.s32 s10, $0x1;
	s10 =	sld [smem:$0x3FAB];
	_ =	sdelay $0x3  }
0x34: {  	[smem:$0x3FAB] =	sst s10  }
0x35: {  	s10 =	sld [smem:$0x3FAA];
	_ =	sdelay $0x3  }
0x36: {  	p1 =	seq.s32 s10, $0x1;
	s10 =	sld [smem:$0x3FAB];
	_ =	sdelay $0x3  }
0x37: {  	[smem:$0x3FAB] =	sst s10  }
0x38: {  	s10 =	sld [smem:$0x3FAC]  }
0x39: {  	_ = 	snop;
	(pc) =	sbr.ind lr, $3  }
0x3a: {  	_ = 	snop  }
0x3b: {  	_ = 	snop  }
0x3c: {  	p2 =	seq.s32 s10, $0x1;
	s10 =	sld [smem:$0x3FAB]  }
0x3d: {  	_ =	shalt  }
0x3e: {  	_ =	shalt  }
0x3f: {  	_ =	shalt  }
0x40: {  	_ =	shalt  }
0x41: {  	_ =	shalt  }
0x42: {  	_ =	shalt  }
0x43: {  	_ =	shalt  }
0x44: {  	_ =	shalt  }
0x45: {  	_ =	shalt  }
0x46: {  	_ =	shalt  }
0x47: {  	_ =	shalt  }
0x48: {  	_ =	shalt  }
0x49: {  	_ =	shalt  }
0x4a: {  	_ =	shalt  }
0x4b: {  	_ =	shalt  }
0x4c: {  	_ =	shalt  }
0x4d: {  	_ =	shalt  }
0x4e: {  	_ =	shalt  }
0x4f: {  	_ =	shalt  }
0x50: {  	_ =	shalt  }
0x51: {  	_ =	shalt  }
0x52: {  	_ =	shalt  }
0x53: {  	_ =	shalt  }
0x54: {  	_ =	shalt  }
0x55: {  	_ =	shalt  }
0x56: {  	_ =	shalt  }
0x57: {  	_ =	shalt  }
0x58: {  	_ =	shalt  }
0x59: {  	_ =	shalt  }
0x5a: {  	_ =	shalt  }
0x5b: {  	_ =	shalt  }
0x5c: {  	_ =	shalt  }
0x5d: {  	_ =	shalt  }
0x5e: {  	_ =	shalt  }
0x5f: {  	_ =	shalt  }
0x60: {  	_ =	shalt  }
0x61: {  	_ =	shalt  }
0x62: {  	_ =	shalt  }
0x63: {  	_ =	shalt  }
0x64: {  	_ =	shalt  }
0x65: {  	_ =	shalt  }
0x66: {  	_ =	shalt  }
0x67: {  	_ =	shalt  }
0x68: {  	_ =	shalt  }
0x69: {  	_ =	shalt  }
0x6a: {  	_ =	shalt  }
0x6b: {  	_ =	shalt  }
0x6c: {  	_ =	shalt  }
0x6d: {  	_ =	shalt  }
0x6e: {  	_ =	shalt  }
0x6f: {  	_ =	shalt  }
0x70: {  	_ =	shalt  }
0x71: {  	_ =	shalt  }
0x72: {  	_ =	shalt  }
0x73: {  	_ =	shalt  }
0x74: {  	_ =	shalt  }
0x75: {  	_ =	shalt  }
0x76: {  	_ =	shalt  }
0x77: {  	_ =	shalt  }
0x78: {  	_ =	shalt  }
0x79: {  	_ =	shalt  }
0x7a: {  	_ =	shalt  }
0x7b: {  	_ =	shalt  }
0x7c: {  	_ =	shalt  }
0x7d: {  	_ =	shalt  }
0x7e: {  	_ =	shalt  }
0x7f: {  	_ =	shalt  }
0x80: {  	_ =	shalt  }
0x81: {  	_ =	shalt  }
0x82: {  	_ =	shalt  }
0x83: {  	_ =	shalt  }
0x84: {  	_ =	shalt  }
0x85: {  	_ =	shalt  }
0x86: {  	_ =	shalt  }
0x87: {  	_ =	shalt  }
.Lfunc_end0:
.L_simem_size_0:
called_computation.3_lowered:
.L_overlay_start_0:
0x88: {  	s2 =	sld [smem:$0x3FD9]  }
0x89: {  	s3 =	sld [smem:$0x3FFE];
	_ =	sdelay $0x1  }
0x8a: {  	s1 =	srdreg.scid  }
0x8b: {  	s0 =	sand.u32 $0x1, s1  }
0x8c: {  	s16 =	sshll.u32 s0, $0xA;
	s2 =	sadd.s32 s3, s2  }
0x8d: {  	s2 =	sadd.s32 s2, s16  }
0x8e: {  	[smem:$0x3FB7] =	sst s2  }
0x8f: {  	_ = 	snop  }
0x90: {  	(tm) =	ssettm $0x1  }
0x91: {  	s17 =	sld [smem:$0x3FFB];
	_ =	sdelay $0x3  }
0x92: {  	_ =	strace s17  }
0x93: {  	s2 =	sld [smem:$0x3FFC];
	_ =	sdelay $0x3  }
0x94: {  	_ =	strace s2  }
0x95: {  	s2 =	sld [smem:$0x3FFD];
	_ =	sdelay $0x3  }
0x96: {  	_ =	strace s2  }
0x97: {  	_ =	strace $0x8FFFFFFF  }
0x98: {  	s18 =	sld [smem:$0x3FDB];
	_ =	sdelay $0x1  }
0x99: {  	s19 =	simm.s32 $_scs_section_size  }
0x9a: {  	s4 =	simm.s32 $_size__tile_overlayer_lowered;
	s5 =	simm.s32 $_tile_overlayer_lowered  }
0x9b: {  	s22 =	simm.s32 $0x1BFF;
	s21 =	sshll.u32 s5, $0x1;
	s2 =	sadd.s32 s19, s18  }
0x9c: {  	s6 =	simm.s32 $0x0;
	s20 =	sshll.u32 s4, $0x1;
	s4 =	sadd.s32 s21, s2  }
0x9d: {  	[timem:s6], [sflag:s22] =	dma.local [hbm:s4], s20  }
0x9e: {  	_ =	swait.ge [sflag:s22], s20  }
0x9f: {  	s3 =	ssub.s32 $0x0, s20;
	[sflag:s22] =	ssyncset.done $0x0  }
0xa0: {  	[sflag:s22] =	ssyncadd.s32 s3;
	_ =	sdelay $0x1  }
0xa1: {  	s23 =	simm.s32 $0x1B8B  }
0xa2: {  	_ =	swait.ge [sflag:s23], $0x1  }
0xa3: {  	[sflag:s23] =	ssyncset.done $0x0  }
0xa4: {  	s25 =	simm.s32 $0x1B8E;
	s24 =	sld [smem:$0x3FFE];
	[sflag:s23] =	ssyncadd.s32 $0xFFFFFFFF  }
0xa5: {  	s26 =	simm.s32 $execute0_lowered;
	[smem:$0x3FD2] =	sst s25  }
0xa6: {  	s4 =	sshll.u32 s26, $0x1;
	_ =	strace $0x8000004F;
	[dreg:$0x1] =	wrdreg $0xFFFFFFFF  }
0xa7: {  	s28 =	simm.s32 $_size_execute0_lowered;
	s2 =	sadd.s32 s2, s4;
	[dreg:$0x0] =	wrdreg $0x0  }
0xa8: {  	s4 =	sshll.u32 s28, $0x1;
	[dreg:$0x2] =	wrdreg s2  }
0xa9: {  	[dreg:$0x3] =	wrdreg s4  }
0xaa: {  	[dreg:$0x4] =	wrdreg $0xC0  }
0xab: {  	_ =	task [dreg:s6], $0x5FFFF  }
0xac: {  	[dreg:$0x1] =	wrdreg $0xFFFFFFFF  }
0xad: {  	[dreg:$0x0] =	wrdreg $0x60  }
0xae: {  	[dreg:$0x2] =	wrdreg s24  }
0xaf: {  	[dreg:$0x3] =	wrdreg $0x82000  }
0xb0: {  	[dreg:$0x4] =	wrdreg $0x9  }
0xb1: {  	_ =	task.clear_ibuf [dreg:s6], $0x5FFFF;
	_ =	strace $0x9000004F  }
0xb2: {  	s29 =	simm.s32 $0x9;
	_ =	strace $0x80000051  }
0xb3: {  	_ =	swait.ge [sflag:s29], $0x1  }
0xb4: {  	[sflag:s29] =	ssyncadd.s32 $0xFFFFFFFF  }
0xb5: {  	_ =	strace $0x90000051  }
0xb6: {  	_ =	sfence  }
0xb7: {  	s30 =	sld [smem:$0x0];
	_ =	sdelay $0x2  }
0xb8: {  	s31 =	sshll.u32 s1, $0xD;
	s1 =	sshrl.u32 s1, $0x2  }
0xb9: {  	s3 =	sand.u32 $0x4000, s31;
	s1 =	sadd.s32 s1, s30  }
0xba: {  	s0 =	sor.u32 s3, s0;
	s1 =	sshll.u32 s1, $0x11  }
0xbb: {  	s0 =	sor.u32 s1, s0  }
0xbc: {  	s0 =	sadd.s32 $0x8F2B, s0  }
0xbd: {  	[sflag:s0] =	ssyncadd.remote.s32 $0x1  }
0xbe: {  	_ =	sfence.sel $0xFFFF  }
0xbf: {  	[dreg:$0x0] =	wrdreg $0xFFFFFFFF;
	(pc) =	sbr.abs _section_cstart, $3  }
0xc0: {  	[dreg:$0x1] =	wrdreg $0xFFFFFFFF  }
0xc1: {  	_ =	task.clear_ibuf [dreg:s6], $0x2FFFF;
	_ =	strace $0x9FFFFFFF  }
0xc2: {  	(tm) =	ssettm $0x7FFFFFFF  }
0xc3: {  	_ =	shalt  }
tec
execute0_lowered:
.L_overlay_start_1:
0x0: {  	(tag) =	ssettag $0x1  }
0x1: {  	s6 =	rddreg [dreg:$0x0]  }
0x2: {  	s2 =	rddreg [dreg:$0x1]  }
0x3: {  	s0 =	rddreg [dreg:$0x2];
	s3 =	simm.s32 $0x0;
	s4 =	srdreg.scid  }
0x4: {  	s1 =	stileid.u32;
	s16 =	simm.s32 $0x1;
	s17 =	simm.s32 $0x80  }
0x5: {  	s18 =	simm.s32 $0x200;
	s19 =	simm.s32 $0x2;
	s5 =	smul.u32 $0x2780, s1  }
0x6: {  	s20 =	simm.s32 $0x4200;
	s21 =	simm.s32 $0x3;
	s12 =	smul.u32 $0x4F000, s1  }
0x7: {  	s22 =	simm.s32 $0x4;
	s23 =	simm.s32 $0x180;
	s14 =	smul.u32 $0x50, s1  }
0x8: {  	[smem:$0x7FF] =	sst s3;
	s8 =	sand.u32 $0x1, s4;
	s29 =	smul.u32 $0xA00, s1  }
0x9: {  	s4 =	sadd.s32 $0x5E00, s6;
	s10 =	sadd.s32 $0xB9800, s6;
	s7 =	smul.u32 $0x27800, s8  }
0xa: {  	s13 =	sshll.u32 s1, $0x6;
	_ =	strace $0x80000050;
	s26 =	smul.u32 $0x500, s8  }
0xb: {  	s9 =	ssub.s32 $0x2, s8;
	s25 =	sshll.u32 s8, $0x4;
	s28 =	smul.u32 $0xA000, s8  }
0xc: {  	s11 =	sshrl.u32 s9, $0x1;
	s24 =	sshrl.u32 s12, $0x2;
	s7 =	sadd.s32 s5, s7  }
0xd: {  	s5 =	sadd.s32 $0x68000, s6;
	s9 =	ssub.s32 s9, s11;
	s11 =	sor.u32 s1, s25  }
0xe: {  	s15 =	sadd.s32 s24, s2;
	s12 =	sadd.s32 s14, s26;
	s31 =	sadd.s32 s28, s10  }
0xf: {  	s14 =	simm.s32 $0x7;
	s24 =	simm.s32 $0x5;
	s25 =	simm.s32 $0x6  }
0x10: {  	s26 =	simm.s32 $0x0;
	s7 =	sadd.s32 s7, s6;
	s6 =	sor.u32 $0x1C07, s13  }
0x11: {  	s11 =	smul.u32 $0xA00, s11;
	s8 =	smax.u32 s9, $0x1;
	s12 =	sshll.u32 s12, $0x5  }
0x12: {  	s13 =	sshrl.u32 s15, $0x3;
	s15 =	simm.s32 $0x100;
	s7 =	sadd.s32 $0xCD800, s7  }
0x13: {  	s30 =	sadd.s32 s12, s10;
	s12 =	sadd.s32 s29, s31;
	s9 =	sadd.s32 s10, s11  }
0x14: {  	s11 =	sadd.s32 $0x60, s30;
	s12 =	sadd.s32 $0x40, s12;
	s10 =	sadd.s32 $0x20, s9  }
.LBB2_1:
0x15: {  	[spmem:s13], [sflag:s6] =	dma.local [hbm:s5], $0x2780  }
0x16: {  	_ =	swait.ge [sflag:s14], $0x2780  }
0x17: {  	[sflag:s14] =	ssyncset.done $0x0  }
0x18: {  	[sflag:s14] =	ssyncadd.s32 $0xFFFFD880  }
0x19: {  	[bflag:$0x0] =	sbarrier.arrive $0xFFFF  }
0x1a: {  	[tilespmem:s3], [sflag:$0x1] =	stream.linear.gather [hbm4b:s9+s3], $0x100, $0x38;
	[tilespmem:$0x1BE00] =	vst v63  }
0x1b: {  	_ = 	snop  }
0x1c: {  	[tilespmem:s15], [sflag:$0x2] =	stream.linear.gather [hbm4b:s10+s3], $0x100, $0x38;
	[tilespmem:$0x1BE00] =	vst v63  }
0x1d: {  	_ =	swait.ge [sflag:s16], $0x100  }
0x1e: {  	[sflag:s16] =	ssyncset.done $0x0  }
0x1f: {  	[sflag:s16] =	ssyncadd.s32 $0xFFFFFF00  }
0x20: {  	[tilespmem:s18], [sflag:$0x3] =	stream.indirect.gather [hbm4b:s4+s17], $0x80, s3, s17, $0xb8;
	[tilespmem:$0x1BE00] =	vst v63  }
0x21: {  	_ =	swait.ge [sflag:s19], $0x100  }
0x22: {  	[sflag:s19] =	ssyncset.done $0x0  }
0x23: {  	[sflag:s19] =	ssyncadd.s32 $0xFFFFFF00  }
0x24: {  	[tilespmem:s20], [sflag:$0x4] =	stream.indirect.gather [hbm4b:s4+s17], $0x80, s15, s17, $0xb8;
	[tilespmem:$0x1BE00] =	vst v63  }
0x25: {  	_ =	swait.ge [sflag:s21], $0x4000  }
0x26: {  	[sflag:s21] =	ssyncset.done $0x0  }
0x27: {  	[sflag:s21] =	ssyncadd.s32 $0xFFFFC000  }
0x28: {  	[spmem:s2] =	stream.indirect.scatter.add.f32 [tilespmem:s18], [sflag:$0x5], $0x80, s17, s17, $0xb8;
	[tilespmem:$0x1BE00] =	vst v63  }
0x29: {  	_ =	swait.ge [sflag:s22], $0x4000  }
0x2a: {  	[sflag:s22] =	ssyncset.done $0x0  }
0x2b: {  	[sflag:s22] =	ssyncadd.s32 $0xFFFFC000  }
0x2c: {  	[spmem:s2] =	stream.indirect.scatter.add.f32 [tilespmem:s20], [sflag:$0x6], $0x80, s23, s17, $0xb8;
	[tilespmem:$0x1BE00] =	vst v63  }
0x2d: {  	_ =	swait.ge [sflag:s24], $0x4000  }
0x2e: {  	[sflag:s24] =	ssyncset.done $0x0  }
0x2f: {  	s28 =	sadd.s32 $0x0, s12;
	[sflag:s24] =	ssyncadd.s32 $0xFFFFC000  }
0x30: {  	[tilespmem:s3], [sflag:$0x1] =	stream.linear.gather [hbm4b:s28+s3], $0x100, $0x38;
	[tilespmem:$0x1BE00] =	vst v63  }
0x31: {  	_ =	swait.ge [sflag:s25], $0x4000  }
0x32: {  	[sflag:s25] =	ssyncset.done $0x0  }
0x33: {  	s28 =	sadd.s32 $0x0, s11;
	[sflag:s25] =	ssyncadd.s32 $0xFFFFC000  }
0x34: {  	[tilespmem:s15], [sflag:$0x2] =	stream.linear.gather [hbm4b:s28+s3], $0x100, $0x38;
	[tilespmem:$0x1BE00] =	vst v63  }
0x35: {  	_ =	swait.ge [sflag:s16], $0x100  }
0x36: {  	[sflag:s16] =	ssyncset.done $0x0  }
0x37: {  	[sflag:s16] =	ssyncadd.s32 $0xFFFFFF00  }
0x38: {  	[tilespmem:s18], [sflag:$0x3] =	stream.indirect.gather [hbm4b:s4+s17], $0x80, s3, s17, $0xb8;
	[tilespmem:$0x1BE00] =	vst v63  }
0x39: {  	_ =	swait.ge [sflag:s19], $0x100  }
0x3a: {  	[sflag:s19] =	ssyncset.done $0x0  }
0x3b: {  	[sflag:s19] =	ssyncadd.s32 $0xFFFFFF00  }
0x3c: {  	[tilespmem:s20], [sflag:$0x4] =	stream.indirect.gather [hbm4b:s4+s17], $0x80, s15, s17, $0xb8;
	[tilespmem:$0x1BE00] =	vst v63  }
0x3d: {  	_ =	swait.ge [sflag:s21], $0x4000  }
0x3e: {  	[sflag:s21] =	ssyncset.done $0x0  }
0x3f: {  	[sflag:s21] =	ssyncadd.s32 $0xFFFFC000  }
0x40: {  	[spmem:s2] =	stream.indirect.scatter.add.f32 [tilespmem:s18], [sflag:$0x5], $0x80, s17, s17, $0xb8;
	[tilespmem:$0x1BE00] =	vst v63  }
0x41: {  	_ =	swait.ge [sflag:s22], $0x4000  }
0x42: {  	[sflag:s22] =	ssyncset.done $0x0  }
0x43: {  	s28 =	simm.s32 $0x40;
	[sflag:s22] =	ssyncadd.s32 $0xFFFFC000  }
.LBB2_2:
0x44: {  	[spmem:s2] =	stream.indirect.scatter.add.f32 [tilespmem:s20], [sflag:$0x6], $0x80, s23, s17, $0xb8;
	[tilespmem:$0x1BE00] =	vst v63  }
0x45: {  	s29 =	smov.u32 s28  }
0x46: {  	p0 =	sne.s32 s28, $0x980;
	s28 =	sadd.s32 $0x40, s28;
	_ =	swait.ge [sflag:s24], $0x4000  }
0x47: {  	[sflag:s24] =	ssyncset.done $0x0  }
0x48: {  	s30 =	sadd.s32 s29, s12;
	[sflag:s24] =	ssyncadd.s32 $0xFFFFC000  }
0x49: {  	[tilespmem:s3], [sflag:$0x1] =	stream.linear.gather [hbm4b:s30+s3], $0x100, $0x38;
	[tilespmem:$0x1BE00] =	vst v63  }
0x4a: {  	_ =	swait.ge [sflag:s25], $0x4000  }
0x4b: {  	[sflag:s25] =	ssyncset.done $0x0  }
0x4c: {  	s29 =	sadd.s32 s29, s11;
	[sflag:s25] =	ssyncadd.s32 $0xFFFFC000  }
0x4d: {  	[tilespmem:s15], [sflag:$0x2] =	stream.linear.gather [hbm4b:s29+s3], $0x100, $0x38;
	[tilespmem:$0x1BE00] =	vst v63  }
0x4e: {  	_ =	swait.ge [sflag:s16], $0x100  }
0x4f: {  	[sflag:s16] =	ssyncset.done $0x0  }
0x50: {  	[sflag:s16] =	ssyncadd.s32 $0xFFFFFF00  }
0x51: {  	[tilespmem:s18], [sflag:$0x3] =	stream.indirect.gather [hbm4b:s4+s17], $0x80, s3, s17, $0xb8;
	[tilespmem:$0x1BE00] =	vst v63  }
0x52: {  	_ =	swait.ge [sflag:s19], $0x100  }
0x53: {  	[sflag:s19] =	ssyncset.done $0x0  }
0x54: {  	[sflag:s19] =	ssyncadd.s32 $0xFFFFFF00  }
0x55: {  	[tilespmem:s20], [sflag:$0x4] =	stream.indirect.gather [hbm4b:s4+s17], $0x80, s15, s17, $0xb8;
	[tilespmem:$0x1BE00] =	vst v63  }
0x56: {  	_ =	swait.ge [sflag:s21], $0x4000  }
0x57: {  	[sflag:s21] =	ssyncset.done $0x0  }
.Ltmp0:
0x58: {  	[sflag:s21] =	ssyncadd.s32 $0xFFFFC000;
	(pc) =	sbr.rel @p0 .LBB2_2-.Ltmp0, $4  }
0x59: {  	[spmem:s2] =	stream.indirect.scatter.add.f32 [tilespmem:s18], [sflag:$0x5], $0x80, s17, s17, $0xb8;
	[tilespmem:$0x1BE00] =	vst v63  }
0x5a: {  	_ =	swait.ge [sflag:s22], $0x4000  }
0x5b: {  	[sflag:s22] =	ssyncset.done $0x0  }
0x5c: {  	[sflag:s22] =	ssyncadd.s32 $0xFFFFC000  }
0x5d: {  	[spmem:s2] =	stream.indirect.scatter.add.f32 [tilespmem:s20], [sflag:$0x6], $0x80, s23, s17, $0xb8;
	[tilespmem:$0x1BE00] =	vst v63  }
0x5e: {  	_ =	swait.ge [sflag:s24], $0x4000  }
0x5f: {  	[sflag:s24] =	ssyncset.done $0x0  }
0x60: {  	[sflag:s24] =	ssyncadd.s32 $0xFFFFC000  }
0x61: {  	_ =	swait.ge [sflag:s25], $0x4000  }
0x62: {  	s26 =	sadd.s32 $0x1, s26;
	[sflag:s25] =	ssyncset.done $0x0  }
0x63: {  	p0 =	sne.s32 s26, s8;
	[sflag:s25] =	ssyncadd.s32 $0xFFFFC000  }
.Ltmp1:
0x64: {  	[bflag:$0x0] =	sbarrier.arrive $0xFFFF;
	(pc) =	sbr.rel @p0 .LBB2_1-.Ltmp1, $4  }
0x65: {  	[hbm:s7], [sflag:s6] =	dma.local [spmem:s13], $0x2780  }
0x66: {  	_ =	swait.ge [sflag:s14], $0x2780  }
0x67: {  	[sflag:s14] =	ssyncset.done $0x0  }
0x68: {  	[sflag:s14] =	ssyncadd.s32 $0xFFFFD880  }
0x69: {  	_ =	sfence.sel $0x180000  }
0x6a: {  	[bflag:$0x0] =	sbarrier.arrive $0xFFFF  }
0x6b: {  	p0 =	sne.s32 s1, $0x0;
	_ =	strace $0x90000050  }
0x6c: {  	s0 =	sadd.s32 @!p0 $0x100000, s0;
	[bflag:$0x2] =	sbarrier.arrive $0xFFFF  }
0x6d: {  	[sflag:s0] =	ssyncadd.tile.s32 @!p0 $0x1;
	_ =	shalt  }
.Lfunc_end2:
_tile_overlayer_lowered:
.L_overlay_start_2:
0x6e: {  	(tag) =	ssettag $0x2  }
0x6f: {  	s0 =	rddreg [dreg:$0x0];
	s2 =	stileid.u32  }
0x70: {  	s1 =	rddreg [dreg:$0x1];
	p0 =	sne.s32 s2, $0x0  }
0x71: {  	s3 =	rddreg [dreg:$0x2];
	[bflag:$0x3] =	sbarrier.arrive $0xFFFF;
	s2 =	simm.s32 @!p0 $0x1C07  }
0x72: {  	[timem:s3], [sflag:s2] =	dma.local @!p0 [hbm:s0], s1  }
0x73: {  	s0 =	simm.s32 @!p0 $0x7  }
0x74: {  	_ =	swait.ge @!p0 [sflag:s0], s1  }
0x75: {  	s1 =	ssub.s32 @!p0 $0x0, s1;
	[sflag:s0] =	ssyncset.done @!p0 $0x0  }
0x76: {  	[sflag:s0] =	ssyncadd.s32 @!p0 s1  }
0x77: {  	[bflag:$0x3] =	sbarrier.arrive $0xFFFF  }
0x78: {  	_ =	shalt  }

// kernel: kernel.32.cloned.1.call-start
scs
__scs_entry_jumppad:
0x0: {  	(pc) =	sbr.rel $0x88, $3  }
0x1: {  	(tag) =	ssettag $0x0;
	lr =	simm.s32 $0x1  }
0x2: {  	[smem:$0x3F90] =	sst lr;
	_ =	strace $0xD0000000  }
0x3: {  	_ = 	snop  }
0x4: {  	_ = 	snop  }
0x5: {  	_ = 	snop  }
0x6: {  	_ = 	snop  }
0x7: {  	_ = 	snop  }
__scs_overlays_trampoline_lowered:
0x8: {  	[smem:$0x3F9F] =	sst s0  }
0x9: {  	[smem:$0x3FA0] =	sst s1  }
0xa: {  	[smem:$0x3FA1] =	sst s2  }
0xb: {  	[smem:$0x3FA2] =	sst s3  }
0xc: {  	[smem:$0x3FA3] =	sst s4  }
0xd: {  	[smem:$0x3FA4] =	sst s5  }
0xe: {  	[smem:$0x3FA5] =	sst s6  }
0xf: {  	[smem:$0x3FA6] =	sst s7  }
0x10: {  	[smem:$0x3FA7] =	sst s8  }
0x11: {  	[smem:$0x3FA8] =	sst s9;
	s0 =	simm.s32 @!p0 $0x0  }
0x12: {  	s1 =	sld [smem:$0x3F8E];
	s0 =	simm.s32 @p0 $0x1  }
0x13: {  	[smem:$0x3FA9] =	sst s0;
	s0 =	simm.s32 @!p1 $0x0  }
0x14: {  	s2 =	sld [smem:$0x3F8D];
	s0 =	simm.s32 @p1 $0x1  }
0x15: {  	[smem:$0x3FAA] =	sst s0;
	s0 =	simm.s32 @!p2 $0x0  }
0x16: {  	s3 =	sld [smem:$0x3FDB];
	s0 =	simm.s32 @p2 $0x1  }
0x17: {  	s4 =	simm.s32 $0x1BF5;
	[smem:$0x3FAC] =	sst s0  }
0x18: {  	s0 =	sld [smem:$0x3F8F];
	_ =	swait.ge [sflag:s4], $0x0  }
0x19: {  	s7 =	sld [smem:$0x3F90]  }
0x1a: {  	s8 =	sadd.s32 $0xFFFFE003, lr  }
0x1b: {  	s9 =	sadd.s32 $0xFFFFFEF7, lr;
	s5 =	simm.s32 $0xFFFFFFFF;
	p2 =	slt.u32 s8, $0xFFFFF086  }
0x1c: {  	p1 =	slt.u32 s9, $0xF7A;
	s5 =	simm.s32 @!p2 $0x0  }
0x1d: {  	s5 =	simm.s32 @p1 $0x1;
	p0 =	seq.s32 s7, s2  }
0x1e: {  	s7 =	smul.u32 @!p0 $0xF7A, s2;
	p2 =	seq.s32 @!p0 s5, $0x0  }
0x1f: {  	s9 =	smul.u32 $0xF7A, s1;
	s8 =	simm.s32 @!p0 $0x1BF5;
	p2 =	por !p2, p0  }
0x20: {  	[sflag:s8] =	ssyncset.s32 @!p0 $0xFFFFF086;
	s6 =	sadd.s32 @!p0 s3, s7;
	s7 =	simm.s32 @!p0 $0x108  }
0x21: {  	s3 =	sadd.s32 s3, s9;
	s6 =	sadd.s32 @!p0 $0x88, s6;
	s7 =	simm.s32 @p2 $0x1082  }
0x22: {  	[simem:s7], [sflag:s8] =	dma.local @!p0 [hbm:s6], $0xF7A  }
0x23: {  	s9 =	sor.u32 $0xD0000000, s2;
	s6 =	simm.s32 $0x108;
	_ =	swait.ge @!p0 [sflag:s8], $0x0  }
0x24: {  	s3 =	sadd.s32 $0x88, s3;
	s6 =	simm.s32 @!p1 $0x1082;
	[sflag:s4] =	ssyncset.s32 $0xFFFFF086  }
0x25: {  	[simem:s6], [sflag:s4] =	dma.local [hbm:s3], $0xF7A  }
0x26: {  	[smem:$0x3F90] =	sst s1;
	(tag) =	ssettag s2;
	_ =	strace s9  }
0x27: {  	s1 =	sld [smem:$0x3FA0]  }
0x28: {  	s2 =	sld [smem:$0x3FA1]  }
0x29: {  	s4 =	sld [smem:$0x3FA3]  }
0x2a: {  	p0 =	seq.s32 s5, $0x0;
	s5 =	sld [smem:$0x3FA4]  }
0x2b: {  	s6 =	sld [smem:$0x3FA5]  }
0x2c: {  	s7 =	sld [smem:$0x3FA6]  }
0x2d: {  	s3 =	simm.s32 $0x108;
	s8 =	sld [smem:$0x3FA7]  }
0x2e: {  	s3 =	simm.s32 @!p0 $0x1082;
	s9 =	sld [smem:$0x3FA8]  }
0x2f: {  	lr =	sadd.s32 s0, s3;
	s0 =	sld [smem:$0x3F9F]  }
0x30: {  	s3 =	sld [smem:$0x3FA2]  }
0x31: {  	[smem:$0x3FAB] =	sst s10  }
0x32: {  	s10 =	sld [smem:$0x3FA9];
	_ =	sdelay $0x3  }
0x33: {  	p0 =	seq.s32 s10, $0x1;
	s10 =	sld [smem:$0x3FAB];
	_ =	sdelay $0x3  }
0x34: {  	[smem:$0x3FAB] =	sst s10  }
0x35: {  	s10 =	sld [smem:$0x3FAA];
	_ =	sdelay $0x3  }
0x36: {  	p1 =	seq.s32 s10, $0x1;
	s10 =	sld [smem:$0x3FAB];
	_ =	sdelay $0x3  }
0x37: {  	[smem:$0x3FAB] =	sst s10  }
0x38: {  	s10 =	sld [smem:$0x3FAC]  }
0x39: {  	_ = 	snop;
	(pc) =	sbr.ind lr, $3  }
0x3a: {  	_ = 	snop  }
0x3b: {  	_ = 	snop  }
0x3c: {  	p2 =	seq.s32 s10, $0x1;
	s10 =	sld [smem:$0x3FAB]  }
0x3d: {  	_ =	shalt  }
0x3e: {  	_ =	shalt  }
0x3f: {  	_ =	shalt  }
0x40: {  	_ =	shalt  }
0x41: {  	_ =	shalt  }
0x42: {  	_ =	shalt  }
0x43: {  	_ =	shalt  }
0x44: {  	_ =	shalt  }
0x45: {  	_ =	shalt  }
0x46: {  	_ =	shalt  }
0x47: {  	_ =	shalt  }
0x48: {  	_ =	shalt  }
0x49: {  	_ =	shalt  }
0x4a: {  	_ =	shalt  }
0x4b: {  	_ =	shalt  }
0x4c: {  	_ =	shalt  }
0x4d: {  	_ =	shalt  }
0x4e: {  	_ =	shalt  }
0x4f: {  	_ =	shalt  }
0x50: {  	_ =	shalt  }
0x51: {  	_ =	shalt  }
0x52: {  	_ =	shalt  }
0x53: {  	_ =	shalt  }
0x54: {  	_ =	shalt  }
0x55: {  	_ =	shalt  }
0x56: {  	_ =	shalt  }
0x57: {  	_ =	shalt  }
0x58: {  	_ =	shalt  }
0x59: {  	_ =	shalt  }
0x5a: {  	_ =	shalt  }
0x5b: {  	_ =	shalt  }
0x5c: {  	_ =	shalt  }
0x5d: {  	_ =	shalt  }
0x5e: {  	_ =	shalt  }
0x5f: {  	_ =	shalt  }
0x60: {  	_ =	shalt  }
0x61: {  	_ =	shalt  }
0x62: {  	_ =	shalt  }
0x63: {  	_ =	shalt  }
0x64: {  	_ =	shalt  }
0x65: {  	_ =	shalt  }
0x66: {  	_ =	shalt  }
0x67: {  	_ =	shalt  }
0x68: {  	_ =	shalt  }
0x69: {  	_ =	shalt  }
0x6a: {  	_ =	shalt  }
0x6b: {  	_ =	shalt  }
0x6c: {  	_ =	shalt  }
0x6d: {  	_ =	shalt  }
0x6e: {  	_ =	shalt  }
0x6f: {  	_ =	shalt  }
0x70: {  	_ =	shalt  }
0x71: {  	_ =	shalt  }
0x72: {  	_ =	shalt  }
0x73: {  	_ =	shalt  }
0x74: {  	_ =	shalt  }
0x75: {  	_ =	shalt  }
0x76: {  	_ =	shalt  }
0x77: {  	_ =	shalt  }
0x78: {  	_ =	shalt  }
0x79: {  	_ =	shalt  }
0x7a: {  	_ =	shalt  }
0x7b: {  	_ =	shalt  }
0x7c: {  	_ =	shalt  }
0x7d: {  	_ =	shalt  }
0x7e: {  	_ =	shalt  }
0x7f: {  	_ =	shalt  }
0x80: {  	_ =	shalt  }
0x81: {  	_ =	shalt  }
0x82: {  	_ =	shalt  }
0x83: {  	_ =	shalt  }
0x84: {  	_ =	shalt  }
0x85: {  	_ =	shalt  }
0x86: {  	_ =	shalt  }
0x87: {  	_ =	shalt  }
.Lfunc_end0:
.L_simem_size_0:
called_computation.4_lowered:
.L_overlay_start_0:
0x88: {  	s2 =	sld [smem:$0x3FD9]  }
0x89: {  	s3 =	sld [smem:$0x3FFE];
	_ =	sdelay $0x1  }
0x8a: {  	s1 =	srdreg.scid  }
0x8b: {  	s0 =	sand.u32 $0x1, s1  }
0x8c: {  	s16 =	sshll.u32 s0, $0xA;
	s2 =	sadd.s32 s3, s2  }
0x8d: {  	s2 =	sadd.s32 s2, s16  }
0x8e: {  	[smem:$0x3FB7] =	sst s2  }
0x8f: {  	_ = 	snop  }
0x90: {  	(tm) =	ssettm $0x1  }
0x91: {  	s17 =	sld [smem:$0x3FFB];
	_ =	sdelay $0x3  }
0x92: {  	_ =	strace s17  }
0x93: {  	s2 =	sld [smem:$0x3FFC];
	_ =	sdelay $0x3  }
0x94: {  	_ =	strace s2  }
0x95: {  	s2 =	sld [smem:$0x3FFD];
	_ =	sdelay $0x3  }
0x96: {  	_ =	strace s2  }
0x97: {  	_ =	strace $0x8FFFFFFF  }
0x98: {  	s18 =	sld [smem:$0x3FDB];
	_ =	sdelay $0x1  }
0x99: {  	s19 =	simm.s32 $_scs_section_size  }
0x9a: {  	s4 =	simm.s32 $_size__tile_overlayer_lowered;
	s5 =	simm.s32 $_tile_overlayer_lowered  }
0x9b: {  	s22 =	simm.s32 $0x1BFF;
	s21 =	sshll.u32 s5, $0x1;
	s2 =	sadd.s32 s19, s18  }
0x9c: {  	s6 =	simm.s32 $0x0;
	s20 =	sshll.u32 s4, $0x1;
	s4 =	sadd.s32 s21, s2  }
0x9d: {  	[timem:s6], [sflag:s22] =	dma.local [hbm:s4], s20  }
0x9e: {  	_ =	swait.ge [sflag:s22], s20  }
0x9f: {  	s3 =	ssub.s32 $0x0, s20;
	[sflag:s22] =	ssyncset.done $0x0  }
0xa0: {  	[sflag:s22] =	ssyncadd.s32 s3;
	_ =	sdelay $0x1  }
0xa1: {  	s23 =	simm.s32 $0x1B8B  }
0xa2: {  	_ =	swait.ge [sflag:s23], $0x1  }
0xa3: {  	[sflag:s23] =	ssyncset.done $0x0  }
0xa4: {  	s25 =	simm.s32 $0x1B8E;
	s24 =	sld [smem:$0x3FFE];
	[sflag:s23] =	ssyncadd.s32 $0xFFFFFFFF  }
0xa5: {  	s26 =	simm.s32 $execute0_lowered;
	[smem:$0x3FD2] =	sst s25  }
0xa6: {  	s4 =	sshll.u32 s26, $0x1;
	_ =	strace $0x80000052;
	[dreg:$0x1] =	wrdreg $0xFFFFFFFF  }
0xa7: {  	s28 =	simm.s32 $_size_execute0_lowered;
	s2 =	sadd.s32 s2, s4;
	[dreg:$0x0] =	wrdreg $0x0  }
0xa8: {  	s4 =	sshll.u32 s28, $0x1;
	[dreg:$0x2] =	wrdreg s2  }
0xa9: {  	[dreg:$0x3] =	wrdreg s4  }
0xaa: {  	[dreg:$0x4] =	wrdreg $0xC0  }
0xab: {  	_ =	task [dreg:s6], $0x5FFFF  }
0xac: {  	[dreg:$0x1] =	wrdreg $0xFFFFFFFF  }
0xad: {  	[dreg:$0x0] =	wrdreg $0x60  }
0xae: {  	[dreg:$0x2] =	wrdreg s24  }
0xaf: {  	[dreg:$0x3] =	wrdreg $0x82000  }
0xb0: {  	[dreg:$0x4] =	wrdreg $0x9  }
0xb1: {  	_ =	task.clear_ibuf [dreg:s6], $0x5FFFF;
	_ =	strace $0x90000052  }
0xb2: {  	s29 =	simm.s32 $0x9;
	_ =	strace $0x80000054  }
0xb3: {  	_ =	swait.ge [sflag:s29], $0x1  }
0xb4: {  	[sflag:s29] =	ssyncadd.s32 $0xFFFFFFFF  }
0xb5: {  	_ =	strace $0x90000054  }
0xb6: {  	_ =	sfence  }
0xb7: {  	s30 =	sld [smem:$0x0];
	_ =	sdelay $0x2  }
0xb8: {  	s31 =	sshll.u32 s1, $0xD;
	s1 =	sshrl.u32 s1, $0x2  }
0xb9: {  	s3 =	sand.u32 $0x4000, s31;
	s1 =	sadd.s32 s1, s30  }
0xba: {  	s0 =	sor.u32 s3, s0;
	s1 =	sshll.u32 s1, $0x11  }
0xbb: {  	s0 =	sor.u32 s1, s0  }
0xbc: {  	s0 =	sadd.s32 $0x8F2B, s0  }
0xbd: {  	[sflag:s0] =	ssyncadd.remote.s32 $0x1  }
0xbe: {  	_ =	sfence.sel $0xFFFF  }
0xbf: {  	[dreg:$0x0] =	wrdreg $0xFFFFFFFF;
	(pc) =	sbr.abs _section_cstart, $3  }
0xc0: {  	[dreg:$0x1] =	wrdreg $0xFFFFFFFF  }
0xc1: {  	_ =	task.clear_ibuf [dreg:s6], $0x2FFFF;
	_ =	strace $0x9FFFFFFF  }
0xc2: {  	(tm) =	ssettm $0x7FFFFFFF  }
0xc3: {  	_ =	shalt  }
tec
execute0_lowered:
.L_overlay_start_1:
0x0: {  	(tag) =	ssettag $0x1  }
0x1: {  	s6 =	rddreg [dreg:$0x0]  }
0x2: {  	s2 =	rddreg [dreg:$0x1]  }
0x3: {  	s0 =	rddreg [dreg:$0x2];
	s3 =	simm.s32 $0x0;
	s4 =	srdreg.scid  }
0x4: {  	s1 =	stileid.u32;
	s16 =	simm.s32 $0x1;
	s17 =	simm.s32 $0x80  }
0x5: {  	s18 =	simm.s32 $0x200;
	s19 =	simm.s32 $0x2;
	s5 =	smul.u32 $0x2780, s1  }
0x6: {  	s20 =	simm.s32 $0x4200;
	s21 =	simm.s32 $0x3;
	s12 =	smul.u32 $0x4F000, s1  }
0x7: {  	s22 =	simm.s32 $0x4;
	s23 =	simm.s32 $0x180;
	s14 =	smul.u32 $0x50, s1  }
0x8: {  	[smem:$0x7FF] =	sst s3;
	s8 =	sand.u32 $0x1, s4;
	s29 =	smul.u32 $0xA00, s1  }
0x9: {  	s4 =	sadd.s32 $0x5E00, s6;
	s10 =	sadd.s32 $0xB9800, s6;
	s7 =	smul.u32 $0x27800, s8  }
0xa: {  	s13 =	sshll.u32 s1, $0x6;
	_ =	strace $0x80000053;
	s26 =	smul.u32 $0x500, s8  }
0xb: {  	s9 =	ssub.s32 $0x2, s8;
	s25 =	sshll.u32 s8, $0x4;
	s28 =	smul.u32 $0xA000, s8  }
0xc: {  	s11 =	sshrl.u32 s9, $0x1;
	s24 =	sshrl.u32 s12, $0x2;
	s7 =	sadd.s32 s5, s7  }
0xd: {  	s5 =	sadd.s32 $0x68000, s6;
	s9 =	ssub.s32 s9, s11;
	s11 =	sor.u32 s1, s25  }
0xe: {  	s15 =	sadd.s32 s24, s2;
	s12 =	sadd.s32 s14, s26;
	s31 =	sadd.s32 s28, s10  }
0xf: {  	s14 =	simm.s32 $0x7;
	s24 =	simm.s32 $0x5;
	s25 =	simm.s32 $0x6  }
0x10: {  	s26 =	simm.s32 $0x0;
	s7 =	sadd.s32 s7, s6;
	s6 =	sor.u32 $0x1C07, s13  }
0x11: {  	s11 =	smul.u32 $0xA00, s11;
	s8 =	smax.u32 s9, $0x1;
	s12 =	sshll.u32 s12, $0x5  }
0x12: {  	s13 =	sshrl.u32 s15, $0x3;
	s15 =	simm.s32 $0x100;
	s7 =	sadd.s32 $0xCD800, s7  }
0x13: {  	s30 =	sadd.s32 s12, s10;
	s12 =	sadd.s32 s29, s31;
	s9 =	sadd.s32 s10, s11  }
0x14: {  	s11 =	sadd.s32 $0x60, s30;
	s12 =	sadd.s32 $0x40, s12;
	s10 =	sadd.s32 $0x20, s9  }
.LBB2_1:
0x15: {  	[spmem:s13], [sflag:s6] =	dma.local [hbm:s5], $0x2780  }
0x16: {  	_ =	swait.ge [sflag:s14], $0x2780  }
0x17: {  	[sflag:s14] =	ssyncset.done $0x0  }
0x18: {  	[sflag:s14] =	ssyncadd.s32 $0xFFFFD880  }
0x19: {  	[bflag:$0x0] =	sbarrier.arrive $0xFFFF  }
0x1a: {  	[tilespmem:s3], [sflag:$0x1] =	stream.linear.gather [hbm4b:s9+s3], $0x100, $0x38;
	[tilespmem:$0x1BE00] =	vst v63  }
0x1b: {  	_ = 	snop  }
0x1c: {  	[tilespmem:s15], [sflag:$0x2] =	stream.linear.gather [hbm4b:s10+s3], $0x100, $0x38;
	[tilespmem:$0x1BE00] =	vst v63  }
0x1d: {  	_ =	swait.ge [sflag:s16], $0x100  }
0x1e: {  	[sflag:s16] =	ssyncset.done $0x0  }
0x1f: {  	[sflag:s16] =	ssyncadd.s32 $0xFFFFFF00  }
0x20: {  	[tilespmem:s18], [sflag:$0x3] =	stream.indirect.gather [hbm4b:s4+s17], $0x80, s3, s17, $0xb8;
	[tilespmem:$0x1BE00] =	vst v63  }
0x21: {  	_ =	swait.ge [sflag:s19], $0x100  }
0x22: {  	[sflag:s19] =	ssyncset.done $0x0  }
0x23: {  	[sflag:s19] =	ssyncadd.s32 $0xFFFFFF00  }
0x24: {  	[tilespmem:s20], [sflag:$0x4] =	stream.indirect.gather [hbm4b:s4+s17], $0x80, s15, s17, $0xb8;
	[tilespmem:$0x1BE00] =	vst v63  }
0x25: {  	_ =	swait.ge [sflag:s21], $0x4000  }
0x26: {  	[sflag:s21] =	ssyncset.done $0x0  }
0x27: {  	[sflag:s21] =	ssyncadd.s32 $0xFFFFC000  }
0x28: {  	[spmem:s2] =	stream.indirect.scatter.add.f32 [tilespmem:s18], [sflag:$0x5], $0x80, s17, s17, $0xb8;
	[tilespmem:$0x1BE00] =	vst v63  }
0x29: {  	_ =	swait.ge [sflag:s22], $0x4000  }
0x2a: {  	[sflag:s22] =	ssyncset.done $0x0  }
0x2b: {  	[sflag:s22] =	ssyncadd.s32 $0xFFFFC000  }
0x2c: {  	[spmem:s2] =	stream.indirect.scatter.add.f32 [tilespmem:s20], [sflag:$0x6], $0x80, s23, s17, $0xb8;
	[tilespmem:$0x1BE00] =	vst v63  }
0x2d: {  	_ =	swait.ge [sflag:s24], $0x4000  }
0x2e: {  	[sflag:s24] =	ssyncset.done $0x0  }
0x2f: {  	s28 =	sadd.s32 $0x0, s12;
	[sflag:s24] =	ssyncadd.s32 $0xFFFFC000  }
0x30: {  	[tilespmem:s3], [sflag:$0x1] =	stream.linear.gather [hbm4b:s28+s3], $0x100, $0x38;
	[tilespmem:$0x1BE00] =	vst v63  }
0x31: {  	_ =	swait.ge [sflag:s25], $0x4000  }
0x32: {  	[sflag:s25] =	ssyncset.done $0x0  }
0x33: {  	s28 =	sadd.s32 $0x0, s11;
	[sflag:s25] =	ssyncadd.s32 $0xFFFFC000  }
0x34: {  	[tilespmem:s15], [sflag:$0x2] =	stream.linear.gather [hbm4b:s28+s3], $0x100, $0x38;
	[tilespmem:$0x1BE00] =	vst v63  }
0x35: {  	_ =	swait.ge [sflag:s16], $0x100  }
0x36: {  	[sflag:s16] =	ssyncset.done $0x0  }
0x37: {  	[sflag:s16] =	ssyncadd.s32 $0xFFFFFF00  }
0x38: {  	[tilespmem:s18], [sflag:$0x3] =	stream.indirect.gather [hbm4b:s4+s17], $0x80, s3, s17, $0xb8;
	[tilespmem:$0x1BE00] =	vst v63  }
0x39: {  	_ =	swait.ge [sflag:s19], $0x100  }
0x3a: {  	[sflag:s19] =	ssyncset.done $0x0  }
0x3b: {  	[sflag:s19] =	ssyncadd.s32 $0xFFFFFF00  }
0x3c: {  	[tilespmem:s20], [sflag:$0x4] =	stream.indirect.gather [hbm4b:s4+s17], $0x80, s15, s17, $0xb8;
	[tilespmem:$0x1BE00] =	vst v63  }
0x3d: {  	_ =	swait.ge [sflag:s21], $0x4000  }
0x3e: {  	[sflag:s21] =	ssyncset.done $0x0  }
0x3f: {  	[sflag:s21] =	ssyncadd.s32 $0xFFFFC000  }
0x40: {  	[spmem:s2] =	stream.indirect.scatter.add.f32 [tilespmem:s18], [sflag:$0x5], $0x80, s17, s17, $0xb8;
	[tilespmem:$0x1BE00] =	vst v63  }
0x41: {  	_ =	swait.ge [sflag:s22], $0x4000  }
0x42: {  	[sflag:s22] =	ssyncset.done $0x0  }
0x43: {  	s28 =	simm.s32 $0x40;
	[sflag:s22] =	ssyncadd.s32 $0xFFFFC000  }
.LBB2_2:
0x44: {  	[spmem:s2] =	stream.indirect.scatter.add.f32 [tilespmem:s20], [sflag:$0x6], $0x80, s23, s17, $0xb8;
	[tilespmem:$0x1BE00] =	vst v63  }
0x45: {  	s29 =	smov.u32 s28  }
0x46: {  	p0 =	sne.s32 s28, $0x980;
	s28 =	sadd.s32 $0x40, s28;
	_ =	swait.ge [sflag:s24], $0x4000  }
0x47: {  	[sflag:s24] =	ssyncset.done $0x0  }
0x48: {  	s30 =	sadd.s32 s29, s12;
	[sflag:s24] =	ssyncadd.s32 $0xFFFFC000  }
0x49: {  	[tilespmem:s3], [sflag:$0x1] =	stream.linear.gather [hbm4b:s30+s3], $0x100, $0x38;
	[tilespmem:$0x1BE00] =	vst v63  }
0x4a: {  	_ =	swait.ge [sflag:s25], $0x4000  }
0x4b: {  	[sflag:s25] =	ssyncset.done $0x0  }
0x4c: {  	s29 =	sadd.s32 s29, s11;
	[sflag:s25] =	ssyncadd.s32 $0xFFFFC000  }
0x4d: {  	[tilespmem:s15], [sflag:$0x2] =	stream.linear.gather [hbm4b:s29+s3], $0x100, $0x38;
	[tilespmem:$0x1BE00] =	vst v63  }
0x4e: {  	_ =	swait.ge [sflag:s16], $0x100  }
0x4f: {  	[sflag:s16] =	ssyncset.done $0x0  }
0x50: {  	[sflag:s16] =	ssyncadd.s32 $0xFFFFFF00  }
0x51: {  	[tilespmem:s18], [sflag:$0x3] =	stream.indirect.gather [hbm4b:s4+s17], $0x80, s3, s17, $0xb8;
	[tilespmem:$0x1BE00] =	vst v63  }
0x52: {  	_ =	swait.ge [sflag:s19], $0x100  }
0x53: {  	[sflag:s19] =	ssyncset.done $0x0  }
0x54: {  	[sflag:s19] =	ssyncadd.s32 $0xFFFFFF00  }
0x55: {  	[tilespmem:s20], [sflag:$0x4] =	stream.indirect.gather [hbm4b:s4+s17], $0x80, s15, s17, $0xb8;
	[tilespmem:$0x1BE00] =	vst v63  }
0x56: {  	_ =	swait.ge [sflag:s21], $0x4000  }
0x57: {  	[sflag:s21] =	ssyncset.done $0x0  }
.Ltmp0:
0x58: {  	[sflag:s21] =	ssyncadd.s32 $0xFFFFC000;
	(pc) =	sbr.rel @p0 .LBB2_2-.Ltmp0, $4  }
0x59: {  	[spmem:s2] =	stream.indirect.scatter.add.f32 [tilespmem:s18], [sflag:$0x5], $0x80, s17, s17, $0xb8;
	[tilespmem:$0x1BE00] =	vst v63  }
0x5a: {  	_ =	swait.ge [sflag:s22], $0x4000  }
0x5b: {  	[sflag:s22] =	ssyncset.done $0x0  }
0x5c: {  	[sflag:s22] =	ssyncadd.s32 $0xFFFFC000  }
0x5d: {  	[spmem:s2] =	stream.indirect.scatter.add.f32 [tilespmem:s20], [sflag:$0x6], $0x80, s23, s17, $0xb8;
	[tilespmem:$0x1BE00] =	vst v63  }
0x5e: {  	_ =	swait.ge [sflag:s24], $0x4000  }
0x5f: {  	[sflag:s24] =	ssyncset.done $0x0  }
0x60: {  	[sflag:s24] =	ssyncadd.s32 $0xFFFFC000  }
0x61: {  	_ =	swait.ge [sflag:s25], $0x4000  }
0x62: {  	s26 =	sadd.s32 $0x1, s26;
	[sflag:s25] =	ssyncset.done $0x0  }
0x63: {  	p0 =	sne.s32 s26, s8;
	[sflag:s25] =	ssyncadd.s32 $0xFFFFC000  }
.Ltmp1:
0x64: {  	[bflag:$0x0] =	sbarrier.arrive $0xFFFF;
	(pc) =	sbr.rel @p0 .LBB2_1-.Ltmp1, $4  }
0x65: {  	[hbm:s7], [sflag:s6] =	dma.local [spmem:s13], $0x2780  }
0x66: {  	_ =	swait.ge [sflag:s14], $0x2780  }
0x67: {  	[sflag:s14] =	ssyncset.done $0x0  }
0x68: {  	[sflag:s14] =	ssyncadd.s32 $0xFFFFD880  }
0x69: {  	_ =	sfence.sel $0x180000  }
0x6a: {  	[bflag:$0x0] =	sbarrier.arrive $0xFFFF  }
0x6b: {  	p0 =	sne.s32 s1, $0x0;
	_ =	strace $0x90000053  }
0x6c: {  	s0 =	sadd.s32 @!p0 $0x100000, s0;
	[bflag:$0x2] =	sbarrier.arrive $0xFFFF  }
0x6d: {  	[sflag:s0] =	ssyncadd.tile.s32 @!p0 $0x1;
	_ =	shalt  }
.Lfunc_end2:
_tile_overlayer_lowered:
.L_overlay_start_2:
0x6e: {  	(tag) =	ssettag $0x2  }
0x6f: {  	s0 =	rddreg [dreg:$0x0];
	s2 =	stileid.u32  }
0x70: {  	s1 =	rddreg [dreg:$0x1];
	p0 =	sne.s32 s2, $0x0  }
0x71: {  	s3 =	rddreg [dreg:$0x2];
	[bflag:$0x3] =	sbarrier.arrive $0xFFFF;
	s2 =	simm.s32 @!p0 $0x1C07  }
0x72: {  	[timem:s3], [sflag:s2] =	dma.local @!p0 [hbm:s0], s1  }
0x73: {  	s0 =	simm.s32 @!p0 $0x7  }
0x74: {  	_ =	swait.ge @!p0 [sflag:s0], s1  }
0x75: {  	s1 =	ssub.s32 @!p0 $0x0, s1;
	[sflag:s0] =	ssyncset.done @!p0 $0x0  }
0x76: {  	[sflag:s0] =	ssyncadd.s32 @!p0 s1  }
0x77: {  	[bflag:$0x3] =	sbarrier.arrive $0xFFFF  }
0x78: {  	_ =	shalt  }

// kernel: kernel.35.cloned.1.call-start
scs
__scs_entry_jumppad:
0x0: {  	(pc) =	sbr.rel $0x88, $3  }
0x1: {  	(tag) =	ssettag $0x0;
	lr =	simm.s32 $0x1  }
0x2: {  	[smem:$0x3F90] =	sst lr;
	_ =	strace $0xD0000000  }
0x3: {  	_ = 	snop  }
0x4: {  	_ = 	snop  }
0x5: {  	_ = 	snop  }
0x6: {  	_ = 	snop  }
0x7: {  	_ = 	snop  }
__scs_overlays_trampoline_lowered:
0x8: {  	[smem:$0x3F9F] =	sst s0  }
0x9: {  	[smem:$0x3FA0] =	sst s1  }
0xa: {  	[smem:$0x3FA1] =	sst s2  }
0xb: {  	[smem:$0x3FA2] =	sst s3  }
0xc: {  	[smem:$0x3FA3] =	sst s4  }
0xd: {  	[smem:$0x3FA4] =	sst s5  }
0xe: {  	[smem:$0x3FA5] =	sst s6  }
0xf: {  	[smem:$0x3FA6] =	sst s7  }
0x10: {  	[smem:$0x3FA7] =	sst s8  }
0x11: {  	[smem:$0x3FA8] =	sst s9;
	s0 =	simm.s32 @!p0 $0x0  }
0x12: {  	s1 =	sld [smem:$0x3F8E];
	s0 =	simm.s32 @p0 $0x1  }
0x13: {  	[smem:$0x3FA9] =	sst s0;
	s0 =	simm.s32 @!p1 $0x0  }
0x14: {  	s2 =	sld [smem:$0x3F8D];
	s0 =	simm.s32 @p1 $0x1  }
0x15: {  	[smem:$0x3FAA] =	sst s0;
	s0 =	simm.s32 @!p2 $0x0  }
0x16: {  	s3 =	sld [smem:$0x3FDB];
	s0 =	simm.s32 @p2 $0x1  }
0x17: {  	s4 =	simm.s32 $0x1BF5;
	[smem:$0x3FAC] =	sst s0  }
0x18: {  	s0 =	sld [smem:$0x3F8F];
	_ =	swait.ge [sflag:s4], $0x0  }
0x19: {  	s7 =	sld [smem:$0x3F90]  }
0x1a: {  	s8 =	sadd.s32 $0xFFFFE003, lr  }
0x1b: {  	s9 =	sadd.s32 $0xFFFFFEF7, lr;
	s5 =	simm.s32 $0xFFFFFFFF;
	p2 =	slt.u32 s8, $0xFFFFF086  }
0x1c: {  	p1 =	slt.u32 s9, $0xF7A;
	s5 =	simm.s32 @!p2 $0x0  }
0x1d: {  	s5 =	simm.s32 @p1 $0x1;
	p0 =	seq.s32 s7, s2  }
0x1e: {  	s7 =	smul.u32 @!p0 $0xF7A, s2;
	p2 =	seq.s32 @!p0 s5, $0x0  }
0x1f: {  	s9 =	smul.u32 $0xF7A, s1;
	s8 =	simm.s32 @!p0 $0x1BF5;
	p2 =	por !p2, p0  }
0x20: {  	[sflag:s8] =	ssyncset.s32 @!p0 $0xFFFFF086;
	s6 =	sadd.s32 @!p0 s3, s7;
	s7 =	simm.s32 @!p0 $0x108  }
0x21: {  	s3 =	sadd.s32 s3, s9;
	s6 =	sadd.s32 @!p0 $0x88, s6;
	s7 =	simm.s32 @p2 $0x1082  }
0x22: {  	[simem:s7], [sflag:s8] =	dma.local @!p0 [hbm:s6], $0xF7A  }
0x23: {  	s9 =	sor.u32 $0xD0000000, s2;
	s6 =	simm.s32 $0x108;
	_ =	swait.ge @!p0 [sflag:s8], $0x0  }
0x24: {  	s3 =	sadd.s32 $0x88, s3;
	s6 =	simm.s32 @!p1 $0x1082;
	[sflag:s4] =	ssyncset.s32 $0xFFFFF086  }
0x25: {  	[simem:s6], [sflag:s4] =	dma.local [hbm:s3], $0xF7A  }
0x26: {  	[smem:$0x3F90] =	sst s1;
	(tag) =	ssettag s2;
	_ =	strace s9  }
0x27: {  	s1 =	sld [smem:$0x3FA0]  }
0x28: {  	s2 =	sld [smem:$0x3FA1]  }
0x29: {  	s4 =	sld [smem:$0x3FA3]  }
0x2a: {  	p0 =	seq.s32 s5, $0x0;
	s5 =	sld [smem:$0x3FA4]  }
0x2b: {  	s6 =	sld [smem:$0x3FA5]  }
0x2c: {  	s7 =	sld [smem:$0x3FA6]  }
0x2d: {  	s3 =	simm.s32 $0x108;
	s8 =	sld [smem:$0x3FA7]  }
0x2e: {  	s3 =	simm.s32 @!p0 $0x1082;
	s9 =	sld [smem:$0x3FA8]  }
0x2f: {  	lr =	sadd.s32 s0, s3;
	s0 =	sld [smem:$0x3F9F]  }
0x30: {  	s3 =	sld [smem:$0x3FA2]  }
0x31: {  	[smem:$0x3FAB] =	sst s10  }
0x32: {  	s10 =	sld [smem:$0x3FA9];
	_ =	sdelay $0x3  }
0x33: {  	p0 =	seq.s32 s10, $0x1;
	s10 =	sld [smem:$0x3FAB];
	_ =	sdelay $0x3  }
0x34: {  	[smem:$0x3FAB] =	sst s10  }
0x35: {  	s10 =	sld [smem:$0x3FAA];
	_ =	sdelay $0x3  }
0x36: {  	p1 =	seq.s32 s10, $0x1;
	s10 =	sld [smem:$0x3FAB];
	_ =	sdelay $0x3  }
0x37: {  	[smem:$0x3FAB] =	sst s10  }
0x38: {  	s10 =	sld [smem:$0x3FAC]  }
0x39: {  	_ = 	snop;
	(pc) =	sbr.ind lr, $3  }
0x3a: {  	_ = 	snop  }
0x3b: {  	_ = 	snop  }
0x3c: {  	p2 =	seq.s32 s10, $0x1;
	s10 =	sld [smem:$0x3FAB]  }
0x3d: {  	_ =	shalt  }
0x3e: {  	_ =	shalt  }
0x3f: {  	_ =	shalt  }
0x40: {  	_ =	shalt  }
0x41: {  	_ =	shalt  }
0x42: {  	_ =	shalt  }
0x43: {  	_ =	shalt  }
0x44: {  	_ =	shalt  }
0x45: {  	_ =	shalt  }
0x46: {  	_ =	shalt  }
0x47: {  	_ =	shalt  }
0x48: {  	_ =	shalt  }
0x49: {  	_ =	shalt  }
0x4a: {  	_ =	shalt  }
0x4b: {  	_ =	shalt  }
0x4c: {  	_ =	shalt  }
0x4d: {  	_ =	shalt  }
0x4e: {  	_ =	shalt  }
0x4f: {  	_ =	shalt  }
0x50: {  	_ =	shalt  }
0x51: {  	_ =	shalt  }
0x52: {  	_ =	shalt  }
0x53: {  	_ =	shalt  }
0x54: {  	_ =	shalt  }
0x55: {  	_ =	shalt  }
0x56: {  	_ =	shalt  }
0x57: {  	_ =	shalt  }
0x58: {  	_ =	shalt  }
0x59: {  	_ =	shalt  }
0x5a: {  	_ =	shalt  }
0x5b: {  	_ =	shalt  }
0x5c: {  	_ =	shalt  }
0x5d: {  	_ =	shalt  }
0x5e: {  	_ =	shalt  }
0x5f: {  	_ =	shalt  }
0x60: {  	_ =	shalt  }
0x61: {  	_ =	shalt  }
0x62: {  	_ =	shalt  }
0x63: {  	_ =	shalt  }
0x64: {  	_ =	shalt  }
0x65: {  	_ =	shalt  }
0x66: {  	_ =	shalt  }
0x67: {  	_ =	shalt  }
0x68: {  	_ =	shalt  }
0x69: {  	_ =	shalt  }
0x6a: {  	_ =	shalt  }
0x6b: {  	_ =	shalt  }
0x6c: {  	_ =	shalt  }
0x6d: {  	_ =	shalt  }
0x6e: {  	_ =	shalt  }
0x6f: {  	_ =	shalt  }
0x70: {  	_ =	shalt  }
0x71: {  	_ =	shalt  }
0x72: {  	_ =	shalt  }
0x73: {  	_ =	shalt  }
0x74: {  	_ =	shalt  }
0x75: {  	_ =	shalt  }
0x76: {  	_ =	shalt  }
0x77: {  	_ =	shalt  }
0x78: {  	_ =	shalt  }
0x79: {  	_ =	shalt  }
0x7a: {  	_ =	shalt  }
0x7b: {  	_ =	shalt  }
0x7c: {  	_ =	shalt  }
0x7d: {  	_ =	shalt  }
0x7e: {  	_ =	shalt  }
0x7f: {  	_ =	shalt  }
0x80: {  	_ =	shalt  }
0x81: {  	_ =	shalt  }
0x82: {  	_ =	shalt  }
0x83: {  	_ =	shalt  }
0x84: {  	_ =	shalt  }
0x85: {  	_ =	shalt  }
0x86: {  	_ =	shalt  }
0x87: {  	_ =	shalt  }
.Lfunc_end0:
.L_simem_size_0:
called_computation.5_lowered:
.L_overlay_start_0:
0x88: {  	s2 =	sld [smem:$0x3FD9]  }
0x89: {  	s3 =	sld [smem:$0x3FFE];
	_ =	sdelay $0x1  }
0x8a: {  	s1 =	srdreg.scid  }
0x8b: {  	s0 =	sand.u32 $0x1, s1  }
0x8c: {  	s16 =	sshll.u32 s0, $0xA;
	s2 =	sadd.s32 s3, s2  }
0x8d: {  	s2 =	sadd.s32 s2, s16  }
0x8e: {  	[smem:$0x3FB7] =	sst s2  }
0x8f: {  	_ = 	snop  }
0x90: {  	(tm) =	ssettm $0x1  }
0x91: {  	s17 =	sld [smem:$0x3FFB];
	_ =	sdelay $0x3  }
0x92: {  	_ =	strace s17  }
0x93: {  	s2 =	sld [smem:$0x3FFC];
	_ =	sdelay $0x3  }
0x94: {  	_ =	strace s2  }
0x95: {  	s2 =	sld [smem:$0x3FFD];
	_ =	sdelay $0x3  }
0x96: {  	_ =	strace s2  }
0x97: {  	_ =	strace $0x8FFFFFFF  }
0x98: {  	s18 =	sld [smem:$0x3FDB];
	_ =	sdelay $0x1  }
0x99: {  	s19 =	simm.s32 $_scs_section_size  }
0x9a: {  	s4 =	simm.s32 $_size__tile_overlayer_lowered;
	s5 =	simm.s32 $_tile_overlayer_lowered  }
0x9b: {  	s22 =	simm.s32 $0x1BFF;
	s21 =	sshll.u32 s5, $0x1;
	s2 =	sadd.s32 s19, s18  }
0x9c: {  	s6 =	simm.s32 $0x0;
	s20 =	sshll.u32 s4, $0x1;
	s4 =	sadd.s32 s21, s2  }
0x9d: {  	[timem:s6], [sflag:s22] =	dma.local [hbm:s4], s20  }
0x9e: {  	_ =	swait.ge [sflag:s22], s20  }
0x9f: {  	s3 =	ssub.s32 $0x0, s20;
	[sflag:s22] =	ssyncset.done $0x0  }
0xa0: {  	[sflag:s22] =	ssyncadd.s32 s3;
	_ =	sdelay $0x1  }
0xa1: {  	s23 =	simm.s32 $0x1B8B  }
0xa2: {  	_ =	swait.ge [sflag:s23], $0x1  }
0xa3: {  	[sflag:s23] =	ssyncset.done $0x0  }
0xa4: {  	s25 =	simm.s32 $0x1B8E;
	s24 =	sld [smem:$0x3FFE];
	[sflag:s23] =	ssyncadd.s32 $0xFFFFFFFF  }
0xa5: {  	s26 =	simm.s32 $execute0_lowered;
	[smem:$0x3FD2] =	sst s25  }
0xa6: {  	s4 =	sshll.u32 s26, $0x1;
	_ =	strace $0x80000055;
	[dreg:$0x1] =	wrdreg $0xFFFFFFFF  }
0xa7: {  	s28 =	simm.s32 $_size_execute0_lowered;
	s2 =	sadd.s32 s2, s4;
	[dreg:$0x0] =	wrdreg $0x0  }
0xa8: {  	s4 =	sshll.u32 s28, $0x1;
	[dreg:$0x2] =	wrdreg s2  }
0xa9: {  	[dreg:$0x3] =	wrdreg s4  }
0xaa: {  	[dreg:$0x4] =	wrdreg $0xC0  }
0xab: {  	_ =	task [dreg:s6], $0x5FFFF  }
0xac: {  	[dreg:$0x1] =	wrdreg $0xFFFFFFFF  }
0xad: {  	[dreg:$0x0] =	wrdreg $0x60  }
0xae: {  	[dreg:$0x2] =	wrdreg s24  }
0xaf: {  	[dreg:$0x3] =	wrdreg $0x82000  }
0xb0: {  	[dreg:$0x4] =	wrdreg $0x9  }
0xb1: {  	_ =	task.clear_ibuf [dreg:s6], $0x5FFFF;
	_ =	strace $0x90000055  }
0xb2: {  	s29 =	simm.s32 $0x9;
	_ =	strace $0x80000057  }
0xb3: {  	_ =	swait.ge [sflag:s29], $0x1  }
0xb4: {  	[sflag:s29] =	ssyncadd.s32 $0xFFFFFFFF  }
0xb5: {  	_ =	strace $0x90000057  }
0xb6: {  	_ =	sfence  }
0xb7: {  	s30 =	sld [smem:$0x0];
	_ =	sdelay $0x2  }
0xb8: {  	s31 =	sshll.u32 s1, $0xD;
	s1 =	sshrl.u32 s1, $0x2  }
0xb9: {  	s3 =	sand.u32 $0x4000, s31;
	s1 =	sadd.s32 s1, s30  }
0xba: {  	s0 =	sor.u32 s3, s0;
	s1 =	sshll.u32 s1, $0x11  }
0xbb: {  	s0 =	sor.u32 s1, s0  }
0xbc: {  	s0 =	sadd.s32 $0x8F2B, s0  }
0xbd: {  	[sflag:s0] =	ssyncadd.remote.s32 $0x1  }
0xbe: {  	_ =	sfence.sel $0xFFFF  }
0xbf: {  	[dreg:$0x0] =	wrdreg $0xFFFFFFFF;
	(pc) =	sbr.abs _section_cstart, $3  }
0xc0: {  	[dreg:$0x1] =	wrdreg $0xFFFFFFFF  }
0xc1: {  	_ =	task.clear_ibuf [dreg:s6], $0x2FFFF;
	_ =	strace $0x9FFFFFFF  }
0xc2: {  	(tm) =	ssettm $0x7FFFFFFF  }
0xc3: {  	_ =	shalt  }
tec
execute0_lowered:
.L_overlay_start_1:
0x0: {  	(tag) =	ssettag $0x1  }
0x1: {  	s6 =	rddreg [dreg:$0x0]  }
0x2: {  	s2 =	rddreg [dreg:$0x1]  }
0x3: {  	s0 =	rddreg [dreg:$0x2];
	s3 =	simm.s32 $0x0;
	s4 =	srdreg.scid  }
0x4: {  	s1 =	stileid.u32;
	s16 =	simm.s32 $0x1;
	s17 =	simm.s32 $0x80  }
0x5: {  	s18 =	simm.s32 $0x200;
	s19 =	simm.s32 $0x2;
	s5 =	smul.u32 $0x2780, s1  }
0x6: {  	s20 =	simm.s32 $0x4200;
	s21 =	simm.s32 $0x3;
	s12 =	smul.u32 $0x4F000, s1  }
0x7: {  	s22 =	simm.s32 $0x4;
	s23 =	simm.s32 $0x180;
	s14 =	smul.u32 $0x50, s1  }
0x8: {  	[smem:$0x7FF] =	sst s3;
	s8 =	sand.u32 $0x1, s4;
	s29 =	smul.u32 $0xA00, s1  }
0x9: {  	s4 =	sadd.s32 $0x5E00, s6;
	s10 =	sadd.s32 $0xB9800, s6;
	s7 =	smul.u32 $0x27800, s8  }
0xa: {  	s13 =	sshll.u32 s1, $0x6;
	_ =	strace $0x80000056;
	s26 =	smul.u32 $0x500, s8  }
0xb: {  	s9 =	ssub.s32 $0x2, s8;
	s25 =	sshll.u32 s8, $0x4;
	s28 =	smul.u32 $0xA000, s8  }
0xc: {  	s11 =	sshrl.u32 s9, $0x1;
	s24 =	sshrl.u32 s12, $0x2;
	s7 =	sadd.s32 s5, s7  }
0xd: {  	s5 =	sadd.s32 $0x68000, s6;
	s9 =	ssub.s32 s9, s11;
	s11 =	sor.u32 s1, s25  }
0xe: {  	s15 =	sadd.s32 s24, s2;
	s12 =	sadd.s32 s14, s26;
	s31 =	sadd.s32 s28, s10  }
0xf: {  	s14 =	simm.s32 $0x7;
	s24 =	simm.s32 $0x5;
	s25 =	simm.s32 $0x6  }
0x10: {  	s26 =	simm.s32 $0x0;
	s7 =	sadd.s32 s7, s6;
	s6 =	sor.u32 $0x1C07, s13  }
0x11: {  	s11 =	smul.u32 $0xA00, s11;
	s8 =	smax.u32 s9, $0x1;
	s12 =	sshll.u32 s12, $0x5  }
0x12: {  	s13 =	sshrl.u32 s15, $0x3;
	s15 =	simm.s32 $0x100;
	s7 =	sadd.s32 $0xCD800, s7  }
0x13: {  	s30 =	sadd.s32 s12, s10;
	s12 =	sadd.s32 s29, s31;
	s9 =	sadd.s32 s10, s11  }
0x14: {  	s11 =	sadd.s32 $0x60, s30;
	s12 =	sadd.s32 $0x40, s12;
	s10 =	sadd.s32 $0x20, s9  }
.LBB2_1:
0x15: {  	[spmem:s13], [sflag:s6] =	dma.local [hbm:s5], $0x2780  }
0x16: {  	_ =	swait.ge [sflag:s14], $0x2780  }
0x17: {  	[sflag:s14] =	ssyncset.done $0x0  }
0x18: {  	[sflag:s14] =	ssyncadd.s32 $0xFFFFD880  }
0x19: {  	[bflag:$0x0] =	sbarrier.arrive $0xFFFF  }
0x1a: {  	[tilespmem:s3], [sflag:$0x1] =	stream.linear.gather [hbm4b:s9+s3], $0x100, $0x38;
	[tilespmem:$0x1BE00] =	vst v63  }
0x1b: {  	_ = 	snop  }
0x1c: {  	[tilespmem:s15], [sflag:$0x2] =	stream.linear.gather [hbm4b:s10+s3], $0x100, $0x38;
	[tilespmem:$0x1BE00] =	vst v63  }
0x1d: {  	_ =	swait.ge [sflag:s16], $0x100  }
0x1e: {  	[sflag:s16] =	ssyncset.done $0x0  }
0x1f: {  	[sflag:s16] =	ssyncadd.s32 $0xFFFFFF00  }
0x20: {  	[tilespmem:s18], [sflag:$0x3] =	stream.indirect.gather [hbm4b:s4+s17], $0x80, s3, s17, $0xb8;
	[tilespmem:$0x1BE00] =	vst v63  }
0x21: {  	_ =	swait.ge [sflag:s19], $0x100  }
0x22: {  	[sflag:s19] =	ssyncset.done $0x0  }
0x23: {  	[sflag:s19] =	ssyncadd.s32 $0xFFFFFF00  }
0x24: {  	[tilespmem:s20], [sflag:$0x4] =	stream.indirect.gather [hbm4b:s4+s17], $0x80, s15, s17, $0xb8;
	[tilespmem:$0x1BE00] =	vst v63  }
0x25: {  	_ =	swait.ge [sflag:s21], $0x4000  }
0x26: {  	[sflag:s21] =	ssyncset.done $0x0  }
0x27: {  	[sflag:s21] =	ssyncadd.s32 $0xFFFFC000  }
0x28: {  	[spmem:s2] =	stream.indirect.scatter.add.f32 [tilespmem:s18], [sflag:$0x5], $0x80, s17, s17, $0xb8;
	[tilespmem:$0x1BE00] =	vst v63  }
0x29: {  	_ =	swait.ge [sflag:s22], $0x4000  }
0x2a: {  	[sflag:s22] =	ssyncset.done $0x0  }
0x2b: {  	[sflag:s22] =	ssyncadd.s32 $0xFFFFC000  }
0x2c: {  	[spmem:s2] =	stream.indirect.scatter.add.f32 [tilespmem:s20], [sflag:$0x6], $0x80, s23, s17, $0xb8;
	[tilespmem:$0x1BE00] =	vst v63  }
0x2d: {  	_ =	swait.ge [sflag:s24], $0x4000  }
0x2e: {  	[sflag:s24] =	ssyncset.done $0x0  }
0x2f: {  	s28 =	sadd.s32 $0x0, s12;
	[sflag:s24] =	ssyncadd.s32 $0xFFFFC000  }
0x30: {  	[tilespmem:s3], [sflag:$0x1] =	stream.linear.gather [hbm4b:s28+s3], $0x100, $0x38;
	[tilespmem:$0x1BE00] =	vst v63  }
0x31: {  	_ =	swait.ge [sflag:s25], $0x4000  }
0x32: {  	[sflag:s25] =	ssyncset.done $0x0  }
0x33: {  	s28 =	sadd.s32 $0x0, s11;
	[sflag:s25] =	ssyncadd.s32 $0xFFFFC000  }
0x34: {  	[tilespmem:s15], [sflag:$0x2] =	stream.linear.gather [hbm4b:s28+s3], $0x100, $0x38;
	[tilespmem:$0x1BE00] =	vst v63  }
0x35: {  	_ =	swait.ge [sflag:s16], $0x100  }
0x36: {  	[sflag:s16] =	ssyncset.done $0x0  }
0x37: {  	[sflag:s16] =	ssyncadd.s32 $0xFFFFFF00  }
0x38: {  	[tilespmem:s18], [sflag:$0x3] =	stream.indirect.gather [hbm4b:s4+s17], $0x80, s3, s17, $0xb8;
	[tilespmem:$0x1BE00] =	vst v63  }
0x39: {  	_ =	swait.ge [sflag:s19], $0x100  }
0x3a: {  	[sflag:s19] =	ssyncset.done $0x0  }
0x3b: {  	[sflag:s19] =	ssyncadd.s32 $0xFFFFFF00  }
0x3c: {  	[tilespmem:s20], [sflag:$0x4] =	stream.indirect.gather [hbm4b:s4+s17], $0x80, s15, s17, $0xb8;
	[tilespmem:$0x1BE00] =	vst v63  }
0x3d: {  	_ =	swait.ge [sflag:s21], $0x4000  }
0x3e: {  	[sflag:s21] =	ssyncset.done $0x0  }
0x3f: {  	[sflag:s21] =	ssyncadd.s32 $0xFFFFC000  }
0x40: {  	[spmem:s2] =	stream.indirect.scatter.add.f32 [tilespmem:s18], [sflag:$0x5], $0x80, s17, s17, $0xb8;
	[tilespmem:$0x1BE00] =	vst v63  }
0x41: {  	_ =	swait.ge [sflag:s22], $0x4000  }
0x42: {  	[sflag:s22] =	ssyncset.done $0x0  }
0x43: {  	s28 =	simm.s32 $0x40;
	[sflag:s22] =	ssyncadd.s32 $0xFFFFC000  }
.LBB2_2:
0x44: {  	[spmem:s2] =	stream.indirect.scatter.add.f32 [tilespmem:s20], [sflag:$0x6], $0x80, s23, s17, $0xb8;
	[tilespmem:$0x1BE00] =	vst v63  }
0x45: {  	s29 =	smov.u32 s28  }
0x46: {  	p0 =	sne.s32 s28, $0x980;
	s28 =	sadd.s32 $0x40, s28;
	_ =	swait.ge [sflag:s24], $0x4000  }
0x47: {  	[sflag:s24] =	ssyncset.done $0x0  }
0x48: {  	s30 =	sadd.s32 s29, s12;
	[sflag:s24] =	ssyncadd.s32 $0xFFFFC000  }
0x49: {  	[tilespmem:s3], [sflag:$0x1] =	stream.linear.gather [hbm4b:s30+s3], $0x100, $0x38;
	[tilespmem:$0x1BE00] =	vst v63  }
0x4a: {  	_ =	swait.ge [sflag:s25], $0x4000  }
0x4b: {  	[sflag:s25] =	ssyncset.done $0x0  }
0x4c: {  	s29 =	sadd.s32 s29, s11;
	[sflag:s25] =	ssyncadd.s32 $0xFFFFC000  }
0x4d: {  	[tilespmem:s15], [sflag:$0x2] =	stream.linear.gather [hbm4b:s29+s3], $0x100, $0x38;
	[tilespmem:$0x1BE00] =	vst v63  }
0x4e: {  	_ =	swait.ge [sflag:s16], $0x100  }
0x4f: {  	[sflag:s16] =	ssyncset.done $0x0  }
0x50: {  	[sflag:s16] =	ssyncadd.s32 $0xFFFFFF00  }
0x51: {  	[tilespmem:s18], [sflag:$0x3] =	stream.indirect.gather [hbm4b:s4+s17], $0x80, s3, s17, $0xb8;
	[tilespmem:$0x1BE00] =	vst v63  }
0x52: {  	_ =	swait.ge [sflag:s19], $0x100  }
0x53: {  	[sflag:s19] =	ssyncset.done $0x0  }
0x54: {  	[sflag:s19] =	ssyncadd.s32 $0xFFFFFF00  }
0x55: {  	[tilespmem:s20], [sflag:$0x4] =	stream.indirect.gather [hbm4b:s4+s17], $0x80, s15, s17, $0xb8;
	[tilespmem:$0x1BE00] =	vst v63  }
0x56: {  	_ =	swait.ge [sflag:s21], $0x4000  }
0x57: {  	[sflag:s21] =	ssyncset.done $0x0  }
.Ltmp0:
0x58: {  	[sflag:s21] =	ssyncadd.s32 $0xFFFFC000;
	(pc) =	sbr.rel @p0 .LBB2_2-.Ltmp0, $4  }
0x59: {  	[spmem:s2] =	stream.indirect.scatter.add.f32 [tilespmem:s18], [sflag:$0x5], $0x80, s17, s17, $0xb8;
	[tilespmem:$0x1BE00] =	vst v63  }
0x5a: {  	_ =	swait.ge [sflag:s22], $0x4000  }
0x5b: {  	[sflag:s22] =	ssyncset.done $0x0  }
0x5c: {  	[sflag:s22] =	ssyncadd.s32 $0xFFFFC000  }
0x5d: {  	[spmem:s2] =	stream.indirect.scatter.add.f32 [tilespmem:s20], [sflag:$0x6], $0x80, s23, s17, $0xb8;
	[tilespmem:$0x1BE00] =	vst v63  }
0x5e: {  	_ =	swait.ge [sflag:s24], $0x4000  }
0x5f: {  	[sflag:s24] =	ssyncset.done $0x0  }
0x60: {  	[sflag:s24] =	ssyncadd.s32 $0xFFFFC000  }
0x61: {  	_ =	swait.ge [sflag:s25], $0x4000  }
0x62: {  	s26 =	sadd.s32 $0x1, s26;
	[sflag:s25] =	ssyncset.done $0x0  }
0x63: {  	p0 =	sne.s32 s26, s8;
	[sflag:s25] =	ssyncadd.s32 $0xFFFFC000  }
.Ltmp1:
0x64: {  	[bflag:$0x0] =	sbarrier.arrive $0xFFFF;
	(pc) =	sbr.rel @p0 .LBB2_1-.Ltmp1, $4  }
0x65: {  	[hbm:s7], [sflag:s6] =	dma.local [spmem:s13], $0x2780  }
0x66: {  	_ =	swait.ge [sflag:s14], $0x2780  }
0x67: {  	[sflag:s14] =	ssyncset.done $0x0  }
0x68: {  	[sflag:s14] =	ssyncadd.s32 $0xFFFFD880  }
0x69: {  	_ =	sfence.sel $0x180000  }
0x6a: {  	[bflag:$0x0] =	sbarrier.arrive $0xFFFF  }
0x6b: {  	p0 =	sne.s32 s1, $0x0;
	_ =	strace $0x90000056  }
0x6c: {  	s0 =	sadd.s32 @!p0 $0x100000, s0;
	[bflag:$0x2] =	sbarrier.arrive $0xFFFF  }
0x6d: {  	[sflag:s0] =	ssyncadd.tile.s32 @!p0 $0x1;
	_ =	shalt  }
.Lfunc_end2:
_tile_overlayer_lowered:
.L_overlay_start_2:
0x6e: {  	(tag) =	ssettag $0x2  }
0x6f: {  	s0 =	rddreg [dreg:$0x0];
	s2 =	stileid.u32  }
0x70: {  	s1 =	rddreg [dreg:$0x1];
	p0 =	sne.s32 s2, $0x0  }
0x71: {  	s3 =	rddreg [dreg:$0x2];
	[bflag:$0x3] =	sbarrier.arrive $0xFFFF;
	s2 =	simm.s32 @!p0 $0x1C07  }
0x72: {  	[timem:s3], [sflag:s2] =	dma.local @!p0 [hbm:s0], s1  }
0x73: {  	s0 =	simm.s32 @!p0 $0x7  }
0x74: {  	_ =	swait.ge @!p0 [sflag:s0], s1  }
0x75: {  	s1 =	ssub.s32 @!p0 $0x0, s1;
	[sflag:s0] =	ssyncset.done @!p0 $0x0  }
0x76: {  	[sflag:s0] =	ssyncadd.s32 @!p0 s1  }
0x77: {  	[bflag:$0x3] =	sbarrier.arrive $0xFFFF  }
0x78: {  	_ =	shalt  }

</sc_bundles>
